<compile_context>
chip_gen: v7x
topology: tpu7x:2x2x1
jax: 0.10.2.dev20260603
libtpu: 0.0.44.dev20260713+nightly
codegen_flags: <defaults>
</compile_context>

<pallas_src>
import functools
import jax
import jax.numpy as jnp
from jax import lax
from jax.experimental import pallas as pl
from jax.experimental.pallas import tpu as pltpu
from jax.experimental.pallas import tpu_sc as plsc

_N = 10000
_E = 320000
_NW = 32
_ET = _E // _NW
_C = 100
_NCH = _ET // _C
_ROWS = _E // _C
_RPT = 1000
_ZT = _N // _RPT


def _edge_sc(G, s2d, d2d, Pp, Qp, zer):
    mesh = plsc.VectorSubcoreMesh(core_axis_name="c", subcore_axis_name="s")
    NPAIR = _NCH // 2
    PF = 2 * _C * 16

    @functools.partial(
        pl.kernel,
        mesh=mesh,
        compiler_params=pltpu.CompilerParams(use_tc_tiling_on_sc=False),
        out_type=[
            jax.ShapeDtypeStruct((_E * 16,), jnp.float32),
            jax.ShapeDtypeStruct((2, _N, 32), jnp.float32),
        ],
        scratch_types=[
            pltpu.VMEM((_NCH, _C), jnp.int32),
            pltpu.VMEM((_NCH, _C), jnp.int32),
            pltpu.VMEM((2, 2, _C, 32), jnp.float32),
            pltpu.VMEM((2, 2, _C, 32), jnp.float32),
            pltpu.VMEM((2, PF), jnp.float32),
            pltpu.VMEM((2, PF), jnp.float32),
            pltpu.VMEM((2, 2, _C, 32), jnp.float32),
            pltpu.VMEM((2, 2, _C, 32), jnp.float32),
            pltpu.VMEM((2, PF), jnp.float32),
            pltpu.VMEM_SHARED((_N, 32), jnp.float32),
            pltpu.SemaphoreType.DMA,
            pltpu.SemaphoreType.DMA,
            pltpu.SemaphoreType.DMA,
            pltpu.SemaphoreType.DMA,
        ],
    )
    def k(G_h, s_h, d_h, P_h, Q_h, z_h, eres_h, S2_h,
          sidx, didx, gsb, gdb, pb, qb, ub, vb, rb, sacc,
          semg, semp, semo, semo2):
        cid = lax.axis_index("c")
        sid = lax.axis_index("s")
        wid = sid * 2 + cid
        pltpu.sync_copy(s_h.at[wid], sidx)
        pltpu.sync_copy(d_h.at[wid], didx)

        @pl.when(sid < _ZT)
        def _():
            pltpu.sync_copy(z_h, sacc.at[pl.ds(sid * _RPT, _RPT)])

        ones = jnp.ones((16,), jnp.float32)

        def initrow(r, carry):
            for sl in (0, 1):
                for j in (0, 1):
                    ub[sl, j, r, pl.ds(16, 16)] = ones
                    vb[sl, j, r, pl.ds(16, 16)] = ones
            return carry

        lax.fori_loop(0, _C, initrow, 0)
        plsc.subcore_barrier()

        pbase = wid * NPAIR

        def in_copies(pr_i, sl):
            gp = pbase + pr_i
            cps = [pltpu.make_async_copy(P_h.at[pl.ds(gp * PF, PF)],
                                         pb.at[sl], semp),
                   pltpu.make_async_copy(Q_h.at[pl.ds(gp * PF, PF)],
                                         qb.at[sl], semp)]
            for j in (0, 1):
                ci = 2 * pr_i + j
                cps.append(pltpu.make_async_copy(G_h.at[sidx.at[ci]],
                                                 gsb.at[sl].at[j], semg))
                cps.append(pltpu.make_async_copy(G_h.at[didx.at[ci]],
                                                 gdb.at[sl].at[j], semg))
            return cps

        def out_copies(pr_i, sl):
            gp = pbase + pr_i
            cps = [pltpu.make_async_copy(rb.at[sl],
                                         eres_h.at[pl.ds(gp * PF, PF)], semo)]
            for j in (0, 1):
                ci = 2 * pr_i + j
                cps.append(pltpu.make_async_copy(ub.at[sl].at[j],
                                                 sacc.at[didx.at[ci]], semo2))
                cps.append(pltpu.make_async_copy(vb.at[sl].at[j],
                                                 sacc.at[sidx.at[ci]], semo2))
            return cps

        def start_out(pr_i, sl):
            cps = out_copies(pr_i, sl)
            cps[0].start()
            for cp in cps[1:]:
                cp.start(add=True)

        for cp in in_copies(0, 0) + in_copies(1, 1):
            cp.start()

        def quad(g, carry):
            for sl in (0, 1):
                pr_i = 2 * g + sl
                for cp in in_copies(pr_i, sl):
                    cp.wait()

                @pl.when(g > 0)
                def _():
                    for cp in out_copies(pr_i - 2, sl):
                        cp.wait()

                for j in (0, 1):
                    off = j * (_C * 16)

                    def row(r, c2, sl=sl, j=j, off=off):
                        pr = pb[sl, pl.ds(off + r * 16, 16)]
                        ub[sl, j, r, pl.ds(0, 16)] = gsb[sl, j, r, pl.ds(0, 16)] + pr
                        vb[sl, j, r, pl.ds(0, 16)] = gdb[sl, j, r, pl.ds(0, 16)] + pr
                        rb[sl, pl.ds(off + r * 16, 16)] = (
                            gsb[sl, j, r, pl.ds(16, 16)]
                            + gdb[sl, j, r, pl.ds(16, 16)]
                            + qb[sl, pl.ds(off + r * 16, 16)])
                        return c2

                    lax.fori_loop(0, _C, row, 0)
                start_out(pr_i, sl)

                @pl.when(g + 1 < NPAIR // 2)
                def _():
                    for cp in in_copies(pr_i + 2, sl):
                        cp.start()

            return carry

        lax.fori_loop(0, NPAIR // 2, quad, 0)
        for sl in (0, 1):
            for cp in out_copies(NPAIR - 2 + sl, sl):
                cp.wait()
        plsc.subcore_barrier()

        @pl.when(sid < _ZT)
        def _():
            pltpu.sync_copy(sacc.at[pl.ds(sid * _RPT, _RPT)],
                            S2_h.at[cid, pl.ds(sid * _RPT, _RPT)])

    return k(G, s2d, d2d, Pp, Qp, zer)


def _node_table(x, W48):
    def body(x_ref, w_ref, o_ref):
        o_ref[...] = jnp.dot(x_ref[...], w_ref[...],
                             preferred_element_type=jnp.float32)

    return pl.pallas_call(
        body,
        grid=(5,),
        in_specs=[pl.BlockSpec((2000, 128), lambda i: (i, 0)),
                  pl.BlockSpec((128, 48), lambda i: (0, 0))],
        out_specs=pl.BlockSpec((2000, 48), lambda i: (i, 0)),
        out_shape=jax.ShapeDtypeStruct((_N, 48), jnp.float32),
    )(x, W48)


def _pq(eap, WrBig, r0t, bedt):
    BP = 5000

    def body(ea_ref, wr_ref, r0_ref, bd_ref, p_ref, q_ref):
        blk = ea_ref[...]
        pv = jnp.dot(blk, wr_ref[...],
                     preferred_element_type=jnp.float32) + r0_ref[...]
        p_ref[...] = pv
        q_ref[...] = pv + bd_ref[...] + blk

    return pl.pallas_call(
        body,
        grid=(_E // 8 // BP,),
        in_specs=[pl.BlockSpec((BP, 128), lambda i: (i, 0)),
                  pl.BlockSpec((128, 128), lambda i: (0, 0)),
                  pl.BlockSpec((1, 128), lambda i: (0, 0)),
                  pl.BlockSpec((1, 128), lambda i: (0, 0))],
        out_specs=[pl.BlockSpec((BP, 128), lambda i: (i, 0)),
                   pl.BlockSpec((BP, 128), lambda i: (i, 0))],
        out_shape=[jax.ShapeDtypeStruct((_E // 8, 128), jnp.float32),
                   jax.ShapeDtypeStruct((_E // 8, 128), jnp.float32)],
    )(eap, WrBig, r0t, bedt)


def _node_update(x, S2, XW, bed, W1, W2, cvec, Wnd, bnd):
    B = 2000

    def body(x_ref, s2_ref, xw_ref, bed_ref, w1_ref, w2_ref, cv_ref,
             wnd_ref, bd_ref, o_ref, ns_ref, sw_ref):
        i = pl.program_id(0)
        xb = x_ref[...]
        s2 = s2_ref[...]
        ss = s2[0] + s2[1]
        cnt = ss[:, 16:17]
        xbw = xw_ref[:, 32:48]
        swf = ss[:, 0:16] + cnt * xbw
        mloc = swf / jnp.maximum(cnt, 1.0) + bed_ref[...] * (cnt > 0)
        pre = jnp.dot(xb, w1_ref[...], preferred_element_type=jnp.float32)
        pre = pre + jnp.dot(mloc, w2_ref[...],
                            preferred_element_type=jnp.float32)
        pre = pre + cv_ref[...]
        pre = jnp.dot(pre, wnd_ref[...],
                      preferred_element_type=jnp.float32) + bd_ref[...]
        o_ref[...] = pre + xb

        @pl.when(i == 0)
        def _():
            ns_ref[...] = jnp.zeros_like(ns_ref)
            sw_ref[...] = jnp.zeros_like(sw_ref)

        ns_ref[...] += jnp.sum(pre, axis=0, keepdims=True)
        sw_ref[...] += jnp.sum(swf, axis=0, keepdims=True)

    return pl.pallas_call(
        body,
        grid=(_N // B,),
        in_specs=[pl.BlockSpec((B, 128), lambda i: (i, 0)),
                  pl.BlockSpec((2, B, 32), lambda i: (0, i, 0)),
                  pl.BlockSpec((B, 48), lambda i: (i, 0)),
                  pl.BlockSpec((1, 16), lambda i: (0, 0)),
                  pl.BlockSpec((128, 32), lambda i: (0, 0)),
                  pl.BlockSpec((16, 32), lambda i: (0, 0)),
                  pl.BlockSpec((1, 32), lambda i: (0, 0)),
                  pl.BlockSpec((32, 128), lambda i: (0, 0)),
                  pl.BlockSpec((1, 128), lambda i: (0, 0))],
        out_specs=[pl.BlockSpec((B, 128), lambda i: (i, 0)),
                   pl.BlockSpec((1, 128), lambda i: (0, 0)),
                   pl.BlockSpec((1, 16), lambda i: (0, 0))],
        out_shape=[jax.ShapeDtypeStruct((_N, 128), jnp.float32),
                   jax.ShapeDtypeStruct((1, 128), jnp.float32),
                   jax.ShapeDtypeStruct((1, 16), jnp.float32)],
    )(x, S2, XW, bed, W1, W2, cvec, Wnd, bnd)


def _s2s_pass(xm, q, B):
    M, d = xm.shape

    def body(x_ref, q_ref, o_ref, m_sc, s_sc, r_acc):
        i = pl.program_id(0)

        @pl.when(i == 0)
        def _():
            m_sc[0, 0] = -1e30
            s_sc[0, 0] = 0.0
            r_acc[...] = jnp.zeros_like(r_acc)

        blk = x_ref[...]
        scv = jnp.sum(blk * q_ref[...], axis=1, keepdims=True)
        bm = jnp.max(scv)
        m_old = m_sc[0, 0]
        m_new = jnp.maximum(m_old, bm)
        scale = jnp.exp(m_old - m_new)
        pvec = jnp.exp(scv - m_new)
        s_sc[0, 0] = s_sc[0, 0] * scale + jnp.sum(pvec)
        r_acc[...] = r_acc[...] * scale + jnp.sum(pvec * blk, axis=0,
                                                  keepdims=True)
        m_sc[0, 0] = m_new

        @pl.when(i == pl.num_programs(0) - 1)
        def _():
            o_ref[...] = r_acc[...] / s_sc[0, 0]

    return pl.pallas_call(
        body,
        grid=(M // B,),
        in_specs=[pl.BlockSpec((B, d), lambda i: (i, 0)),
                  pl.BlockSpec((1, d), lambda i: (0, 0))],
        out_specs=pl.BlockSpec((1, d), lambda i: (0, 0)),
        out_shape=jax.ShapeDtypeStruct((1, d), jnp.float32),
        scratch_shapes=[pltpu.SMEM((1, 1), jnp.float32),
                        pltpu.SMEM((1, 1), jnp.float32),
                        pltpu.VMEM((1, d), jnp.float32)],
    )(xm, q)


def _s2s_pass_packed(xp, Qmat, Sel, B):
    R = xp.shape[0]

    def body(x_ref, qm_ref, sel_ref, o_ref, m_sc, s_sc, r_acc):
        i = pl.program_id(0)

        @pl.when(i == 0)
        def _():
            m_sc[0, 0] = -1e30
            s_sc[0, 0] = 0.0
            r_acc[...] = jnp.zeros_like(r_acc)

        blk = x_ref[...]
        scv = jnp.dot(blk, qm_ref[...], preferred_element_type=jnp.float32)
        bm = jnp.max(scv)
        m_old = m_sc[0, 0]
        m_new = jnp.maximum(m_old, bm)
        scale = jnp.exp(m_old - m_new)
        pvec = jnp.exp(scv - m_new)
        s_sc[0, 0] = s_sc[0, 0] * scale + jnp.sum(pvec)
        wlane = jnp.dot(pvec, sel_ref[...], preferred_element_type=jnp.float32)
        r_acc[...] = r_acc[...] * scale + jnp.sum(wlane * blk, axis=0,
                                                  keepdims=True)
        m_sc[0, 0] = m_new

        @pl.when(i == pl.num_programs(0) - 1)
        def _():
            o_ref[...] = r_acc[...] / s_sc[0, 0]

    return pl.pallas_call(
        body,
        grid=(R // B,),
        in_specs=[pl.BlockSpec((B, 128), lambda i: (i, 0)),
                  pl.BlockSpec((128, 8), lambda i: (0, 0)),
                  pl.BlockSpec((8, 128), lambda i: (0, 0))],
        out_specs=pl.BlockSpec((1, 128), lambda i: (0, 0)),
        out_shape=jax.ShapeDtypeStruct((1, 128), jnp.float32),
        scratch_shapes=[pltpu.SMEM((1, 1), jnp.float32),
                        pltpu.SMEM((1, 1), jnp.float32),
                        pltpu.VMEM((1, 128), jnp.float32)],
    )(xp, Qmat, Sel)


def _set2set_packed(xp, Wih, Whh, bih, bhh, B):
    d = 16
    lane = jnp.arange(128)
    Sel = (lane[None, :] // 16 == jnp.arange(8)[:, None]).astype(jnp.float32)
    qtile = Sel * 1.0
    q_star = jnp.zeros((1, 2 * d), jnp.float32)
    h = jnp.zeros((1, d), jnp.float32)
    c = jnp.zeros((1, d), jnp.float32)
    for _ in range(3):
        gates = q_star @ Wih + bih + h @ Whh + bhh
        ig, fg, gg, og = jnp.split(gates, 4, axis=-1)
        c = jax.nn.sigmoid(fg) * c + jax.nn.sigmoid(ig) * jnp.tanh(gg)
        h = jax.nn.sigmoid(og) * jnp.tanh(c)
        Qmat = (Sel * jnp.tile(h[0], 8)[None, :]).T
        r128 = _s2s_pass_packed(xp, Qmat, Sel, B)
        r = jnp.sum(r128.reshape(8, 16), axis=0, keepdims=True)
        q_star = jnp.concatenate([h, r], axis=-1)
    return q_star


def _set2set(x, Wih, Whh, bih, bhh, B):
    d = x.shape[1]
    q_star = jnp.zeros((1, 2 * d), x.dtype)
    h = jnp.zeros((1, d), x.dtype)
    c = jnp.zeros((1, d), x.dtype)
    for _ in range(3):
        gates = q_star @ Wih + bih + h @ Whh + bhh
        ig, fg, gg, og = jnp.split(gates, 4, axis=-1)
        c = jax.nn.sigmoid(fg) * c + jax.nn.sigmoid(ig) * jnp.tanh(gg)
        h = jax.nn.sigmoid(og) * jnp.tanh(c)
        r = _s2s_pass(x, h, B)
        q_star = jnp.concatenate([h, r], axis=-1)
    return q_star


def kernel(node_features, edge_index, edge_features, global_features, params):
    x = node_features
    ea = edge_features
    g = global_features
    p = params
    We1, Wed = p['We1'], p['Wed']

    A16 = We1[:128] @ Wed
    B16 = We1[128:256] @ Wed
    W48 = jnp.concatenate([A16, (A16 + B16) * 0.5, B16], axis=1)
    XW = _node_table(x, W48)
    G = XW[:, :32]
    xbw = XW[:, 32:48]

    r0 = (g @ We1[272:304] + p['be1']) @ Wed
    Wr = We1[256:272] @ Wed
    WrBig = jnp.kron(jnp.eye(8, dtype=jnp.float32), Wr)
    eap = ea.reshape(_E // 8, 128)
    Pp, Qp = _pq(eap, WrBig, jnp.tile(r0[0], 8)[None, :],
                 jnp.tile(p['bed'], 8)[None, :])

    s2d = edge_index[0].reshape(_NW, _NCH, _C)
    d2d = edge_index[1].reshape(_NW, _NCH, _C)
    zer = jnp.zeros((_RPT, 32), jnp.float32)
    eres1, S2 = _edge_sc(G, s2d, d2d, Pp.reshape(-1), Qp.reshape(-1), zer)
    eres_pack = eres1.reshape(_E // 8, 128)

    Wn1 = p['Wn1']
    cvec = g @ Wn1[144:176] + p['bn1'][None, :]
    n_new, nsum, swsum = _node_update(x, S2, XW, p['bed'][None, :],
                                      Wn1[:128], Wn1[128:144], cvec,
                                      p['Wnd'], p['bnd'][None, :])
    e_mean = swsum / (2 * _E) + p['bed']
    n_mean = nsum / _N

    g_in = jnp.concatenate([e_mean, n_mean, g], axis=1)
    g_new = (g_in @ p['Wg1'] + p['bg1']) @ p['Wgd'] + p['bgd'] + g

    s2s_n = _set2set(n_new, p['Wih_n'], p['Whh_n'], p['bih_n'], p['bhh_n'], 2000)
    s2s_e = _set2set_packed(eres_pack, p['Wih_e'], p['Whh_e'], p['bih_e'],
                            p['bhh_e'], 10000)

    out = jnp.concatenate([s2s_n[0], s2s_e[0], g_new[0]], axis=0)
    out = out @ p['Wd1'] + p['bd1']
    out = out @ p['Wd2'] + p['bd2']
    return out @ p['Wout'] + p['bout']

# --- scband reference (transcript-rebuilt; emitter-appended) ---
"""Pipeline reference for scband-megnet-2697239462209 (READ-ONLY COPY).

The authoritative reference and input builder live on the scoring server;
editing this copy changes nothing except your own understanding.
"""

import jax, jax.numpy as jnp
import numpy as np

N_NODES = 10000
N_EDGES = 320000
F_N = 128
F_E = 16
F_G = 32


def _p(key, shape):
    return jax.random.normal(key, shape, dtype=jnp.float32) * 0.05


def make_params(key):
    ks = jax.random.split(key, 13)
    p = {}
    p['We1'] = _p(ks[0], (2 * F_N + F_E + F_G, 32)); p['be1'] = jnp.zeros((32,), jnp.float32)
    p['Wn1'] = _p(ks[1], (F_N + F_E + F_G, 32)); p['bn1'] = jnp.zeros((32,), jnp.float32)
    p['Wg1'] = _p(ks[2], (F_N + F_E + F_G, 32)); p['bg1'] = jnp.zeros((32,), jnp.float32)
    p['Wed'] = _p(ks[3], (32, F_E)); p['bed'] = jnp.zeros((F_E,), jnp.float32)
    p['Wnd'] = _p(ks[4], (32, F_N)); p['bnd'] = jnp.zeros((F_N,), jnp.float32)
    p['Wgd'] = _p(ks[5], (32, F_G)); p['bgd'] = jnp.zeros((F_G,), jnp.float32)
    p['Wih_n'] = _p(ks[6], (2 * F_N, 4 * F_N)); p['Whh_n'] = _p(ks[7], (F_N, 4 * F_N))
    p['bih_n'] = jnp.zeros((4 * F_N,), jnp.float32); p['bhh_n'] = jnp.zeros((4 * F_N,), jnp.float32)
    p['Wih_e'] = _p(ks[8], (2 * F_E, 4 * F_E)); p['Whh_e'] = _p(ks[9], (F_E, 4 * F_E))
    p['bih_e'] = jnp.zeros((4 * F_E,), jnp.float32); p['bhh_e'] = jnp.zeros((4 * F_E,), jnp.float32)
    p['Wd1'] = _p(ks[10], (2 * F_N + 2 * F_E + F_G, 32)); p['bd1'] = jnp.zeros((32,), jnp.float32)
    p['Wd2'] = _p(ks[11], (32, 16)); p['bd2'] = jnp.zeros((16,), jnp.float32)
    p['Wout'] = _p(ks[12], (16, 1)); p['bout'] = jnp.zeros((1,), jnp.float32)
    return p


def setup_inputs(seed: int = 0):
    key = jax.random.key(seed)
    k1, k2, k3, k4, k5 = jax.random.split(key, 5)
    return {
        'node_features': jax.random.normal(k1, (N_NODES, F_N), dtype=jnp.float32),
        'edge_index': jax.random.randint(k2, (2, N_EDGES), 0, N_NODES, dtype=jnp.int32),
        'edge_features': jax.random.normal(k3, (N_EDGES, F_E), dtype=jnp.float32),
        'global_features': jax.random.normal(k4, (1, F_G), dtype=jnp.float32),
        'params': make_params(k5),
    }


def _scatter_mean(vals, idx, num_segments):
    s = jax.ops.segment_sum(vals, idx, num_segments=num_segments)
    cnt = jax.ops.segment_sum(jnp.ones((vals.shape[0], 1), vals.dtype), idx, num_segments=num_segments)
    return s / jnp.maximum(cnt, 1.0)


def _lstm_step(x, h, c, Wih, Whh, bih, bhh):
    gates = x @ Wih + bih + h @ Whh + bhh
    i, f, g, o = jnp.split(gates, 4, axis=-1)
    c = jax.nn.sigmoid(f) * c + jax.nn.sigmoid(i) * jnp.tanh(g)
    h = jax.nn.sigmoid(o) * jnp.tanh(c)
    return h, c


def _set2set(x, Wih, Whh, bih, bhh, steps=3):
    d = x.shape[1]
    q_star = jnp.zeros((1, 2 * d), x.dtype)
    h = jnp.zeros((1, d), x.dtype)
    c = jnp.zeros((1, d), x.dtype)
    for _ in range(steps):
        h, c = _lstm_step(q_star, h, c, Wih, Whh, bih, bhh)
        q = h
        e = jnp.sum(x * q, axis=-1)
        a = jax.nn.softmax(e)
        r = jnp.sum(a[:, None] * x, axis=0, keepdims=True)
        q_star = jnp.concatenate([q, r], axis=-1)
    return q_star


def _forward(node_features, edge_index, edge_features, global_features, p):
    x, ea, g = node_features, edge_features, global_features
    n = x.shape[0]
    e_cnt = ea.shape[0]
    # GN block (deepchem GraphNetwork, is_undirected=True, residual_connection=True)
    ei = jnp.concatenate([edge_index, edge_index[::-1]], axis=1)
    ea2 = jnp.concatenate([ea, ea], axis=0)
    src, dst = ei[0], ei[1]
    g_edge = jnp.broadcast_to(g, (ea2.shape[0], g.shape[1]))
    e_in = jnp.concatenate([jnp.take(x, src, axis=0), jnp.take(x, dst, axis=0), ea2, g_edge], axis=1)
    e_new = (e_in @ p['We1'] + p['be1']) @ p['Wed'] + p['bed']
    e_mean_by_node = _scatter_mean(e_new, dst, n)
    g_node = jnp.broadcast_to(g, (n, g.shape[1]))
    n_in = jnp.concatenate([x, e_mean_by_node, g_node], axis=1)
    n_new = (n_in @ p['Wn1'] + p['bn1']) @ p['Wnd'] + p['bnd']
    e_mean = jnp.mean(e_new, axis=0, keepdims=True)
    n_mean = jnp.mean(n_new, axis=0, keepdims=True)
    g_in = jnp.concatenate([e_mean, n_mean, g], axis=1)
    g_new = (g_in @ p['Wg1'] + p['bg1']) @ p['Wgd'] + p['bgd']
    e_new = (e_new[:e_cnt] + e_new[e_cnt:]) * 0.5 + ea
    n_new = n_new + x
    g_new = g_new + g
    # Set2Set readout over single-graph batch (batch ids all zero)
    s2s_n = _set2set(n_new, p['Wih_n'], p['Whh_n'], p['bih_n'], p['bhh_n'])
    s2s_e = _set2set(e_new, p['Wih_e'], p['Whh_e'], p['bih_e'], p['bhh_e'])
    out = jnp.concatenate([s2s_n[0], s2s_e[0], g_new[0]], axis=0)
    out = out @ p['Wd1'] + p['bd1']
    out = out @ p['Wd2'] + p['bd2']
    return out @ p['Wout'] + p['bout']


def reference(node_features, edge_index, edge_features, global_features, params):
    return _forward(node_features, edge_index, edge_features, global_features, params)

if __name__ == "__main__":
    import jax
    _d = setup_inputs()
    print(jax.jit(kernel)(*tuple(_d.values())))

</pallas_src>

<mosaic_0001>
#map = affine_map<(d0, d1) -> (0, 0)>
#map1 = affine_map<(d0, d1) -> (0, 0, 0)>
#map2 = affine_map<(d0, d1) -> (0)>
module attributes {stable_mosaic.version = 14 : i64} {
  func.func @k(%arg0: i32, %arg1: i32, %arg2: memref<10000x32xf32, #tpu.memory_space<hbm>>, %arg3: memref<32x100x100xi32, #tpu.memory_space<hbm>>, %arg4: memref<32x100x100xi32, #tpu.memory_space<hbm>>, %arg5: memref<5120000xf32, #tpu.memory_space<hbm>>, %arg6: memref<5120000xf32, #tpu.memory_space<hbm>>, %arg7: memref<1000x32xf32, #tpu.memory_space<hbm>>, %arg8: memref<5120000xf32, #tpu.memory_space<hbm>>, %arg9: memref<2x10000x32xf32, #tpu.memory_space<hbm>>, %arg10: memref<100x100xi32, #tpu.memory_space<vmem>>, %arg11: memref<100x100xi32, #tpu.memory_space<vmem>>, %arg12: memref<2x2x100x32xf32, #tpu.memory_space<vmem>>, %arg13: memref<2x2x100x32xf32, #tpu.memory_space<vmem>>, %arg14: memref<2x3200xf32, #tpu.memory_space<vmem>>, %arg15: memref<2x3200xf32, #tpu.memory_space<vmem>>, %arg16: memref<2x2x100x32xf32, #tpu.memory_space<vmem>>, %arg17: memref<2x2x100x32xf32, #tpu.memory_space<vmem>>, %arg18: memref<2x3200xf32, #tpu.memory_space<vmem>>, %arg19: memref<10000x32xf32, #tpu.memory_space<vmem_shared>>, %arg20: memref<!tpu.dma_semaphore, #tpu.memory_space<semaphore_mem>>, %arg21: memref<!tpu.dma_semaphore, #tpu.memory_space<semaphore_mem>>, %arg22: memref<!tpu.dma_semaphore, #tpu.memory_space<semaphore_mem>>, %arg23: memref<!tpu.dma_semaphore, #tpu.memory_space<semaphore_mem>>) attributes {dimension_semantics = [#tpu.dimension_semantics<core_parallel>, #tpu.dimension_semantics<subcore_parallel>], iteration_bounds = array<i64: 2, 16>, scalar_prefetch = 0 : i64, scratch_operands = 14 : i64, tpu.core_type = #tpu.core_type<sc_vector_subcore>, window_params = [{transform_indices = #map}, {transform_indices = #map1}, {transform_indices = #map1}, {transform_indices = #map2}, {transform_indices = #map2}, {transform_indices = #map}, {transform_indices = #map2}, {transform_indices = #map1}]} {
    %mul3A = arith.constant 2 : i32
    %mul3A_0 = arith.muli %arg1, %mul3A : i32
    %add3A = arith.addi %mul3A_0, %arg0 : i32
    "tpu.region"() ({
      %run_scoped3A = tpu.sem_alloc : memref<!tpu.dma_semaphore, #tpu.memory_space<semaphore_mem>>
      %dma_start3A_383 = arith.constant 0 : i32
      %dma_start3A_384 = arith.constant 0 : i32
      %dma_start3A_385 = tpu.memref_slice %arg3[%add3A, %dma_start3A_383, %dma_start3A_384] : memref<32x100x100xi32, #tpu.memory_space<hbm>> -> memref<1x100x100xi32, #tpu.memory_space<hbm>>
      %dma_start3A_386 = tpu.memref_squeeze %dma_start3A_385 : memref<1x100x100xi32, #tpu.memory_space<hbm>> -> memref<100x100xi32, #tpu.memory_space<hbm>>
      %dma_start3A_387 = arith.constant 0 : i32
      %dma_start3A_388 = arith.constant 0 : i32
      %dma_start3A_389 = tpu.memref_slice %arg3[%add3A, %dma_start3A_387, %dma_start3A_388] : memref<32x100x100xi32, #tpu.memory_space<hbm>> -> memref<1x100x100xi32, #tpu.memory_space<hbm>>
      %dma_start3A_390 = tpu.memref_squeeze %dma_start3A_389 : memref<1x100x100xi32, #tpu.memory_space<hbm>> -> memref<100x100xi32, #tpu.memory_space<hbm>>
      tpu.enqueue_dma source(%dma_start3A_390 : memref<100x100xi32, #tpu.memory_space<hbm>>) target(%arg10 : memref<100x100xi32, #tpu.memory_space<vmem>>) target_semaphore(%run_scoped3A : memref<!tpu.dma_semaphore, #tpu.memory_space<semaphore_mem>>)
      %dma_wait3A_391 = arith.constant 0 : i32
      %dma_wait3A_392 = arith.constant 0 : i32
      %dma_wait3A_393 = tpu.memref_slice %arg3[%add3A, %dma_wait3A_391, %dma_wait3A_392] : memref<32x100x100xi32, #tpu.memory_space<hbm>> -> memref<1x100x100xi32, #tpu.memory_space<hbm>>
      %dma_wait3A_394 = tpu.memref_squeeze %dma_wait3A_393 : memref<1x100x100xi32, #tpu.memory_space<hbm>> -> memref<100x100xi32, #tpu.memory_space<hbm>>
      %dma_wait3A_395 = arith.constant 0 : i32
      %dma_wait3A_396 = arith.constant 0 : i32
      %dma_wait3A_397 = tpu.memref_slice %arg3[%add3A, %dma_wait3A_395, %dma_wait3A_396] : memref<32x100x100xi32, #tpu.memory_space<hbm>> -> memref<1x100x100xi32, #tpu.memory_space<hbm>>
      %dma_wait3A_398 = tpu.memref_squeeze %dma_wait3A_397 : memref<1x100x100xi32, #tpu.memory_space<hbm>> -> memref<100x100xi32, #tpu.memory_space<hbm>>
      tpu.wait_dma2 semaphore(%run_scoped3A : memref<!tpu.dma_semaphore, #tpu.memory_space<semaphore_mem>>) src(%dma_wait3A_398 : memref<100x100xi32, #tpu.memory_space<hbm>>) dst(%arg10 : memref<100x100xi32, #tpu.memory_space<vmem>>)
      tpu.yield
    }) : () -> ()
    "tpu.region"() ({
      %run_scoped3A = tpu.sem_alloc : memref<!tpu.dma_semaphore, #tpu.memory_space<semaphore_mem>>
      %dma_start3A_383 = arith.constant 0 : i32
      %dma_start3A_384 = arith.constant 0 : i32
      %dma_start3A_385 = tpu.memref_slice %arg4[%add3A, %dma_start3A_383, %dma_start3A_384] : memref<32x100x100xi32, #tpu.memory_space<hbm>> -> memref<1x100x100xi32, #tpu.memory_space<hbm>>
      %dma_start3A_386 = tpu.memref_squeeze %dma_start3A_385 : memref<1x100x100xi32, #tpu.memory_space<hbm>> -> memref<100x100xi32, #tpu.memory_space<hbm>>
      %dma_start3A_387 = arith.constant 0 : i32
      %dma_start3A_388 = arith.constant 0 : i32
      %dma_start3A_389 = tpu.memref_slice %arg4[%add3A, %dma_start3A_387, %dma_start3A_388] : memref<32x100x100xi32, #tpu.memory_space<hbm>> -> memref<1x100x100xi32, #tpu.memory_space<hbm>>
      %dma_start3A_390 = tpu.memref_squeeze %dma_start3A_389 : memref<1x100x100xi32, #tpu.memory_space<hbm>> -> memref<100x100xi32, #tpu.memory_space<hbm>>
      tpu.enqueue_dma source(%dma_start3A_390 : memref<100x100xi32, #tpu.memory_space<hbm>>) target(%arg11 : memref<100x100xi32, #tpu.memory_space<vmem>>) target_semaphore(%run_scoped3A : memref<!tpu.dma_semaphore, #tpu.memory_space<semaphore_mem>>)
      %dma_wait3A_391 = arith.constant 0 : i32
      %dma_wait3A_392 = arith.constant 0 : i32
      %dma_wait3A_393 = tpu.memref_slice %arg4[%add3A, %dma_wait3A_391, %dma_wait3A_392] : memref<32x100x100xi32, #tpu.memory_space<hbm>> -> memref<1x100x100xi32, #tpu.memory_space<hbm>>
      %dma_wait3A_394 = tpu.memref_squeeze %dma_wait3A_393 : memref<1x100x100xi32, #tpu.memory_space<hbm>> -> memref<100x100xi32, #tpu.memory_space<hbm>>
      %dma_wait3A_395 = arith.constant 0 : i32
      %dma_wait3A_396 = arith.constant 0 : i32
      %dma_wait3A_397 = tpu.memref_slice %arg4[%add3A, %dma_wait3A_395, %dma_wait3A_396] : memref<32x100x100xi32, #tpu.memory_space<hbm>> -> memref<1x100x100xi32, #tpu.memory_space<hbm>>
      %dma_wait3A_398 = tpu.memref_squeeze %dma_wait3A_397 : memref<1x100x100xi32, #tpu.memory_space<hbm>> -> memref<100x100xi32, #tpu.memory_space<hbm>>
      tpu.wait_dma2 semaphore(%run_scoped3A : memref<!tpu.dma_semaphore, #tpu.memory_space<semaphore_mem>>) src(%dma_wait3A_398 : memref<100x100xi32, #tpu.memory_space<hbm>>) dst(%arg11 : memref<100x100xi32, #tpu.memory_space<vmem>>)
      tpu.yield
    }) : () -> ()
    %lt3A = arith.constant 10 : i32
    %lt3A_1 = arith.cmpi slt, %arg1, %lt3A : i32
    %convert_element_type3A = arith.extui %lt3A_1 : i1 to i32
    %cond3A = arith.constant 0 : i32
    %cond3A_2 = arith.cmpi ne, %convert_element_type3A, %cond3A : i32
    scf.if %cond3A_2 {
      %mul3A_383 = arith.constant 1000 : i32
      %mul3A_384 = arith.muli %arg1, %mul3A_383 : i32
      "tpu.region"() ({
        %run_scoped3A = tpu.sem_alloc : memref<!tpu.dma_semaphore, #tpu.memory_space<semaphore_mem>>
        %dma_start3A_385 = arith.constant 0 : i32
        %dma_start3A_386 = tpu.memref_slice %arg19[%mul3A_384, %dma_start3A_385] : memref<10000x32xf32, #tpu.memory_space<vmem_shared>> -> memref<1000x32xf32, #tpu.memory_space<vmem_shared>>
        tpu.enqueue_dma source(%arg7 : memref<1000x32xf32, #tpu.memory_space<hbm>>) target(%dma_start3A_386 : memref<1000x32xf32, #tpu.memory_space<vmem_shared>>) target_semaphore(%run_scoped3A : memref<!tpu.dma_semaphore, #tpu.memory_space<semaphore_mem>>)
        %dma_wait3A_387 = arith.constant 0 : i32
        %dma_wait3A_388 = tpu.memref_slice %arg19[%mul3A_384, %dma_wait3A_387] : memref<10000x32xf32, #tpu.memory_space<vmem_shared>> -> memref<1000x32xf32, #tpu.memory_space<vmem_shared>>
        tpu.wait_dma2 semaphore(%run_scoped3A : memref<!tpu.dma_semaphore, #tpu.memory_space<semaphore_mem>>) src(%arg7 : memref<1000x32xf32, #tpu.memory_space<hbm>>) dst(%dma_wait3A_388 : memref<1000x32xf32, #tpu.memory_space<vmem_shared>>)
        tpu.yield
      }) : () -> ()
    } else {
    }
    %broadcast_in_dim3A = arith.constant 1.000000e+00 : f32
    %broadcast_in_dim3A_3 = vector.broadcast %broadcast_in_dim3A : f32 to vector<16xf32>
    %scan3A = arith.constant 0 : i32
    %scan3A_4 = arith.constant 0 : i32
    %scan3A_5 = arith.constant 100 : i32
    %scan3A_6 = arith.addi %scan3A_4, %scan3A_5 : i32
    %scan3A_7 = arith.constant 1 : i32
    scf.for %scan3A_383 = %scan3A_4 to %scan3A_6 step %scan3A_7  : i32 {
      %swap3A = arith.constant 0 : i32
      %swap3A_384 = arith.constant 0 : i32
      %swap3A_385 = arith.index_cast %swap3A : i32 to index
      %swap3A_386 = arith.index_cast %swap3A_384 : i32 to index
      %swap3A_387 = arith.index_cast %scan3A_383 : i32 to index
      %swap3A_388 = arith.constant 16 : index
      %swap3A_389 = tpu.vector_load %arg16[%swap3A_385, %swap3A_386, %swap3A_387, %swap3A_388] {strides = array<i32>} : memref<2x2x100x32xf32, #tpu.memory_space<vmem>>, vector<1x1x1x16xf32>,
      %swap3A_390 = vector.shape_cast %swap3A_389 : vector<1x1x1x16xf32> to vector<16xf32>
      %swap3A_391 = vector.shape_cast %broadcast_in_dim3A_3 : vector<16xf32> to vector<1x1x1x16xf32>
      tpu.vector_store %arg16[%swap3A_385, %swap3A_386, %swap3A_387, %swap3A_388], %swap3A_391 {strides = array<i32>} : memref<2x2x100x32xf32, #tpu.memory_space<vmem>>, vector<1x1x1x16xf32>,
      %swap3A_392 = arith.constant 0 : i32
      %swap3A_393 = arith.constant 0 : i32
      %swap3A_394 = arith.index_cast %swap3A_392 : i32 to index
      %swap3A_395 = arith.index_cast %swap3A_393 : i32 to index
      %swap3A_396 = arith.index_cast %scan3A_383 : i32 to index
      %swap3A_397 = arith.constant 16 : index
      %swap3A_398 = tpu.vector_load %arg17[%swap3A_394, %swap3A_395, %swap3A_396, %swap3A_397] {strides = array<i32>} : memref<2x2x100x32xf32, #tpu.memory_space<vmem>>, vector<1x1x1x16xf32>,
      %swap3A_399 = vector.shape_cast %swap3A_398 : vector<1x1x1x16xf32> to vector<16xf32>
      %swap3A_400 = vector.shape_cast %broadcast_in_dim3A_3 : vector<16xf32> to vector<1x1x1x16xf32>
      tpu.vector_store %arg17[%swap3A_394, %swap3A_395, %swap3A_396, %swap3A_397], %swap3A_400 {strides = array<i32>} : memref<2x2x100x32xf32, #tpu.memory_space<vmem>>, vector<1x1x1x16xf32>,
      %swap3A_401 = arith.constant 0 : i32
      %swap3A_402 = arith.constant 1 : i32
      %swap3A_403 = arith.index_cast %swap3A_401 : i32 to index
      %swap3A_404 = arith.index_cast %swap3A_402 : i32 to index
      %swap3A_405 = arith.index_cast %scan3A_383 : i32 to index
      %swap3A_406 = arith.constant 16 : index
      %swap3A_407 = tpu.vector_load %arg16[%swap3A_403, %swap3A_404, %swap3A_405, %swap3A_406] {strides = array<i32>} : memref<2x2x100x32xf32, #tpu.memory_space<vmem>>, vector<1x1x1x16xf32>,
      %swap3A_408 = vector.shape_cast %swap3A_407 : vector<1x1x1x16xf32> to vector<16xf32>
      %swap3A_409 = vector.shape_cast %broadcast_in_dim3A_3 : vector<16xf32> to vector<1x1x1x16xf32>
      tpu.vector_store %arg16[%swap3A_403, %swap3A_404, %swap3A_405, %swap3A_406], %swap3A_409 {strides = array<i32>} : memref<2x2x100x32xf32, #tpu.memory_space<vmem>>, vector<1x1x1x16xf32>,
      %swap3A_410 = arith.constant 0 : i32
      %swap3A_411 = arith.constant 1 : i32
      %swap3A_412 = arith.index_cast %swap3A_410 : i32 to index
      %swap3A_413 = arith.index_cast %swap3A_411 : i32 to index
      %swap3A_414 = arith.index_cast %scan3A_383 : i32 to index
      %swap3A_415 = arith.constant 16 : index
      %swap3A_416 = tpu.vector_load %arg17[%swap3A_412, %swap3A_413, %swap3A_414, %swap3A_415] {strides = array<i32>} : memref<2x2x100x32xf32, #tpu.memory_space<vmem>>, vector<1x1x1x16xf32>,
      %swap3A_417 = vector.shape_cast %swap3A_416 : vector<1x1x1x16xf32> to vector<16xf32>
      %swap3A_418 = vector.shape_cast %broadcast_in_dim3A_3 : vector<16xf32> to vector<1x1x1x16xf32>
      tpu.vector_store %arg17[%swap3A_412, %swap3A_413, %swap3A_414, %swap3A_415], %swap3A_418 {strides = array<i32>} : memref<2x2x100x32xf32, #tpu.memory_space<vmem>>, vector<1x1x1x16xf32>,
      %swap3A_419 = arith.constant 1 : i32
      %swap3A_420 = arith.constant 0 : i32
      %swap3A_421 = arith.index_cast %swap3A_419 : i32 to index
      %swap3A_422 = arith.index_cast %swap3A_420 : i32 to index
      %swap3A_423 = arith.index_cast %scan3A_383 : i32 to index
      %swap3A_424 = arith.constant 16 : index
      %swap3A_425 = tpu.vector_load %arg16[%swap3A_421, %swap3A_422, %swap3A_423, %swap3A_424] {strides = array<i32>} : memref<2x2x100x32xf32, #tpu.memory_space<vmem>>, vector<1x1x1x16xf32>,
      %swap3A_426 = vector.shape_cast %swap3A_425 : vector<1x1x1x16xf32> to vector<16xf32>
      %swap3A_427 = vector.shape_cast %broadcast_in_dim3A_3 : vector<16xf32> to vector<1x1x1x16xf32>
      tpu.vector_store %arg16[%swap3A_421, %swap3A_422, %swap3A_423, %swap3A_424], %swap3A_427 {strides = array<i32>} : memref<2x2x100x32xf32, #tpu.memory_space<vmem>>, vector<1x1x1x16xf32>,
      %swap3A_428 = arith.constant 1 : i32
      %swap3A_429 = arith.constant 0 : i32
      %swap3A_430 = arith.index_cast %swap3A_428 : i32 to index
      %swap3A_431 = arith.index_cast %swap3A_429 : i32 to index
      %swap3A_432 = arith.index_cast %scan3A_383 : i32 to index
      %swap3A_433 = arith.constant 16 : index
      %swap3A_434 = tpu.vector_load %arg17[%swap3A_430, %swap3A_431, %swap3A_432, %swap3A_433] {strides = array<i32>} : memref<2x2x100x32xf32, #tpu.memory_space<vmem>>, vector<1x1x1x16xf32>,
      %swap3A_435 = vector.shape_cast %swap3A_434 : vector<1x1x1x16xf32> to vector<16xf32>
      %swap3A_436 = vector.shape_cast %broadcast_in_dim3A_3 : vector<16xf32> to vector<1x1x1x16xf32>
      tpu.vector_store %arg17[%swap3A_430, %swap3A_431, %swap3A_432, %swap3A_433], %swap3A_436 {strides = array<i32>} : memref<2x2x100x32xf32, #tpu.memory_space<vmem>>, vector<1x1x1x16xf32>,
      %swap3A_437 = arith.constant 1 : i32
      %swap3A_438 = arith.constant 1 : i32
      %swap3A_439 = arith.index_cast %swap3A_437 : i32 to index
      %swap3A_440 = arith.index_cast %swap3A_438 : i32 to index
      %swap3A_441 = arith.index_cast %scan3A_383 : i32 to index
      %swap3A_442 = arith.constant 16 : index
      %swap3A_443 = tpu.vector_load %arg16[%swap3A_439, %swap3A_440, %swap3A_441, %swap3A_442] {strides = array<i32>} : memref<2x2x100x32xf32, #tpu.memory_space<vmem>>, vector<1x1x1x16xf32>,
      %swap3A_444 = vector.shape_cast %swap3A_443 : vector<1x1x1x16xf32> to vector<16xf32>
      %swap3A_445 = vector.shape_cast %broadcast_in_dim3A_3 : vector<16xf32> to vector<1x1x1x16xf32>
      tpu.vector_store %arg16[%swap3A_439, %swap3A_440, %swap3A_441, %swap3A_442], %swap3A_445 {strides = array<i32>} : memref<2x2x100x32xf32, #tpu.memory_space<vmem>>, vector<1x1x1x16xf32>,
      %swap3A_446 = arith.constant 1 : i32
      %swap3A_447 = arith.constant 1 : i32
      %swap3A_448 = arith.index_cast %swap3A_446 : i32 to index
      %swap3A_449 = arith.index_cast %swap3A_447 : i32 to index
      %swap3A_450 = arith.index_cast %scan3A_383 : i32 to index
      %swap3A_451 = arith.constant 16 : index
      %swap3A_452 = tpu.vector_load %arg17[%swap3A_448, %swap3A_449, %swap3A_450, %swap3A_451] {strides = array<i32>} : memref<2x2x100x32xf32, #tpu.memory_space<vmem>>, vector<1x1x1x16xf32>,
      %swap3A_453 = vector.shape_cast %swap3A_452 : vector<1x1x1x16xf32> to vector<16xf32>
      %swap3A_454 = vector.shape_cast %broadcast_in_dim3A_3 : vector<16xf32> to vector<1x1x1x16xf32>
      tpu.vector_store %arg17[%swap3A_448, %swap3A_449, %swap3A_450, %swap3A_451], %swap3A_454 {strides = array<i32>} : memref<2x2x100x32xf32, #tpu.memory_space<vmem>>, vector<1x1x1x16xf32>,
    }
    %scan3A_8 = arith.constant 100 : i32
    %barrier3A = arith.constant 0 : index
    tpu.barrier barrier_id(%barrier3A)
    %mul3A_9 = arith.constant 50 : i32
    %mul3A_10 = arith.muli %add3A, %mul3A_9 : i32
    %add3A_11 = arith.constant 0 : i32
    %add3A_12 = arith.addi %mul3A_10, %add3A_11 : i32
    %mul3A_13 = arith.constant 3200 : i32
    %mul3A_14 = arith.muli %add3A_12, %mul3A_13 : i32
    %mul3A_15 = arith.constant 3200 : i32
    %mul3A_16 = arith.muli %add3A_12, %mul3A_15 : i32
    %add3A_17 = arith.constant 1 : i32
    %add3A_18 = arith.addi %mul3A_10, %add3A_17 : i32
    %mul3A_19 = arith.constant 3200 : i32
    %mul3A_20 = arith.muli %add3A_18, %mul3A_19 : i32
    %mul3A_21 = arith.constant 3200 : i32
    %mul3A_22 = arith.muli %add3A_18, %mul3A_21 : i32
    %dma_start3A = arith.constant 0 : i32
    %dma_start3A_23 = arith.constant 0 : i32
    %dma_start3A_24 = tpu.memref_slice %arg14[%dma_start3A, %dma_start3A_23] : memref<2x3200xf32, #tpu.memory_space<vmem>> -> memref<1x3200xf32, #tpu.memory_space<vmem>>
    %dma_start3A_25 = tpu.memref_squeeze %dma_start3A_24 : memref<1x3200xf32, #tpu.memory_space<vmem>> -> memref<3200xf32, #tpu.memory_space<vmem>>
    %dma_start3A_26 = tpu.memref_slice %arg5[%mul3A_14] : memref<5120000xf32, #tpu.memory_space<hbm>> -> memref<3200xf32, #tpu.memory_space<hbm>>
    %dma_start3A_27 = arith.constant 0 : i32
    %dma_start3A_28 = tpu.memref_slice %arg14[%dma_start3A, %dma_start3A_27] : memref<2x3200xf32, #tpu.memory_space<vmem>> -> memref<1x3200xf32, #tpu.memory_space<vmem>>
    %dma_start3A_29 = tpu.memref_squeeze %dma_start3A_28 : memref<1x3200xf32, #tpu.memory_space<vmem>> -> memref<3200xf32, #tpu.memory_space<vmem>>
    %dma_start3A_30 = tpu.memref_slice %arg5[%mul3A_14] : memref<5120000xf32, #tpu.memory_space<hbm>> -> memref<3200xf32, #tpu.memory_space<hbm>>
    tpu.enqueue_dma source(%dma_start3A_30 : memref<3200xf32, #tpu.memory_space<hbm>>) target(%dma_start3A_29 : memref<3200xf32, #tpu.memory_space<vmem>>) target_semaphore(%arg21 : memref<!tpu.dma_semaphore, #tpu.memory_space<semaphore_mem>>)
    %dma_start3A_31 = arith.constant 0 : i32
    %dma_start3A_32 = arith.constant 0 : i32
    %dma_start3A_33 = tpu.memref_slice %arg15[%dma_start3A_31, %dma_start3A_32] : memref<2x3200xf32, #tpu.memory_space<vmem>> -> memref<1x3200xf32, #tpu.memory_space<vmem>>
    %dma_start3A_34 = tpu.memref_squeeze %dma_start3A_33 : memref<1x3200xf32, #tpu.memory_space<vmem>> -> memref<3200xf32, #tpu.memory_space<vmem>>
    %dma_start3A_35 = tpu.memref_slice %arg6[%mul3A_16] : memref<5120000xf32, #tpu.memory_space<hbm>> -> memref<3200xf32, #tpu.memory_space<hbm>>
    %dma_start3A_36 = arith.constant 0 : i32
    %dma_start3A_37 = tpu.memref_slice %arg15[%dma_start3A_31, %dma_start3A_36] : memref<2x3200xf32, #tpu.memory_space<vmem>> -> memref<1x3200xf32, #tpu.memory_space<vmem>>
    %dma_start3A_38 = tpu.memref_squeeze %dma_start3A_37 : memref<1x3200xf32, #tpu.memory_space<vmem>> -> memref<3200xf32, #tpu.memory_space<vmem>>
    %dma_start3A_39 = tpu.memref_slice %arg6[%mul3A_16] : memref<5120000xf32, #tpu.memory_space<hbm>> -> memref<3200xf32, #tpu.memory_space<hbm>>
    tpu.enqueue_dma source(%dma_start3A_39 : memref<3200xf32, #tpu.memory_space<hbm>>) target(%dma_start3A_38 : memref<3200xf32, #tpu.memory_space<vmem>>) target_semaphore(%arg21 : memref<!tpu.dma_semaphore, #tpu.memory_space<semaphore_mem>>)
    %dma_start3A_40 = arith.constant 0 : i32
    %dma_start3A_41 = arith.constant 0 : i32
    %dma_start3A_42 = arith.constant 0 : i32
    %dma_start3A_43 = arith.constant 0 : i32
    %dma_start3A_44 = arith.constant 0 : i32
    %dma_start3A_45 = arith.constant 0 : i32
    %dma_start3A_46 = tpu.memref_slice %arg12[%dma_start3A_41, %dma_start3A_43, %dma_start3A_44, %dma_start3A_45] : memref<2x2x100x32xf32, #tpu.memory_space<vmem>> -> memref<1x2x100x32xf32, #tpu.memory_space<vmem>>
    %dma_start3A_47 = tpu.memref_squeeze %dma_start3A_46 : memref<1x2x100x32xf32, #tpu.memory_space<vmem>> -> memref<2x100x32xf32, #tpu.memory_space<vmem>>
    %dma_start3A_48 = arith.constant 0 : i32
    %dma_start3A_49 = arith.constant 0 : i32
    %dma_start3A_50 = tpu.memref_slice %dma_start3A_47[%dma_start3A_42, %dma_start3A_48, %dma_start3A_49] : memref<2x100x32xf32, #tpu.memory_space<vmem>> -> memref<1x100x32xf32, #tpu.memory_space<vmem>>
    %dma_start3A_51 = tpu.memref_squeeze %dma_start3A_50 : memref<1x100x32xf32, #tpu.memory_space<vmem>> -> memref<100x32xf32, #tpu.memory_space<vmem>>
    %dma_start3A_52 = arith.constant 0 : i32
    %dma_start3A_53 = tpu.memref_slice %arg10[%dma_start3A_40, %dma_start3A_52] : memref<100x100xi32, #tpu.memory_space<vmem>> -> memref<1x100xi32, #tpu.memory_space<vmem>>
    %dma_start3A_54 = tpu.memref_squeeze %dma_start3A_53 : memref<1x100xi32, #tpu.memory_space<vmem>> -> memref<100xi32, #tpu.memory_space<vmem>>
    %dma_start3A_55 = arith.constant 0 : i32
    %dma_start3A_56 = arith.constant 0 : i32
    %dma_start3A_57 = tpu.memref_slice %arg2[%dma_start3A_55, %dma_start3A_56] : memref<10000x32xf32, #tpu.memory_space<hbm>> -> memref<10000x32xf32, #tpu.memory_space<hbm>>
    tpu.enqueue_indirect_dma source(%dma_start3A_57 : memref<10000x32xf32, #tpu.memory_space<hbm>>) target(%dma_start3A_51 : memref<100x32xf32, #tpu.memory_space<vmem>>) offsets(%dma_start3A_54 : memref<100xi32, #tpu.memory_space<vmem>>) semaphore(%arg20 : memref<!tpu.dma_semaphore, #tpu.memory_space<semaphore_mem>>)
    %dma_start3A_58 = arith.constant 0 : i32
    %dma_start3A_59 = arith.constant 0 : i32
    %dma_start3A_60 = arith.constant 0 : i32
    %dma_start3A_61 = arith.constant 0 : i32
    %dma_start3A_62 = arith.constant 0 : i32
    %dma_start3A_63 = arith.constant 0 : i32
    %dma_start3A_64 = tpu.memref_slice %arg13[%dma_start3A_59, %dma_start3A_61, %dma_start3A_62, %dma_start3A_63] : memref<2x2x100x32xf32, #tpu.memory_space<vmem>> -> memref<1x2x100x32xf32, #tpu.memory_space<vmem>>
    %dma_start3A_65 = tpu.memref_squeeze %dma_start3A_64 : memref<1x2x100x32xf32, #tpu.memory_space<vmem>> -> memref<2x100x32xf32, #tpu.memory_space<vmem>>
    %dma_start3A_66 = arith.constant 0 : i32
    %dma_start3A_67 = arith.constant 0 : i32
    %dma_start3A_68 = tpu.memref_slice %dma_start3A_65[%dma_start3A_60, %dma_start3A_66, %dma_start3A_67] : memref<2x100x32xf32, #tpu.memory_space<vmem>> -> memref<1x100x32xf32, #tpu.memory_space<vmem>>
    %dma_start3A_69 = tpu.memref_squeeze %dma_start3A_68 : memref<1x100x32xf32, #tpu.memory_space<vmem>> -> memref<100x32xf32, #tpu.memory_space<vmem>>
    %dma_start3A_70 = arith.constant 0 : i32
    %dma_start3A_71 = tpu.memref_slice %arg11[%dma_start3A_58, %dma_start3A_70] : memref<100x100xi32, #tpu.memory_space<vmem>> -> memref<1x100xi32, #tpu.memory_space<vmem>>
    %dma_start3A_72 = tpu.memref_squeeze %dma_start3A_71 : memref<1x100xi32, #tpu.memory_space<vmem>> -> memref<100xi32, #tpu.memory_space<vmem>>
    %dma_start3A_73 = arith.constant 0 : i32
    %dma_start3A_74 = arith.constant 0 : i32
    %dma_start3A_75 = tpu.memref_slice %arg2[%dma_start3A_73, %dma_start3A_74] : memref<10000x32xf32, #tpu.memory_space<hbm>> -> memref<10000x32xf32, #tpu.memory_space<hbm>>
    tpu.enqueue_indirect_dma source(%dma_start3A_75 : memref<10000x32xf32, #tpu.memory_space<hbm>>) target(%dma_start3A_69 : memref<100x32xf32, #tpu.memory_space<vmem>>) offsets(%dma_start3A_72 : memref<100xi32, #tpu.memory_space<vmem>>) semaphore(%arg20 : memref<!tpu.dma_semaphore, #tpu.memory_space<semaphore_mem>>)
    %dma_start3A_76 = arith.constant 1 : i32
    %dma_start3A_77 = arith.constant 0 : i32
    %dma_start3A_78 = arith.constant 1 : i32
    %dma_start3A_79 = arith.constant 0 : i32
    %dma_start3A_80 = arith.constant 0 : i32
    %dma_start3A_81 = arith.constant 0 : i32
    %dma_start3A_82 = tpu.memref_slice %arg12[%dma_start3A_77, %dma_start3A_79, %dma_start3A_80, %dma_start3A_81] : memref<2x2x100x32xf32, #tpu.memory_space<vmem>> -> memref<1x2x100x32xf32, #tpu.memory_space<vmem>>
    %dma_start3A_83 = tpu.memref_squeeze %dma_start3A_82 : memref<1x2x100x32xf32, #tpu.memory_space<vmem>> -> memref<2x100x32xf32, #tpu.memory_space<vmem>>
    %dma_start3A_84 = arith.constant 0 : i32
    %dma_start3A_85 = arith.constant 0 : i32
    %dma_start3A_86 = tpu.memref_slice %dma_start3A_83[%dma_start3A_78, %dma_start3A_84, %dma_start3A_85] : memref<2x100x32xf32, #tpu.memory_space<vmem>> -> memref<1x100x32xf32, #tpu.memory_space<vmem>>
    %dma_start3A_87 = tpu.memref_squeeze %dma_start3A_86 : memref<1x100x32xf32, #tpu.memory_space<vmem>> -> memref<100x32xf32, #tpu.memory_space<vmem>>
    %dma_start3A_88 = arith.constant 0 : i32
    %dma_start3A_89 = tpu.memref_slice %arg10[%dma_start3A_76, %dma_start3A_88] : memref<100x100xi32, #tpu.memory_space<vmem>> -> memref<1x100xi32, #tpu.memory_space<vmem>>
    %dma_start3A_90 = tpu.memref_squeeze %dma_start3A_89 : memref<1x100xi32, #tpu.memory_space<vmem>> -> memref<100xi32, #tpu.memory_space<vmem>>
    %dma_start3A_91 = arith.constant 0 : i32
    %dma_start3A_92 = arith.constant 0 : i32
    %dma_start3A_93 = tpu.memref_slice %arg2[%dma_start3A_91, %dma_start3A_92] : memref<10000x32xf32, #tpu.memory_space<hbm>> -> memref<10000x32xf32, #tpu.memory_space<hbm>>
    tpu.enqueue_indirect_dma source(%dma_start3A_93 : memref<10000x32xf32, #tpu.memory_space<hbm>>) target(%dma_start3A_87 : memref<100x32xf32, #tpu.memory_space<vmem>>) offsets(%dma_start3A_90 : memref<100xi32, #tpu.memory_space<vmem>>) semaphore(%arg20 : memref<!tpu.dma_semaphore, #tpu.memory_space<semaphore_mem>>)
    %dma_start3A_94 = arith.constant 1 : i32
    %dma_start3A_95 = arith.constant 0 : i32
    %dma_start3A_96 = arith.constant 1 : i32
    %dma_start3A_97 = arith.constant 0 : i32
    %dma_start3A_98 = arith.constant 0 : i32
    %dma_start3A_99 = arith.constant 0 : i32
    %dma_start3A_100 = tpu.memref_slice %arg13[%dma_start3A_95, %dma_start3A_97, %dma_start3A_98, %dma_start3A_99] : memref<2x2x100x32xf32, #tpu.memory_space<vmem>> -> memref<1x2x100x32xf32, #tpu.memory_space<vmem>>
    %dma_start3A_101 = tpu.memref_squeeze %dma_start3A_100 : memref<1x2x100x32xf32, #tpu.memory_space<vmem>> -> memref<2x100x32xf32, #tpu.memory_space<vmem>>
    %dma_start3A_102 = arith.constant 0 : i32
    %dma_start3A_103 = arith.constant 0 : i32
    %dma_start3A_104 = tpu.memref_slice %dma_start3A_101[%dma_start3A_96, %dma_start3A_102, %dma_start3A_103] : memref<2x100x32xf32, #tpu.memory_space<vmem>> -> memref<1x100x32xf32, #tpu.memory_space<vmem>>
    %dma_start3A_105 = tpu.memref_squeeze %dma_start3A_104 : memref<1x100x32xf32, #tpu.memory_space<vmem>> -> memref<100x32xf32, #tpu.memory_space<vmem>>
    %dma_start3A_106 = arith.constant 0 : i32
    %dma_start3A_107 = tpu.memref_slice %arg11[%dma_start3A_94, %dma_start3A_106] : memref<100x100xi32, #tpu.memory_space<vmem>> -> memref<1x100xi32, #tpu.memory_space<vmem>>
    %dma_start3A_108 = tpu.memref_squeeze %dma_start3A_107 : memref<1x100xi32, #tpu.memory_space<vmem>> -> memref<100xi32, #tpu.memory_space<vmem>>
    %dma_start3A_109 = arith.constant 0 : i32
    %dma_start3A_110 = arith.constant 0 : i32
    %dma_start3A_111 = tpu.memref_slice %arg2[%dma_start3A_109, %dma_start3A_110] : memref<10000x32xf32, #tpu.memory_space<hbm>> -> memref<10000x32xf32, #tpu.memory_space<hbm>>
    tpu.enqueue_indirect_dma source(%dma_start3A_111 : memref<10000x32xf32, #tpu.memory_space<hbm>>) target(%dma_start3A_105 : memref<100x32xf32, #tpu.memory_space<vmem>>) offsets(%dma_start3A_108 : memref<100xi32, #tpu.memory_space<vmem>>) semaphore(%arg20 : memref<!tpu.dma_semaphore, #tpu.memory_space<semaphore_mem>>)
    %dma_start3A_112 = arith.constant 1 : i32
    %dma_start3A_113 = arith.constant 0 : i32
    %dma_start3A_114 = tpu.memref_slice %arg14[%dma_start3A_112, %dma_start3A_113] : memref<2x3200xf32, #tpu.memory_space<vmem>> -> memref<1x3200xf32, #tpu.memory_space<vmem>>
    %dma_start3A_115 = tpu.memref_squeeze %dma_start3A_114 : memref<1x3200xf32, #tpu.memory_space<vmem>> -> memref<3200xf32, #tpu.memory_space<vmem>>
    %dma_start3A_116 = tpu.memref_slice %arg5[%mul3A_20] : memref<5120000xf32, #tpu.memory_space<hbm>> -> memref<3200xf32, #tpu.memory_space<hbm>>
    %dma_start3A_117 = arith.constant 0 : i32
    %dma_start3A_118 = tpu.memref_slice %arg14[%dma_start3A_112, %dma_start3A_117] : memref<2x3200xf32, #tpu.memory_space<vmem>> -> memref<1x3200xf32, #tpu.memory_space<vmem>>
    %dma_start3A_119 = tpu.memref_squeeze %dma_start3A_118 : memref<1x3200xf32, #tpu.memory_space<vmem>> -> memref<3200xf32, #tpu.memory_space<vmem>>
    %dma_start3A_120 = tpu.memref_slice %arg5[%mul3A_20] : memref<5120000xf32, #tpu.memory_space<hbm>> -> memref<3200xf32, #tpu.memory_space<hbm>>
    tpu.enqueue_dma source(%dma_start3A_120 : memref<3200xf32, #tpu.memory_space<hbm>>) target(%dma_start3A_119 : memref<3200xf32, #tpu.memory_space<vmem>>) target_semaphore(%arg21 : memref<!tpu.dma_semaphore, #tpu.memory_space<semaphore_mem>>)
    %dma_start3A_121 = arith.constant 1 : i32
    %dma_start3A_122 = arith.constant 0 : i32
    %dma_start3A_123 = tpu.memref_slice %arg15[%dma_start3A_121, %dma_start3A_122] : memref<2x3200xf32, #tpu.memory_space<vmem>> -> memref<1x3200xf32, #tpu.memory_space<vmem>>
    %dma_start3A_124 = tpu.memref_squeeze %dma_start3A_123 : memref<1x3200xf32, #tpu.memory_space<vmem>> -> memref<3200xf32, #tpu.memory_space<vmem>>
    %dma_start3A_125 = tpu.memref_slice %arg6[%mul3A_22] : memref<5120000xf32, #tpu.memory_space<hbm>> -> memref<3200xf32, #tpu.memory_space<hbm>>
    %dma_start3A_126 = arith.constant 0 : i32
    %dma_start3A_127 = tpu.memref_slice %arg15[%dma_start3A_121, %dma_start3A_126] : memref<2x3200xf32, #tpu.memory_space<vmem>> -> memref<1x3200xf32, #tpu.memory_space<vmem>>
    %dma_start3A_128 = tpu.memref_squeeze %dma_start3A_127 : memref<1x3200xf32, #tpu.memory_space<vmem>> -> memref<3200xf32, #tpu.memory_space<vmem>>
    %dma_start3A_129 = tpu.memref_slice %arg6[%mul3A_22] : memref<5120000xf32, #tpu.memory_space<hbm>> -> memref<3200xf32, #tpu.memory_space<hbm>>
    tpu.enqueue_dma source(%dma_start3A_129 : memref<3200xf32, #tpu.memory_space<hbm>>) target(%dma_start3A_128 : memref<3200xf32, #tpu.memory_space<vmem>>) target_semaphore(%arg21 : memref<!tpu.dma_semaphore, #tpu.memory_space<semaphore_mem>>)
    %dma_start3A_130 = arith.constant 2 : i32
    %dma_start3A_131 = arith.constant 1 : i32
    %dma_start3A_132 = arith.constant 0 : i32
    %dma_start3A_133 = arith.constant 0 : i32
    %dma_start3A_134 = arith.constant 0 : i32
    %dma_start3A_135 = arith.constant 0 : i32
    %dma_start3A_136 = tpu.memref_slice %arg12[%dma_start3A_131, %dma_start3A_133, %dma_start3A_134, %dma_start3A_135] : memref<2x2x100x32xf32, #tpu.memory_space<vmem>> -> memref<1x2x100x32xf32, #tpu.memory_space<vmem>>
    %dma_start3A_137 = tpu.memref_squeeze %dma_start3A_136 : memref<1x2x100x32xf32, #tpu.memory_space<vmem>> -> memref<2x100x32xf32, #tpu.memory_space<vmem>>
    %dma_start3A_138 = arith.constant 0 : i32
    %dma_start3A_139 = arith.constant 0 : i32
    %dma_start3A_140 = tpu.memref_slice %dma_start3A_137[%dma_start3A_132, %dma_start3A_138, %dma_start3A_139] : memref<2x100x32xf32, #tpu.memory_space<vmem>> -> memref<1x100x32xf32, #tpu.memory_space<vmem>>
    %dma_start3A_141 = tpu.memref_squeeze %dma_start3A_140 : memref<1x100x32xf32, #tpu.memory_space<vmem>> -> memref<100x32xf32, #tpu.memory_space<vmem>>
    %dma_start3A_142 = arith.constant 0 : i32
    %dma_start3A_143 = tpu.memref_slice %arg10[%dma_start3A_130, %dma_start3A_142] : memref<100x100xi32, #tpu.memory_space<vmem>> -> memref<1x100xi32, #tpu.memory_space<vmem>>
    %dma_start3A_144 = tpu.memref_squeeze %dma_start3A_143 : memref<1x100xi32, #tpu.memory_space<vmem>> -> memref<100xi32, #tpu.memory_space<vmem>>
    %dma_start3A_145 = arith.constant 0 : i32
    %dma_start3A_146 = arith.constant 0 : i32
    %dma_start3A_147 = tpu.memref_slice %arg2[%dma_start3A_145, %dma_start3A_146] : memref<10000x32xf32, #tpu.memory_space<hbm>> -> memref<10000x32xf32, #tpu.memory_space<hbm>>
    tpu.enqueue_indirect_dma source(%dma_start3A_147 : memref<10000x32xf32, #tpu.memory_space<hbm>>) target(%dma_start3A_141 : memref<100x32xf32, #tpu.memory_space<vmem>>) offsets(%dma_start3A_144 : memref<100xi32, #tpu.memory_space<vmem>>) semaphore(%arg20 : memref<!tpu.dma_semaphore, #tpu.memory_space<semaphore_mem>>)
    %dma_start3A_148 = arith.constant 2 : i32
    %dma_start3A_149 = arith.constant 1 : i32
    %dma_start3A_150 = arith.constant 0 : i32
    %dma_start3A_151 = arith.constant 0 : i32
    %dma_start3A_152 = arith.constant 0 : i32
    %dma_start3A_153 = arith.constant 0 : i32
    %dma_start3A_154 = tpu.memref_slice %arg13[%dma_start3A_149, %dma_start3A_151, %dma_start3A_152, %dma_start3A_153] : memref<2x2x100x32xf32, #tpu.memory_space<vmem>> -> memref<1x2x100x32xf32, #tpu.memory_space<vmem>>
    %dma_start3A_155 = tpu.memref_squeeze %dma_start3A_154 : memref<1x2x100x32xf32, #tpu.memory_space<vmem>> -> memref<2x100x32xf32, #tpu.memory_space<vmem>>
    %dma_start3A_156 = arith.constant 0 : i32
    %dma_start3A_157 = arith.constant 0 : i32
    %dma_start3A_158 = tpu.memref_slice %dma_start3A_155[%dma_start3A_150, %dma_start3A_156, %dma_start3A_157] : memref<2x100x32xf32, #tpu.memory_space<vmem>> -> memref<1x100x32xf32, #tpu.memory_space<vmem>>
    %dma_start3A_159 = tpu.memref_squeeze %dma_start3A_158 : memref<1x100x32xf32, #tpu.memory_space<vmem>> -> memref<100x32xf32, #tpu.memory_space<vmem>>
    %dma_start3A_160 = arith.constant 0 : i32
    %dma_start3A_161 = tpu.memref_slice %arg11[%dma_start3A_148, %dma_start3A_160] : memref<100x100xi32, #tpu.memory_space<vmem>> -> memref<1x100xi32, #tpu.memory_space<vmem>>
    %dma_start3A_162 = tpu.memref_squeeze %dma_start3A_161 : memref<1x100xi32, #tpu.memory_space<vmem>> -> memref<100xi32, #tpu.memory_space<vmem>>
    %dma_start3A_163 = arith.constant 0 : i32
    %dma_start3A_164 = arith.constant 0 : i32
    %dma_start3A_165 = tpu.memref_slice %arg2[%dma_start3A_163, %dma_start3A_164] : memref<10000x32xf32, #tpu.memory_space<hbm>> -> memref<10000x32xf32, #tpu.memory_space<hbm>>
    tpu.enqueue_indirect_dma source(%dma_start3A_165 : memref<10000x32xf32, #tpu.memory_space<hbm>>) target(%dma_start3A_159 : memref<100x32xf32, #tpu.memory_space<vmem>>) offsets(%dma_start3A_162 : memref<100xi32, #tpu.memory_space<vmem>>) semaphore(%arg20 : memref<!tpu.dma_semaphore, #tpu.memory_space<semaphore_mem>>)
    %dma_start3A_166 = arith.constant 3 : i32
    %dma_start3A_167 = arith.constant 1 : i32
    %dma_start3A_168 = arith.constant 1 : i32
    %dma_start3A_169 = arith.constant 0 : i32
    %dma_start3A_170 = arith.constant 0 : i32
    %dma_start3A_171 = arith.constant 0 : i32
    %dma_start3A_172 = tpu.memref_slice %arg12[%dma_start3A_167, %dma_start3A_169, %dma_start3A_170, %dma_start3A_171] : memref<2x2x100x32xf32, #tpu.memory_space<vmem>> -> memref<1x2x100x32xf32, #tpu.memory_space<vmem>>
    %dma_start3A_173 = tpu.memref_squeeze %dma_start3A_172 : memref<1x2x100x32xf32, #tpu.memory_space<vmem>> -> memref<2x100x32xf32, #tpu.memory_space<vmem>>
    %dma_start3A_174 = arith.constant 0 : i32
    %dma_start3A_175 = arith.constant 0 : i32
    %dma_start3A_176 = tpu.memref_slice %dma_start3A_173[%dma_start3A_168, %dma_start3A_174, %dma_start3A_175] : memref<2x100x32xf32, #tpu.memory_space<vmem>> -> memref<1x100x32xf32, #tpu.memory_space<vmem>>
    %dma_start3A_177 = tpu.memref_squeeze %dma_start3A_176 : memref<1x100x32xf32, #tpu.memory_space<vmem>> -> memref<100x32xf32, #tpu.memory_space<vmem>>
    %dma_start3A_178 = arith.constant 0 : i32
    %dma_start3A_179 = tpu.memref_slice %arg10[%dma_start3A_166, %dma_start3A_178] : memref<100x100xi32, #tpu.memory_space<vmem>> -> memref<1x100xi32, #tpu.memory_space<vmem>>
    %dma_start3A_180 = tpu.memref_squeeze %dma_start3A_179 : memref<1x100xi32, #tpu.memory_space<vmem>> -> memref<100xi32, #tpu.memory_space<vmem>>
    %dma_start3A_181 = arith.constant 0 : i32
    %dma_start3A_182 = arith.constant 0 : i32
    %dma_start3A_183 = tpu.memref_slice %arg2[%dma_start3A_181, %dma_start3A_182] : memref<10000x32xf32, #tpu.memory_space<hbm>> -> memref<10000x32xf32, #tpu.memory_space<hbm>>
    tpu.enqueue_indirect_dma source(%dma_start3A_183 : memref<10000x32xf32, #tpu.memory_space<hbm>>) target(%dma_start3A_177 : memref<100x32xf32, #tpu.memory_space<vmem>>) offsets(%dma_start3A_180 : memref<100xi32, #tpu.memory_space<vmem>>) semaphore(%arg20 : memref<!tpu.dma_semaphore, #tpu.memory_space<semaphore_mem>>)
    %dma_start3A_184 = arith.constant 3 : i32
    %dma_start3A_185 = arith.constant 1 : i32
    %dma_start3A_186 = arith.constant 1 : i32
    %dma_start3A_187 = arith.constant 0 : i32
    %dma_start3A_188 = arith.constant 0 : i32
    %dma_start3A_189 = arith.constant 0 : i32
    %dma_start3A_190 = tpu.memref_slice %arg13[%dma_start3A_185, %dma_start3A_187, %dma_start3A_188, %dma_start3A_189] : memref<2x2x100x32xf32, #tpu.memory_space<vmem>> -> memref<1x2x100x32xf32, #tpu.memory_space<vmem>>
    %dma_start3A_191 = tpu.memref_squeeze %dma_start3A_190 : memref<1x2x100x32xf32, #tpu.memory_space<vmem>> -> memref<2x100x32xf32, #tpu.memory_space<vmem>>
    %dma_start3A_192 = arith.constant 0 : i32
    %dma_start3A_193 = arith.constant 0 : i32
    %dma_start3A_194 = tpu.memref_slice %dma_start3A_191[%dma_start3A_186, %dma_start3A_192, %dma_start3A_193] : memref<2x100x32xf32, #tpu.memory_space<vmem>> -> memref<1x100x32xf32, #tpu.memory_space<vmem>>
    %dma_start3A_195 = tpu.memref_squeeze %dma_start3A_194 : memref<1x100x32xf32, #tpu.memory_space<vmem>> -> memref<100x32xf32, #tpu.memory_space<vmem>>
    %dma_start3A_196 = arith.constant 0 : i32
    %dma_start3A_197 = tpu.memref_slice %arg11[%dma_start3A_184, %dma_start3A_196] : memref<100x100xi32, #tpu.memory_space<vmem>> -> memref<1x100xi32, #tpu.memory_space<vmem>>
    %dma_start3A_198 = tpu.memref_squeeze %dma_start3A_197 : memref<1x100xi32, #tpu.memory_space<vmem>> -> memref<100xi32, #tpu.memory_space<vmem>>
    %dma_start3A_199 = arith.constant 0 : i32
    %dma_start3A_200 = arith.constant 0 : i32
    %dma_start3A_201 = tpu.memref_slice %arg2[%dma_start3A_199, %dma_start3A_200] : memref<10000x32xf32, #tpu.memory_space<hbm>> -> memref<10000x32xf32, #tpu.memory_space<hbm>>
    tpu.enqueue_indirect_dma source(%dma_start3A_201 : memref<10000x32xf32, #tpu.memory_space<hbm>>) target(%dma_start3A_195 : memref<100x32xf32, #tpu.memory_space<vmem>>) offsets(%dma_start3A_198 : memref<100xi32, #tpu.memory_space<vmem>>) semaphore(%arg20 : memref<!tpu.dma_semaphore, #tpu.memory_space<semaphore_mem>>)
    %scan3A_202 = arith.constant 0 : i32
    %scan3A_203 = arith.constant 0 : i32
    %scan3A_204 = arith.constant 25 : i32
    %scan3A_205 = arith.addi %scan3A_203, %scan3A_204 : i32
    %scan3A_206 = arith.constant 1 : i32
    scf.for %scan3A_383 = %scan3A_203 to %scan3A_205 step %scan3A_206  : i32 {
      %mul3A_384 = arith.constant 2 : i32
      %mul3A_385 = arith.muli %mul3A_384, %scan3A_383 : i32
      %add3A_386 = arith.constant 0 : i32
      %add3A_387 = arith.addi %mul3A_385, %add3A_386 : i32
      %add3A_388 = arith.addi %mul3A_10, %add3A_387 : i32
      %mul3A_389 = arith.constant 3200 : i32
      %mul3A_390 = arith.muli %add3A_388, %mul3A_389 : i32
      %mul3A_391 = arith.constant 3200 : i32
      %mul3A_392 = arith.muli %add3A_388, %mul3A_391 : i32
      %mul3A_393 = arith.constant 2 : i32
      %mul3A_394 = arith.muli %mul3A_393, %add3A_387 : i32
      %add3A_395 = arith.constant 0 : i32
      %add3A_396 = arith.addi %mul3A_394, %add3A_395 : i32
      %mul3A_397 = arith.constant 2 : i32
      %mul3A_398 = arith.muli %mul3A_397, %add3A_387 : i32
      %add3A_399 = arith.constant 1 : i32
      %add3A_400 = arith.addi %mul3A_398, %add3A_399 : i32
      %dma_wait3A_401 = arith.constant 0 : i32
      %dma_wait3A_402 = arith.constant 0 : i32
      %dma_wait3A_403 = tpu.memref_slice %arg14[%dma_wait3A_401, %dma_wait3A_402] : memref<2x3200xf32, #tpu.memory_space<vmem>> -> memref<1x3200xf32, #tpu.memory_space<vmem>>
      %dma_wait3A_404 = tpu.memref_squeeze %dma_wait3A_403 : memref<1x3200xf32, #tpu.memory_space<vmem>> -> memref<3200xf32, #tpu.memory_space<vmem>>
      %dma_wait3A_405 = tpu.memref_slice %arg5[%mul3A_390] : memref<5120000xf32, #tpu.memory_space<hbm>> -> memref<3200xf32, #tpu.memory_space<hbm>>
      %dma_wait3A_406 = arith.constant 0 : i32
      %dma_wait3A_407 = tpu.memref_slice %arg14[%dma_wait3A_401, %dma_wait3A_406] : memref<2x3200xf32, #tpu.memory_space<vmem>> -> memref<1x3200xf32, #tpu.memory_space<vmem>>
      %dma_wait3A_408 = tpu.memref_squeeze %dma_wait3A_407 : memref<1x3200xf32, #tpu.memory_space<vmem>> -> memref<3200xf32, #tpu.memory_space<vmem>>
      %dma_wait3A_409 = tpu.memref_slice %arg5[%mul3A_390] : memref<5120000xf32, #tpu.memory_space<hbm>> -> memref<3200xf32, #tpu.memory_space<hbm>>
      tpu.wait_dma2 semaphore(%arg21 : memref<!tpu.dma_semaphore, #tpu.memory_space<semaphore_mem>>) src(%dma_wait3A_409 : memref<3200xf32, #tpu.memory_space<hbm>>) dst(%dma_wait3A_408 : memref<3200xf32, #tpu.memory_space<vmem>>)
      %dma_wait3A_410 = arith.constant 0 : i32
      %dma_wait3A_411 = arith.constant 0 : i32
      %dma_wait3A_412 = tpu.memref_slice %arg15[%dma_wait3A_410, %dma_wait3A_411] : memref<2x3200xf32, #tpu.memory_space<vmem>> -> memref<1x3200xf32, #tpu.memory_space<vmem>>
      %dma_wait3A_413 = tpu.memref_squeeze %dma_wait3A_412 : memref<1x3200xf32, #tpu.memory_space<vmem>> -> memref<3200xf32, #tpu.memory_space<vmem>>
      %dma_wait3A_414 = tpu.memref_slice %arg6[%mul3A_392] : memref<5120000xf32, #tpu.memory_space<hbm>> -> memref<3200xf32, #tpu.memory_space<hbm>>
      %dma_wait3A_415 = arith.constant 0 : i32
      %dma_wait3A_416 = tpu.memref_slice %arg15[%dma_wait3A_410, %dma_wait3A_415] : memref<2x3200xf32, #tpu.memory_space<vmem>> -> memref<1x3200xf32, #tpu.memory_space<vmem>>
      %dma_wait3A_417 = tpu.memref_squeeze %dma_wait3A_416 : memref<1x3200xf32, #tpu.memory_space<vmem>> -> memref<3200xf32, #tpu.memory_space<vmem>>
      %dma_wait3A_418 = tpu.memref_slice %arg6[%mul3A_392] : memref<5120000xf32, #tpu.memory_space<hbm>> -> memref<3200xf32, #tpu.memory_space<hbm>>
      tpu.wait_dma2 semaphore(%arg21 : memref<!tpu.dma_semaphore, #tpu.memory_space<semaphore_mem>>) src(%dma_wait3A_418 : memref<3200xf32, #tpu.memory_space<hbm>>) dst(%dma_wait3A_417 : memref<3200xf32, #tpu.memory_space<vmem>>)
      %dma_wait3A_419 = arith.constant 0 : i32
      %dma_wait3A_420 = arith.constant 0 : i32
      %dma_wait3A_421 = arith.constant 0 : i32
      %dma_wait3A_422 = arith.constant 0 : i32
      %dma_wait3A_423 = arith.constant 0 : i32
      %dma_wait3A_424 = tpu.memref_slice %arg12[%dma_wait3A_419, %dma_wait3A_421, %dma_wait3A_422, %dma_wait3A_423] : memref<2x2x100x32xf32, #tpu.memory_space<vmem>> -> memref<1x2x100x32xf32, #tpu.memory_space<vmem>>
      %dma_wait3A_425 = tpu.memref_squeeze %dma_wait3A_424 : memref<1x2x100x32xf32, #tpu.memory_space<vmem>> -> memref<2x100x32xf32, #tpu.memory_space<vmem>>
      %dma_wait3A_426 = arith.constant 0 : i32
      %dma_wait3A_427 = arith.constant 0 : i32
      %dma_wait3A_428 = tpu.memref_slice %dma_wait3A_425[%dma_wait3A_420, %dma_wait3A_426, %dma_wait3A_427] : memref<2x100x32xf32, #tpu.memory_space<vmem>> -> memref<1x100x32xf32, #tpu.memory_space<vmem>>
      %dma_wait3A_429 = tpu.memref_squeeze %dma_wait3A_428 : memref<1x100x32xf32, #tpu.memory_space<vmem>> -> memref<100x32xf32, #tpu.memory_space<vmem>>
      %dma_wait3A_430 = arith.constant 0 : i32
      %dma_wait3A_431 = tpu.memref_slice %arg10[%add3A_396, %dma_wait3A_430] : memref<100x100xi32, #tpu.memory_space<vmem>> -> memref<1x100xi32, #tpu.memory_space<vmem>>
      %dma_wait3A_432 = tpu.memref_squeeze %dma_wait3A_431 : memref<1x100xi32, #tpu.memory_space<vmem>> -> memref<100xi32, #tpu.memory_space<vmem>>
      %dma_wait3A_433 = arith.constant 0 : i32
      %dma_wait3A_434 = arith.constant 0 : i32
      %dma_wait3A_435 = tpu.memref_slice %arg2[%dma_wait3A_433, %dma_wait3A_434] : memref<10000x32xf32, #tpu.memory_space<hbm>> -> memref<10000x32xf32, #tpu.memory_space<hbm>>
      tpu.wait_indirect_dma semaphore(%arg20 : memref<!tpu.dma_semaphore, #tpu.memory_space<semaphore_mem>>) src(%dma_wait3A_435 : memref<10000x32xf32, #tpu.memory_space<hbm>>) dst(%dma_wait3A_429 : memref<100x32xf32, #tpu.memory_space<vmem>>)
      %dma_wait3A_436 = arith.constant 0 : i32
      %dma_wait3A_437 = arith.constant 0 : i32
      %dma_wait3A_438 = arith.constant 0 : i32
      %dma_wait3A_439 = arith.constant 0 : i32
      %dma_wait3A_440 = arith.constant 0 : i32
      %dma_wait3A_441 = tpu.memref_slice %arg13[%dma_wait3A_436, %dma_wait3A_438, %dma_wait3A_439, %dma_wait3A_440] : memref<2x2x100x32xf32, #tpu.memory_space<vmem>> -> memref<1x2x100x32xf32, #tpu.memory_space<vmem>>
      %dma_wait3A_442 = tpu.memref_squeeze %dma_wait3A_441 : memref<1x2x100x32xf32, #tpu.memory_space<vmem>> -> memref<2x100x32xf32, #tpu.memory_space<vmem>>
      %dma_wait3A_443 = arith.constant 0 : i32
      %dma_wait3A_444 = arith.constant 0 : i32
      %dma_wait3A_445 = tpu.memref_slice %dma_wait3A_442[%dma_wait3A_437, %dma_wait3A_443, %dma_wait3A_444] : memref<2x100x32xf32, #tpu.memory_space<vmem>> -> memref<1x100x32xf32, #tpu.memory_space<vmem>>
      %dma_wait3A_446 = tpu.memref_squeeze %dma_wait3A_445 : memref<1x100x32xf32, #tpu.memory_space<vmem>> -> memref<100x32xf32, #tpu.memory_space<vmem>>
      %dma_wait3A_447 = arith.constant 0 : i32
      %dma_wait3A_448 = tpu.memref_slice %arg11[%add3A_396, %dma_wait3A_447] : memref<100x100xi32, #tpu.memory_space<vmem>> -> memref<1x100xi32, #tpu.memory_space<vmem>>
      %dma_wait3A_449 = tpu.memref_squeeze %dma_wait3A_448 : memref<1x100xi32, #tpu.memory_space<vmem>> -> memref<100xi32, #tpu.memory_space<vmem>>
      %dma_wait3A_450 = arith.constant 0 : i32
      %dma_wait3A_451 = arith.constant 0 : i32
      %dma_wait3A_452 = tpu.memref_slice %arg2[%dma_wait3A_450, %dma_wait3A_451] : memref<10000x32xf32, #tpu.memory_space<hbm>> -> memref<10000x32xf32, #tpu.memory_space<hbm>>
      tpu.wait_indirect_dma semaphore(%arg20 : memref<!tpu.dma_semaphore, #tpu.memory_space<semaphore_mem>>) src(%dma_wait3A_452 : memref<10000x32xf32, #tpu.memory_space<hbm>>) dst(%dma_wait3A_446 : memref<100x32xf32, #tpu.memory_space<vmem>>)
      %dma_wait3A_453 = arith.constant 0 : i32
      %dma_wait3A_454 = arith.constant 1 : i32
      %dma_wait3A_455 = arith.constant 0 : i32
      %dma_wait3A_456 = arith.constant 0 : i32
      %dma_wait3A_457 = arith.constant 0 : i32
      %dma_wait3A_458 = tpu.memref_slice %arg12[%dma_wait3A_453, %dma_wait3A_455, %dma_wait3A_456, %dma_wait3A_457] : memref<2x2x100x32xf32, #tpu.memory_space<vmem>> -> memref<1x2x100x32xf32, #tpu.memory_space<vmem>>
      %dma_wait3A_459 = tpu.memref_squeeze %dma_wait3A_458 : memref<1x2x100x32xf32, #tpu.memory_space<vmem>> -> memref<2x100x32xf32, #tpu.memory_space<vmem>>
      %dma_wait3A_460 = arith.constant 0 : i32
      %dma_wait3A_461 = arith.constant 0 : i32
      %dma_wait3A_462 = tpu.memref_slice %dma_wait3A_459[%dma_wait3A_454, %dma_wait3A_460, %dma_wait3A_461] : memref<2x100x32xf32, #tpu.memory_space<vmem>> -> memref<1x100x32xf32, #tpu.memory_space<vmem>>
      %dma_wait3A_463 = tpu.memref_squeeze %dma_wait3A_462 : memref<1x100x32xf32, #tpu.memory_space<vmem>> -> memref<100x32xf32, #tpu.memory_space<vmem>>
      %dma_wait3A_464 = arith.constant 0 : i32
      %dma_wait3A_465 = tpu.memref_slice %arg10[%add3A_400, %dma_wait3A_464] : memref<100x100xi32, #tpu.memory_space<vmem>> -> memref<1x100xi32, #tpu.memory_space<vmem>>
      %dma_wait3A_466 = tpu.memref_squeeze %dma_wait3A_465 : memref<1x100xi32, #tpu.memory_space<vmem>> -> memref<100xi32, #tpu.memory_space<vmem>>
      %dma_wait3A_467 = arith.constant 0 : i32
      %dma_wait3A_468 = arith.constant 0 : i32
      %dma_wait3A_469 = tpu.memref_slice %arg2[%dma_wait3A_467, %dma_wait3A_468] : memref<10000x32xf32, #tpu.memory_space<hbm>> -> memref<10000x32xf32, #tpu.memory_space<hbm>>
      tpu.wait_indirect_dma semaphore(%arg20 : memref<!tpu.dma_semaphore, #tpu.memory_space<semaphore_mem>>) src(%dma_wait3A_469 : memref<10000x32xf32, #tpu.memory_space<hbm>>) dst(%dma_wait3A_463 : memref<100x32xf32, #tpu.memory_space<vmem>>)
      %dma_wait3A_470 = arith.constant 0 : i32
      %dma_wait3A_471 = arith.constant 1 : i32
      %dma_wait3A_472 = arith.constant 0 : i32
      %dma_wait3A_473 = arith.constant 0 : i32
      %dma_wait3A_474 = arith.constant 0 : i32
      %dma_wait3A_475 = tpu.memref_slice %arg13[%dma_wait3A_470, %dma_wait3A_472, %dma_wait3A_473, %dma_wait3A_474] : memref<2x2x100x32xf32, #tpu.memory_space<vmem>> -> memref<1x2x100x32xf32, #tpu.memory_space<vmem>>
      %dma_wait3A_476 = tpu.memref_squeeze %dma_wait3A_475 : memref<1x2x100x32xf32, #tpu.memory_space<vmem>> -> memref<2x100x32xf32, #tpu.memory_space<vmem>>
      %dma_wait3A_477 = arith.constant 0 : i32
      %dma_wait3A_478 = arith.constant 0 : i32
      %dma_wait3A_479 = tpu.memref_slice %dma_wait3A_476[%dma_wait3A_471, %dma_wait3A_477, %dma_wait3A_478] : memref<2x100x32xf32, #tpu.memory_space<vmem>> -> memref<1x100x32xf32, #tpu.memory_space<vmem>>
      %dma_wait3A_480 = tpu.memref_squeeze %dma_wait3A_479 : memref<1x100x32xf32, #tpu.memory_space<vmem>> -> memref<100x32xf32, #tpu.memory_space<vmem>>
      %dma_wait3A_481 = arith.constant 0 : i32
      %dma_wait3A_482 = tpu.memref_slice %arg11[%add3A_400, %dma_wait3A_481] : memref<100x100xi32, #tpu.memory_space<vmem>> -> memref<1x100xi32, #tpu.memory_space<vmem>>
      %dma_wait3A_483 = tpu.memref_squeeze %dma_wait3A_482 : memref<1x100xi32, #tpu.memory_space<vmem>> -> memref<100xi32, #tpu.memory_space<vmem>>
      %dma_wait3A_484 = arith.constant 0 : i32
      %dma_wait3A_485 = arith.constant 0 : i32
      %dma_wait3A_486 = tpu.memref_slice %arg2[%dma_wait3A_484, %dma_wait3A_485] : memref<10000x32xf32, #tpu.memory_space<hbm>> -> memref<10000x32xf32, #tpu.memory_space<hbm>>
      tpu.wait_indirect_dma semaphore(%arg20 : memref<!tpu.dma_semaphore, #tpu.memory_space<semaphore_mem>>) src(%dma_wait3A_486 : memref<10000x32xf32, #tpu.memory_space<hbm>>) dst(%dma_wait3A_480 : memref<100x32xf32, #tpu.memory_space<vmem>>)
      %gt3A = arith.constant 0 : i32
      %gt3A_487 = arith.cmpi sgt, %scan3A_383, %gt3A : i32
      %convert_element_type3A_488 = arith.extui %gt3A_487 : i1 to i32
      %cond3A_489 = arith.constant 0 : i32
      %cond3A_490 = arith.cmpi ne, %convert_element_type3A_488, %cond3A_489 : i32
      scf.if %cond3A_490 {
        %sub3A = arith.constant 2 : i32
        %sub3A_813 = arith.subi %add3A_387, %sub3A : i32
        %add3A_814 = arith.addi %mul3A_10, %sub3A_813 : i32
        %mul3A_815 = arith.constant 3200 : i32
        %mul3A_816 = arith.muli %add3A_814, %mul3A_815 : i32
        %mul3A_817 = arith.constant 2 : i32
        %mul3A_818 = arith.muli %mul3A_817, %sub3A_813 : i32
        %add3A_819 = arith.constant 0 : i32
        %add3A_820 = arith.addi %mul3A_818, %add3A_819 : i32
        %mul3A_821 = arith.constant 2 : i32
        %mul3A_822 = arith.muli %mul3A_821, %sub3A_813 : i32
        %add3A_823 = arith.constant 1 : i32
        %add3A_824 = arith.addi %mul3A_822, %add3A_823 : i32
        %dma_wait3A_825 = arith.constant 0 : i32
        %dma_wait3A_826 = arith.constant 0 : i32
        %dma_wait3A_827 = tpu.memref_slice %arg18[%dma_wait3A_825, %dma_wait3A_826] : memref<2x3200xf32, #tpu.memory_space<vmem>> -> memref<1x3200xf32, #tpu.memory_space<vmem>>
        %dma_wait3A_828 = tpu.memref_squeeze %dma_wait3A_827 : memref<1x3200xf32, #tpu.memory_space<vmem>> -> memref<3200xf32, #tpu.memory_space<vmem>>
        %dma_wait3A_829 = tpu.memref_slice %arg8[%mul3A_816] : memref<5120000xf32, #tpu.memory_space<hbm>> -> memref<3200xf32, #tpu.memory_space<hbm>>
        %dma_wait3A_830 = tpu.memref_slice %arg8[%mul3A_816] : memref<5120000xf32, #tpu.memory_space<hbm>> -> memref<3200xf32, #tpu.memory_space<hbm>>
        %dma_wait3A_831 = arith.constant 0 : i32
        %dma_wait3A_832 = tpu.memref_slice %arg18[%dma_wait3A_825, %dma_wait3A_831] : memref<2x3200xf32, #tpu.memory_space<vmem>> -> memref<1x3200xf32, #tpu.memory_space<vmem>>
        %dma_wait3A_833 = tpu.memref_squeeze %dma_wait3A_832 : memref<1x3200xf32, #tpu.memory_space<vmem>> -> memref<3200xf32, #tpu.memory_space<vmem>>
        tpu.wait_dma2 semaphore(%arg22 : memref<!tpu.dma_semaphore, #tpu.memory_space<semaphore_mem>>) src(%dma_wait3A_833 : memref<3200xf32, #tpu.memory_space<vmem>>) dst(%dma_wait3A_830 : memref<3200xf32, #tpu.memory_space<hbm>>)
        %dma_wait3A_834 = arith.constant 0 : i32
        %dma_wait3A_835 = arith.constant 0 : i32
        %dma_wait3A_836 = arith.constant 0 : i32
        %dma_wait3A_837 = arith.constant 0 : i32
        %dma_wait3A_838 = arith.constant 0 : i32
        %dma_wait3A_839 = tpu.memref_slice %arg16[%dma_wait3A_834, %dma_wait3A_836, %dma_wait3A_837, %dma_wait3A_838] : memref<2x2x100x32xf32, #tpu.memory_space<vmem>> -> memref<1x2x100x32xf32, #tpu.memory_space<vmem>>
        %dma_wait3A_840 = tpu.memref_squeeze %dma_wait3A_839 : memref<1x2x100x32xf32, #tpu.memory_space<vmem>> -> memref<2x100x32xf32, #tpu.memory_space<vmem>>
        %dma_wait3A_841 = arith.constant 0 : i32
        %dma_wait3A_842 = arith.constant 0 : i32
        %dma_wait3A_843 = tpu.memref_slice %dma_wait3A_840[%dma_wait3A_835, %dma_wait3A_841, %dma_wait3A_842] : memref<2x100x32xf32, #tpu.memory_space<vmem>> -> memref<1x100x32xf32, #tpu.memory_space<vmem>>
        %dma_wait3A_844 = tpu.memref_squeeze %dma_wait3A_843 : memref<1x100x32xf32, #tpu.memory_space<vmem>> -> memref<100x32xf32, #tpu.memory_space<vmem>>
        %dma_wait3A_845 = arith.constant 0 : i32
        %dma_wait3A_846 = tpu.memref_slice %arg11[%add3A_820, %dma_wait3A_845] : memref<100x100xi32, #tpu.memory_space<vmem>> -> memref<1x100xi32, #tpu.memory_space<vmem>>
        %dma_wait3A_847 = tpu.memref_squeeze %dma_wait3A_846 : memref<1x100xi32, #tpu.memory_space<vmem>> -> memref<100xi32, #tpu.memory_space<vmem>>
        %dma_wait3A_848 = arith.constant 0 : i32
        %dma_wait3A_849 = arith.constant 0 : i32
        %dma_wait3A_850 = tpu.memref_slice %arg19[%dma_wait3A_848, %dma_wait3A_849] : memref<10000x32xf32, #tpu.memory_space<vmem_shared>> -> memref<10000x32xf32, #tpu.memory_space<vmem_shared>>
        tpu.wait_indirect_dma semaphore(%arg23 : memref<!tpu.dma_semaphore, #tpu.memory_space<semaphore_mem>>) src(%dma_wait3A_844 : memref<100x32xf32, #tpu.memory_space<vmem>>) dst(%dma_wait3A_850 : memref<10000x32xf32, #tpu.memory_space<vmem_shared>>)
        %dma_wait3A_851 = arith.constant 0 : i32
        %dma_wait3A_852 = arith.constant 0 : i32
        %dma_wait3A_853 = arith.constant 0 : i32
        %dma_wait3A_854 = arith.constant 0 : i32
        %dma_wait3A_855 = arith.constant 0 : i32
        %dma_wait3A_856 = tpu.memref_slice %arg17[%dma_wait3A_851, %dma_wait3A_853, %dma_wait3A_854, %dma_wait3A_855] : memref<2x2x100x32xf32, #tpu.memory_space<vmem>> -> memref<1x2x100x32xf32, #tpu.memory_space<vmem>>
        %dma_wait3A_857 = tpu.memref_squeeze %dma_wait3A_856 : memref<1x2x100x32xf32, #tpu.memory_space<vmem>> -> memref<2x100x32xf32, #tpu.memory_space<vmem>>
        %dma_wait3A_858 = arith.constant 0 : i32
        %dma_wait3A_859 = arith.constant 0 : i32
        %dma_wait3A_860 = tpu.memref_slice %dma_wait3A_857[%dma_wait3A_852, %dma_wait3A_858, %dma_wait3A_859] : memref<2x100x32xf32, #tpu.memory_space<vmem>> -> memref<1x100x32xf32, #tpu.memory_space<vmem>>
        %dma_wait3A_861 = tpu.memref_squeeze %dma_wait3A_860 : memref<1x100x32xf32, #tpu.memory_space<vmem>> -> memref<100x32xf32, #tpu.memory_space<vmem>>
        %dma_wait3A_862 = arith.constant 0 : i32
        %dma_wait3A_863 = tpu.memref_slice %arg10[%add3A_820, %dma_wait3A_862] : memref<100x100xi32, #tpu.memory_space<vmem>> -> memref<1x100xi32, #tpu.memory_space<vmem>>
        %dma_wait3A_864 = tpu.memref_squeeze %dma_wait3A_863 : memref<1x100xi32, #tpu.memory_space<vmem>> -> memref<100xi32, #tpu.memory_space<vmem>>
        %dma_wait3A_865 = arith.constant 0 : i32
        %dma_wait3A_866 = arith.constant 0 : i32
        %dma_wait3A_867 = tpu.memref_slice %arg19[%dma_wait3A_865, %dma_wait3A_866] : memref<10000x32xf32, #tpu.memory_space<vmem_shared>> -> memref<10000x32xf32, #tpu.memory_space<vmem_shared>>
        tpu.wait_indirect_dma semaphore(%arg23 : memref<!tpu.dma_semaphore, #tpu.memory_space<semaphore_mem>>) src(%dma_wait3A_861 : memref<100x32xf32, #tpu.memory_space<vmem>>) dst(%dma_wait3A_867 : memref<10000x32xf32, #tpu.memory_space<vmem_shared>>)
        %dma_wait3A_868 = arith.constant 0 : i32
        %dma_wait3A_869 = arith.constant 1 : i32
        %dma_wait3A_870 = arith.constant 0 : i32
        %dma_wait3A_871 = arith.constant 0 : i32
        %dma_wait3A_872 = arith.constant 0 : i32
        %dma_wait3A_873 = tpu.memref_slice %arg16[%dma_wait3A_868, %dma_wait3A_870, %dma_wait3A_871, %dma_wait3A_872] : memref<2x2x100x32xf32, #tpu.memory_space<vmem>> -> memref<1x2x100x32xf32, #tpu.memory_space<vmem>>
        %dma_wait3A_874 = tpu.memref_squeeze %dma_wait3A_873 : memref<1x2x100x32xf32, #tpu.memory_space<vmem>> -> memref<2x100x32xf32, #tpu.memory_space<vmem>>
        %dma_wait3A_875 = arith.constant 0 : i32
        %dma_wait3A_876 = arith.constant 0 : i32
        %dma_wait3A_877 = tpu.memref_slice %dma_wait3A_874[%dma_wait3A_869, %dma_wait3A_875, %dma_wait3A_876] : memref<2x100x32xf32, #tpu.memory_space<vmem>> -> memref<1x100x32xf32, #tpu.memory_space<vmem>>
        %dma_wait3A_878 = tpu.memref_squeeze %dma_wait3A_877 : memref<1x100x32xf32, #tpu.memory_space<vmem>> -> memref<100x32xf32, #tpu.memory_space<vmem>>
        %dma_wait3A_879 = arith.constant 0 : i32
        %dma_wait3A_880 = tpu.memref_slice %arg11[%add3A_824, %dma_wait3A_879] : memref<100x100xi32, #tpu.memory_space<vmem>> -> memref<1x100xi32, #tpu.memory_space<vmem>>
        %dma_wait3A_881 = tpu.memref_squeeze %dma_wait3A_880 : memref<1x100xi32, #tpu.memory_space<vmem>> -> memref<100xi32, #tpu.memory_space<vmem>>
        %dma_wait3A_882 = arith.constant 0 : i32
        %dma_wait3A_883 = arith.constant 0 : i32
        %dma_wait3A_884 = tpu.memref_slice %arg19[%dma_wait3A_882, %dma_wait3A_883] : memref<10000x32xf32, #tpu.memory_space<vmem_shared>> -> memref<10000x32xf32, #tpu.memory_space<vmem_shared>>
        tpu.wait_indirect_dma semaphore(%arg23 : memref<!tpu.dma_semaphore, #tpu.memory_space<semaphore_mem>>) src(%dma_wait3A_878 : memref<100x32xf32, #tpu.memory_space<vmem>>) dst(%dma_wait3A_884 : memref<10000x32xf32, #tpu.memory_space<vmem_shared>>)
        %dma_wait3A_885 = arith.constant 0 : i32
        %dma_wait3A_886 = arith.constant 1 : i32
        %dma_wait3A_887 = arith.constant 0 : i32
        %dma_wait3A_888 = arith.constant 0 : i32
        %dma_wait3A_889 = arith.constant 0 : i32
        %dma_wait3A_890 = tpu.memref_slice %arg17[%dma_wait3A_885, %dma_wait3A_887, %dma_wait3A_888, %dma_wait3A_889] : memref<2x2x100x32xf32, #tpu.memory_space<vmem>> -> memref<1x2x100x32xf32, #tpu.memory_space<vmem>>
        %dma_wait3A_891 = tpu.memref_squeeze %dma_wait3A_890 : memref<1x2x100x32xf32, #tpu.memory_space<vmem>> -> memref<2x100x32xf32, #tpu.memory_space<vmem>>
        %dma_wait3A_892 = arith.constant 0 : i32
        %dma_wait3A_893 = arith.constant 0 : i32
        %dma_wait3A_894 = tpu.memref_slice %dma_wait3A_891[%dma_wait3A_886, %dma_wait3A_892, %dma_wait3A_893] : memref<2x100x32xf32, #tpu.memory_space<vmem>> -> memref<1x100x32xf32, #tpu.memory_space<vmem>>
        %dma_wait3A_895 = tpu.memref_squeeze %dma_wait3A_894 : memref<1x100x32xf32, #tpu.memory_space<vmem>> -> memref<100x32xf32, #tpu.memory_space<vmem>>
        %dma_wait3A_896 = arith.constant 0 : i32
        %dma_wait3A_897 = tpu.memref_slice %arg10[%add3A_824, %dma_wait3A_896] : memref<100x100xi32, #tpu.memory_space<vmem>> -> memref<1x100xi32, #tpu.memory_space<vmem>>
        %dma_wait3A_898 = tpu.memref_squeeze %dma_wait3A_897 : memref<1x100xi32, #tpu.memory_space<vmem>> -> memref<100xi32, #tpu.memory_space<vmem>>
        %dma_wait3A_899 = arith.constant 0 : i32
        %dma_wait3A_900 = arith.constant 0 : i32
        %dma_wait3A_901 = tpu.memref_slice %arg19[%dma_wait3A_899, %dma_wait3A_900] : memref<10000x32xf32, #tpu.memory_space<vmem_shared>> -> memref<10000x32xf32, #tpu.memory_space<vmem_shared>>
        tpu.wait_indirect_dma semaphore(%arg23 : memref<!tpu.dma_semaphore, #tpu.memory_space<semaphore_mem>>) src(%dma_wait3A_895 : memref<100x32xf32, #tpu.memory_space<vmem>>) dst(%dma_wait3A_901 : memref<10000x32xf32, #tpu.memory_space<vmem_shared>>)
      } else {
      }
      %scan3A_491 = arith.constant 0 : i32
      %scan3A_492 = arith.constant 0 : i32
      %scan3A_493 = arith.constant 100 : i32
      %scan3A_494 = arith.addi %scan3A_492, %scan3A_493 : i32
      %scan3A_495 = arith.constant 1 : i32
      scf.for %scan3A_813 = %scan3A_492 to %scan3A_494 step %scan3A_495  : i32 {
        %mul3A_814 = arith.constant 16 : i32
        %mul3A_815 = arith.muli %scan3A_813, %mul3A_814 : i32
        %add3A_816 = arith.constant 0 : i32
        %add3A_817 = arith.addi %add3A_816, %mul3A_815 : i32
        %get3A = arith.constant 0 : i32
        %get3A_818 = arith.index_cast %get3A : i32 to index
        %get3A_819 = arith.index_cast %add3A_817 : i32 to index
        %get3A_820 = tpu.vector_load %arg14[%get3A_818, %get3A_819] {strides = array<i32>} : memref<2x3200xf32, #tpu.memory_space<vmem>>, vector<1x16xf32>,
        %get3A_821 = vector.shape_cast %get3A_820 : vector<1x16xf32> to vector<16xf32>
        %get3A_822 = arith.constant 0 : i32
        %get3A_823 = arith.constant 0 : i32
        %get3A_824 = arith.index_cast %get3A_822 : i32 to index
        %get3A_825 = arith.index_cast %get3A_823 : i32 to index
        %get3A_826 = arith.index_cast %scan3A_813 : i32 to index
        %get3A_827 = arith.constant 0 : index
        %get3A_828 = tpu.vector_load %arg12[%get3A_824, %get3A_825, %get3A_826, %get3A_827] {strides = array<i32>} : memref<2x2x100x32xf32, #tpu.memory_space<vmem>>, vector<1x1x1x16xf32>,
        %get3A_829 = vector.shape_cast %get3A_828 : vector<1x1x1x16xf32> to vector<16xf32>
        %add3A_830 = arith.addf %get3A_829, %get3A_821 : vector<16xf32>
        %swap3A = arith.constant 0 : i32
        %swap3A_831 = arith.constant 0 : i32
        %swap3A_832 = arith.index_cast %swap3A : i32 to index
        %swap3A_833 = arith.index_cast %swap3A_831 : i32 to index
        %swap3A_834 = arith.index_cast %scan3A_813 : i32 to index
        %swap3A_835 = arith.constant 0 : index
        %swap3A_836 = tpu.vector_load %arg16[%swap3A_832, %swap3A_833, %swap3A_834, %swap3A_835] {strides = array<i32>} : memref<2x2x100x32xf32, #tpu.memory_space<vmem>>, vector<1x1x1x16xf32>,
        %swap3A_837 = vector.shape_cast %swap3A_836 : vector<1x1x1x16xf32> to vector<16xf32>
        %swap3A_838 = vector.shape_cast %add3A_830 : vector<16xf32> to vector<1x1x1x16xf32>
        tpu.vector_store %arg16[%swap3A_832, %swap3A_833, %swap3A_834, %swap3A_835], %swap3A_838 {strides = array<i32>} : memref<2x2x100x32xf32, #tpu.memory_space<vmem>>, vector<1x1x1x16xf32>,
        %get3A_839 = arith.constant 0 : i32
        %get3A_840 = arith.constant 0 : i32
        %get3A_841 = arith.index_cast %get3A_839 : i32 to index
        %get3A_842 = arith.index_cast %get3A_840 : i32 to index
        %get3A_843 = arith.index_cast %scan3A_813 : i32 to index
        %get3A_844 = arith.constant 0 : index
        %get3A_845 = tpu.vector_load %arg13[%get3A_841, %get3A_842, %get3A_843, %get3A_844] {strides = array<i32>} : memref<2x2x100x32xf32, #tpu.memory_space<vmem>>, vector<1x1x1x16xf32>,
        %get3A_846 = vector.shape_cast %get3A_845 : vector<1x1x1x16xf32> to vector<16xf32>
        %add3A_847 = arith.addf %get3A_846, %get3A_821 : vector<16xf32>
        %swap3A_848 = arith.constant 0 : i32
        %swap3A_849 = arith.constant 0 : i32
        %swap3A_850 = arith.index_cast %swap3A_848 : i32 to index
        %swap3A_851 = arith.index_cast %swap3A_849 : i32 to index
        %swap3A_852 = arith.index_cast %scan3A_813 : i32 to index
        %swap3A_853 = arith.constant 0 : index
        %swap3A_854 = tpu.vector_load %arg17[%swap3A_850, %swap3A_851, %swap3A_852, %swap3A_853] {strides = array<i32>} : memref<2x2x100x32xf32, #tpu.memory_space<vmem>>, vector<1x1x1x16xf32>,
        %swap3A_855 = vector.shape_cast %swap3A_854 : vector<1x1x1x16xf32> to vector<16xf32>
        %swap3A_856 = vector.shape_cast %add3A_847 : vector<16xf32> to vector<1x1x1x16xf32>
        tpu.vector_store %arg17[%swap3A_850, %swap3A_851, %swap3A_852, %swap3A_853], %swap3A_856 {strides = array<i32>} : memref<2x2x100x32xf32, #tpu.memory_space<vmem>>, vector<1x1x1x16xf32>,
        %get3A_857 = arith.constant 0 : i32
        %get3A_858 = arith.constant 0 : i32
        %get3A_859 = arith.index_cast %get3A_857 : i32 to index
        %get3A_860 = arith.index_cast %get3A_858 : i32 to index
        %get3A_861 = arith.index_cast %scan3A_813 : i32 to index
        %get3A_862 = arith.constant 16 : index
        %get3A_863 = tpu.vector_load %arg12[%get3A_859, %get3A_860, %get3A_861, %get3A_862] {strides = array<i32>} : memref<2x2x100x32xf32, #tpu.memory_space<vmem>>, vector<1x1x1x16xf32>,
        %get3A_864 = vector.shape_cast %get3A_863 : vector<1x1x1x16xf32> to vector<16xf32>
        %get3A_865 = arith.constant 0 : i32
        %get3A_866 = arith.constant 0 : i32
        %get3A_867 = arith.index_cast %get3A_865 : i32 to index
        %get3A_868 = arith.index_cast %get3A_866 : i32 to index
        %get3A_869 = arith.index_cast %scan3A_813 : i32 to index
        %get3A_870 = arith.constant 16 : index
        %get3A_871 = tpu.vector_load %arg13[%get3A_867, %get3A_868, %get3A_869, %get3A_870] {strides = array<i32>} : memref<2x2x100x32xf32, #tpu.memory_space<vmem>>, vector<1x1x1x16xf32>,
        %get3A_872 = vector.shape_cast %get3A_871 : vector<1x1x1x16xf32> to vector<16xf32>
        %add3A_873 = arith.addf %get3A_864, %get3A_872 : vector<16xf32>
        %mul3A_874 = arith.constant 16 : i32
        %mul3A_875 = arith.muli %scan3A_813, %mul3A_874 : i32
        %add3A_876 = arith.constant 0 : i32
        %add3A_877 = arith.addi %add3A_876, %mul3A_875 : i32
        %get3A_878 = arith.constant 0 : i32
        %get3A_879 = arith.index_cast %get3A_878 : i32 to index
        %get3A_880 = arith.index_cast %add3A_877 : i32 to index
        %get3A_881 = tpu.vector_load %arg15[%get3A_879, %get3A_880] {strides = array<i32>} : memref<2x3200xf32, #tpu.memory_space<vmem>>, vector<1x16xf32>,
        %get3A_882 = vector.shape_cast %get3A_881 : vector<1x16xf32> to vector<16xf32>
        %add3A_883 = arith.addf %add3A_873, %get3A_882 : vector<16xf32>
        %mul3A_884 = arith.constant 16 : i32
        %mul3A_885 = arith.muli %scan3A_813, %mul3A_884 : i32
        %add3A_886 = arith.constant 0 : i32
        %add3A_887 = arith.addi %add3A_886, %mul3A_885 : i32
        %swap3A_888 = arith.constant 0 : i32
        %swap3A_889 = arith.index_cast %swap3A_888 : i32 to index
        %swap3A_890 = arith.index_cast %add3A_887 : i32 to index
        %swap3A_891 = tpu.vector_load %arg18[%swap3A_889, %swap3A_890] {strides = array<i32>} : memref<2x3200xf32, #tpu.memory_space<vmem>>, vector<1x16xf32>,
        %swap3A_892 = vector.shape_cast %swap3A_891 : vector<1x16xf32> to vector<16xf32>
        %swap3A_893 = vector.shape_cast %add3A_883 : vector<16xf32> to vector<1x16xf32>
        tpu.vector_store %arg18[%swap3A_889, %swap3A_890], %swap3A_893 {strides = array<i32>} : memref<2x3200xf32, #tpu.memory_space<vmem>>, vector<1x16xf32>,
      }
      %scan3A_496 = arith.constant 100 : i32
      %scan3A_497 = arith.constant 0 : i32
      %scan3A_498 = arith.constant 0 : i32
      %scan3A_499 = arith.constant 100 : i32
      %scan3A_500 = arith.addi %scan3A_498, %scan3A_499 : i32
      %scan3A_501 = arith.constant 1 : i32
      scf.for %scan3A_813 = %scan3A_498 to %scan3A_500 step %scan3A_501  : i32 {
        %mul3A_814 = arith.constant 16 : i32
        %mul3A_815 = arith.muli %scan3A_813, %mul3A_814 : i32
        %add3A_816 = arith.constant 1600 : i32
        %add3A_817 = arith.addi %add3A_816, %mul3A_815 : i32
        %get3A = arith.constant 0 : i32
        %get3A_818 = arith.index_cast %get3A : i32 to index
        %get3A_819 = arith.index_cast %add3A_817 : i32 to index
        %get3A_820 = tpu.vector_load %arg14[%get3A_818, %get3A_819] {strides = array<i32>} : memref<2x3200xf32, #tpu.memory_space<vmem>>, vector<1x16xf32>,
        %get3A_821 = vector.shape_cast %get3A_820 : vector<1x16xf32> to vector<16xf32>
        %get3A_822 = arith.constant 0 : i32
        %get3A_823 = arith.constant 1 : i32
        %get3A_824 = arith.index_cast %get3A_822 : i32 to index
        %get3A_825 = arith.index_cast %get3A_823 : i32 to index
        %get3A_826 = arith.index_cast %scan3A_813 : i32 to index
        %get3A_827 = arith.constant 0 : index
        %get3A_828 = tpu.vector_load %arg12[%get3A_824, %get3A_825, %get3A_826, %get3A_827] {strides = array<i32>} : memref<2x2x100x32xf32, #tpu.memory_space<vmem>>, vector<1x1x1x16xf32>,
        %get3A_829 = vector.shape_cast %get3A_828 : vector<1x1x1x16xf32> to vector<16xf32>
        %add3A_830 = arith.addf %get3A_829, %get3A_821 : vector<16xf32>
        %swap3A = arith.constant 0 : i32
        %swap3A_831 = arith.constant 1 : i32
        %swap3A_832 = arith.index_cast %swap3A : i32 to index
        %swap3A_833 = arith.index_cast %swap3A_831 : i32 to index
        %swap3A_834 = arith.index_cast %scan3A_813 : i32 to index
        %swap3A_835 = arith.constant 0 : index
        %swap3A_836 = tpu.vector_load %arg16[%swap3A_832, %swap3A_833, %swap3A_834, %swap3A_835] {strides = array<i32>} : memref<2x2x100x32xf32, #tpu.memory_space<vmem>>, vector<1x1x1x16xf32>,
        %swap3A_837 = vector.shape_cast %swap3A_836 : vector<1x1x1x16xf32> to vector<16xf32>
        %swap3A_838 = vector.shape_cast %add3A_830 : vector<16xf32> to vector<1x1x1x16xf32>
        tpu.vector_store %arg16[%swap3A_832, %swap3A_833, %swap3A_834, %swap3A_835], %swap3A_838 {strides = array<i32>} : memref<2x2x100x32xf32, #tpu.memory_space<vmem>>, vector<1x1x1x16xf32>,
        %get3A_839 = arith.constant 0 : i32
        %get3A_840 = arith.constant 1 : i32
        %get3A_841 = arith.index_cast %get3A_839 : i32 to index
        %get3A_842 = arith.index_cast %get3A_840 : i32 to index
        %get3A_843 = arith.index_cast %scan3A_813 : i32 to index
        %get3A_844 = arith.constant 0 : index
        %get3A_845 = tpu.vector_load %arg13[%get3A_841, %get3A_842, %get3A_843, %get3A_844] {strides = array<i32>} : memref<2x2x100x32xf32, #tpu.memory_space<vmem>>, vector<1x1x1x16xf32>,
        %get3A_846 = vector.shape_cast %get3A_845 : vector<1x1x1x16xf32> to vector<16xf32>
        %add3A_847 = arith.addf %get3A_846, %get3A_821 : vector<16xf32>
        %swap3A_848 = arith.constant 0 : i32
        %swap3A_849 = arith.constant 1 : i32
        %swap3A_850 = arith.index_cast %swap3A_848 : i32 to index
        %swap3A_851 = arith.index_cast %swap3A_849 : i32 to index
        %swap3A_852 = arith.index_cast %scan3A_813 : i32 to index
        %swap3A_853 = arith.constant 0 : index
        %swap3A_854 = tpu.vector_load %arg17[%swap3A_850, %swap3A_851, %swap3A_852, %swap3A_853] {strides = array<i32>} : memref<2x2x100x32xf32, #tpu.memory_space<vmem>>, vector<1x1x1x16xf32>,
        %swap3A_855 = vector.shape_cast %swap3A_854 : vector<1x1x1x16xf32> to vector<16xf32>
        %swap3A_856 = vector.shape_cast %add3A_847 : vector<16xf32> to vector<1x1x1x16xf32>
        tpu.vector_store %arg17[%swap3A_850, %swap3A_851, %swap3A_852, %swap3A_853], %swap3A_856 {strides = array<i32>} : memref<2x2x100x32xf32, #tpu.memory_space<vmem>>, vector<1x1x1x16xf32>,
        %get3A_857 = arith.constant 0 : i32
        %get3A_858 = arith.constant 1 : i32
        %get3A_859 = arith.index_cast %get3A_857 : i32 to index
        %get3A_860 = arith.index_cast %get3A_858 : i32 to index
        %get3A_861 = arith.index_cast %scan3A_813 : i32 to index
        %get3A_862 = arith.constant 16 : index
        %get3A_863 = tpu.vector_load %arg12[%get3A_859, %get3A_860, %get3A_861, %get3A_862] {strides = array<i32>} : memref<2x2x100x32xf32, #tpu.memory_space<vmem>>, vector<1x1x1x16xf32>,
        %get3A_864 = vector.shape_cast %get3A_863 : vector<1x1x1x16xf32> to vector<16xf32>
        %get3A_865 = arith.constant 0 : i32
        %get3A_866 = arith.constant 1 : i32
        %get3A_867 = arith.index_cast %get3A_865 : i32 to index
        %get3A_868 = arith.index_cast %get3A_866 : i32 to index
        %get3A_869 = arith.index_cast %scan3A_813 : i32 to index
        %get3A_870 = arith.constant 16 : index
        %get3A_871 = tpu.vector_load %arg13[%get3A_867, %get3A_868, %get3A_869, %get3A_870] {strides = array<i32>} : memref<2x2x100x32xf32, #tpu.memory_space<vmem>>, vector<1x1x1x16xf32>,
        %get3A_872 = vector.shape_cast %get3A_871 : vector<1x1x1x16xf32> to vector<16xf32>
        %add3A_873 = arith.addf %get3A_864, %get3A_872 : vector<16xf32>
        %mul3A_874 = arith.constant 16 : i32
        %mul3A_875 = arith.muli %scan3A_813, %mul3A_874 : i32
        %add3A_876 = arith.constant 1600 : i32
        %add3A_877 = arith.addi %add3A_876, %mul3A_875 : i32
        %get3A_878 = arith.constant 0 : i32
        %get3A_879 = arith.index_cast %get3A_878 : i32 to index
        %get3A_880 = arith.index_cast %add3A_877 : i32 to index
        %get3A_881 = tpu.vector_load %arg15[%get3A_879, %get3A_880] {strides = array<i32>} : memref<2x3200xf32, #tpu.memory_space<vmem>>, vector<1x16xf32>,
        %get3A_882 = vector.shape_cast %get3A_881 : vector<1x16xf32> to vector<16xf32>
        %add3A_883 = arith.addf %add3A_873, %get3A_882 : vector<16xf32>
        %mul3A_884 = arith.constant 16 : i32
        %mul3A_885 = arith.muli %scan3A_813, %mul3A_884 : i32
        %add3A_886 = arith.constant 1600 : i32
        %add3A_887 = arith.addi %add3A_886, %mul3A_885 : i32
        %swap3A_888 = arith.constant 0 : i32
        %swap3A_889 = arith.index_cast %swap3A_888 : i32 to index
        %swap3A_890 = arith.index_cast %add3A_887 : i32 to index
        %swap3A_891 = tpu.vector_load %arg18[%swap3A_889, %swap3A_890] {strides = array<i32>} : memref<2x3200xf32, #tpu.memory_space<vmem>>, vector<1x16xf32>,
        %swap3A_892 = vector.shape_cast %swap3A_891 : vector<1x16xf32> to vector<16xf32>
        %swap3A_893 = vector.shape_cast %add3A_883 : vector<16xf32> to vector<1x16xf32>
        tpu.vector_store %arg18[%swap3A_889, %swap3A_890], %swap3A_893 {strides = array<i32>} : memref<2x3200xf32, #tpu.memory_space<vmem>>, vector<1x16xf32>,
      }
      %scan3A_502 = arith.constant 100 : i32
      %add3A_503 = arith.addi %mul3A_10, %add3A_387 : i32
      %mul3A_504 = arith.constant 3200 : i32
      %mul3A_505 = arith.muli %add3A_503, %mul3A_504 : i32
      %mul3A_506 = arith.constant 2 : i32
      %mul3A_507 = arith.muli %mul3A_506, %add3A_387 : i32
      %add3A_508 = arith.constant 0 : i32
      %add3A_509 = arith.addi %mul3A_507, %add3A_508 : i32
      %mul3A_510 = arith.constant 2 : i32
      %mul3A_511 = arith.muli %mul3A_510, %add3A_387 : i32
      %add3A_512 = arith.constant 1 : i32
      %add3A_513 = arith.addi %mul3A_511, %add3A_512 : i32
      %dma_start3A_514 = arith.constant 0 : i32
      %dma_start3A_515 = arith.constant 0 : i32
      %dma_start3A_516 = tpu.memref_slice %arg18[%dma_start3A_514, %dma_start3A_515] : memref<2x3200xf32, #tpu.memory_space<vmem>> -> memref<1x3200xf32, #tpu.memory_space<vmem>>
      %dma_start3A_517 = tpu.memref_squeeze %dma_start3A_516 : memref<1x3200xf32, #tpu.memory_space<vmem>> -> memref<3200xf32, #tpu.memory_space<vmem>>
      %dma_start3A_518 = tpu.memref_slice %arg8[%mul3A_505] : memref<5120000xf32, #tpu.memory_space<hbm>> -> memref<3200xf32, #tpu.memory_space<hbm>>
      %dma_start3A_519 = tpu.memref_slice %arg8[%mul3A_505] : memref<5120000xf32, #tpu.memory_space<hbm>> -> memref<3200xf32, #tpu.memory_space<hbm>>
      %dma_start3A_520 = arith.constant 0 : i32
      %dma_start3A_521 = tpu.memref_slice %arg18[%dma_start3A_514, %dma_start3A_520] : memref<2x3200xf32, #tpu.memory_space<vmem>> -> memref<1x3200xf32, #tpu.memory_space<vmem>>
      %dma_start3A_522 = tpu.memref_squeeze %dma_start3A_521 : memref<1x3200xf32, #tpu.memory_space<vmem>> -> memref<3200xf32, #tpu.memory_space<vmem>>
      tpu.enqueue_dma source(%dma_start3A_522 : memref<3200xf32, #tpu.memory_space<vmem>>) target(%dma_start3A_519 : memref<3200xf32, #tpu.memory_space<hbm>>) target_semaphore(%arg22 : memref<!tpu.dma_semaphore, #tpu.memory_space<semaphore_mem>>)
      %dma_start3A_523 = arith.constant 0 : i32
      %dma_start3A_524 = arith.constant 0 : i32
      %dma_start3A_525 = arith.constant 0 : i32
      %dma_start3A_526 = arith.constant 0 : i32
      %dma_start3A_527 = arith.constant 0 : i32
      %dma_start3A_528 = tpu.memref_slice %arg16[%dma_start3A_523, %dma_start3A_525, %dma_start3A_526, %dma_start3A_527] : memref<2x2x100x32xf32, #tpu.memory_space<vmem>> -> memref<1x2x100x32xf32, #tpu.memory_space<vmem>>
      %dma_start3A_529 = tpu.memref_squeeze %dma_start3A_528 : memref<1x2x100x32xf32, #tpu.memory_space<vmem>> -> memref<2x100x32xf32, #tpu.memory_space<vmem>>
      %dma_start3A_530 = arith.constant 0 : i32
      %dma_start3A_531 = arith.constant 0 : i32
      %dma_start3A_532 = tpu.memref_slice %dma_start3A_529[%dma_start3A_524, %dma_start3A_530, %dma_start3A_531] : memref<2x100x32xf32, #tpu.memory_space<vmem>> -> memref<1x100x32xf32, #tpu.memory_space<vmem>>
      %dma_start3A_533 = tpu.memref_squeeze %dma_start3A_532 : memref<1x100x32xf32, #tpu.memory_space<vmem>> -> memref<100x32xf32, #tpu.memory_space<vmem>>
      %dma_start3A_534 = arith.constant 0 : i32
      %dma_start3A_535 = tpu.memref_slice %arg11[%add3A_509, %dma_start3A_534] : memref<100x100xi32, #tpu.memory_space<vmem>> -> memref<1x100xi32, #tpu.memory_space<vmem>>
      %dma_start3A_536 = tpu.memref_squeeze %dma_start3A_535 : memref<1x100xi32, #tpu.memory_space<vmem>> -> memref<100xi32, #tpu.memory_space<vmem>>
      %dma_start3A_537 = arith.constant 0 : i32
      %dma_start3A_538 = arith.constant 0 : i32
      %dma_start3A_539 = tpu.memref_slice %arg19[%dma_start3A_537, %dma_start3A_538] : memref<10000x32xf32, #tpu.memory_space<vmem_shared>> -> memref<10000x32xf32, #tpu.memory_space<vmem_shared>>
      tpu.enqueue_indirect_dma source(%dma_start3A_533 : memref<100x32xf32, #tpu.memory_space<vmem>>) target(%dma_start3A_539 : memref<10000x32xf32, #tpu.memory_space<vmem_shared>>) offsets(%dma_start3A_536 : memref<100xi32, #tpu.memory_space<vmem>>) semaphore(%arg23 : memref<!tpu.dma_semaphore, #tpu.memory_space<semaphore_mem>>) {add = true}
      %dma_start3A_540 = arith.constant 0 : i32
      %dma_start3A_541 = arith.constant 0 : i32
      %dma_start3A_542 = arith.constant 0 : i32
      %dma_start3A_543 = arith.constant 0 : i32
      %dma_start3A_544 = arith.constant 0 : i32
      %dma_start3A_545 = tpu.memref_slice %arg17[%dma_start3A_540, %dma_start3A_542, %dma_start3A_543, %dma_start3A_544] : memref<2x2x100x32xf32, #tpu.memory_space<vmem>> -> memref<1x2x100x32xf32, #tpu.memory_space<vmem>>
      %dma_start3A_546 = tpu.memref_squeeze %dma_start3A_545 : memref<1x2x100x32xf32, #tpu.memory_space<vmem>> -> memref<2x100x32xf32, #tpu.memory_space<vmem>>
      %dma_start3A_547 = arith.constant 0 : i32
      %dma_start3A_548 = arith.constant 0 : i32
      %dma_start3A_549 = tpu.memref_slice %dma_start3A_546[%dma_start3A_541, %dma_start3A_547, %dma_start3A_548] : memref<2x100x32xf32, #tpu.memory_space<vmem>> -> memref<1x100x32xf32, #tpu.memory_space<vmem>>
      %dma_start3A_550 = tpu.memref_squeeze %dma_start3A_549 : memref<1x100x32xf32, #tpu.memory_space<vmem>> -> memref<100x32xf32, #tpu.memory_space<vmem>>
      %dma_start3A_551 = arith.constant 0 : i32
      %dma_start3A_552 = tpu.memref_slice %arg10[%add3A_509, %dma_start3A_551] : memref<100x100xi32, #tpu.memory_space<vmem>> -> memref<1x100xi32, #tpu.memory_space<vmem>>
      %dma_start3A_553 = tpu.memref_squeeze %dma_start3A_552 : memref<1x100xi32, #tpu.memory_space<vmem>> -> memref<100xi32, #tpu.memory_space<vmem>>
      %dma_start3A_554 = arith.constant 0 : i32
      %dma_start3A_555 = arith.constant 0 : i32
      %dma_start3A_556 = tpu.memref_slice %arg19[%dma_start3A_554, %dma_start3A_555] : memref<10000x32xf32, #tpu.memory_space<vmem_shared>> -> memref<10000x32xf32, #tpu.memory_space<vmem_shared>>
      tpu.enqueue_indirect_dma source(%dma_start3A_550 : memref<100x32xf32, #tpu.memory_space<vmem>>) target(%dma_start3A_556 : memref<10000x32xf32, #tpu.memory_space<vmem_shared>>) offsets(%dma_start3A_553 : memref<100xi32, #tpu.memory_space<vmem>>) semaphore(%arg23 : memref<!tpu.dma_semaphore, #tpu.memory_space<semaphore_mem>>) {add = true}
      %dma_start3A_557 = arith.constant 0 : i32
      %dma_start3A_558 = arith.constant 1 : i32
      %dma_start3A_559 = arith.constant 0 : i32
      %dma_start3A_560 = arith.constant 0 : i32
      %dma_start3A_561 = arith.constant 0 : i32
      %dma_start3A_562 = tpu.memref_slice %arg16[%dma_start3A_557, %dma_start3A_559, %dma_start3A_560, %dma_start3A_561] : memref<2x2x100x32xf32, #tpu.memory_space<vmem>> -> memref<1x2x100x32xf32, #tpu.memory_space<vmem>>
      %dma_start3A_563 = tpu.memref_squeeze %dma_start3A_562 : memref<1x2x100x32xf32, #tpu.memory_space<vmem>> -> memref<2x100x32xf32, #tpu.memory_space<vmem>>
      %dma_start3A_564 = arith.constant 0 : i32
      %dma_start3A_565 = arith.constant 0 : i32
      %dma_start3A_566 = tpu.memref_slice %dma_start3A_563[%dma_start3A_558, %dma_start3A_564, %dma_start3A_565] : memref<2x100x32xf32, #tpu.memory_space<vmem>> -> memref<1x100x32xf32, #tpu.memory_space<vmem>>
      %dma_start3A_567 = tpu.memref_squeeze %dma_start3A_566 : memref<1x100x32xf32, #tpu.memory_space<vmem>> -> memref<100x32xf32, #tpu.memory_space<vmem>>
      %dma_start3A_568 = arith.constant 0 : i32
      %dma_start3A_569 = tpu.memref_slice %arg11[%add3A_513, %dma_start3A_568] : memref<100x100xi32, #tpu.memory_space<vmem>> -> memref<1x100xi32, #tpu.memory_space<vmem>>
      %dma_start3A_570 = tpu.memref_squeeze %dma_start3A_569 : memref<1x100xi32, #tpu.memory_space<vmem>> -> memref<100xi32, #tpu.memory_space<vmem>>
      %dma_start3A_571 = arith.constant 0 : i32
      %dma_start3A_572 = arith.constant 0 : i32
      %dma_start3A_573 = tpu.memref_slice %arg19[%dma_start3A_571, %dma_start3A_572] : memref<10000x32xf32, #tpu.memory_space<vmem_shared>> -> memref<10000x32xf32, #tpu.memory_space<vmem_shared>>
      tpu.enqueue_indirect_dma source(%dma_start3A_567 : memref<100x32xf32, #tpu.memory_space<vmem>>) target(%dma_start3A_573 : memref<10000x32xf32, #tpu.memory_space<vmem_shared>>) offsets(%dma_start3A_570 : memref<100xi32, #tpu.memory_space<vmem>>) semaphore(%arg23 : memref<!tpu.dma_semaphore, #tpu.memory_space<semaphore_mem>>) {add = true}
      %dma_start3A_574 = arith.constant 0 : i32
      %dma_start3A_575 = arith.constant 1 : i32
      %dma_start3A_576 = arith.constant 0 : i32
      %dma_start3A_577 = arith.constant 0 : i32
      %dma_start3A_578 = arith.constant 0 : i32
      %dma_start3A_579 = tpu.memref_slice %arg17[%dma_start3A_574, %dma_start3A_576, %dma_start3A_577, %dma_start3A_578] : memref<2x2x100x32xf32, #tpu.memory_space<vmem>> -> memref<1x2x100x32xf32, #tpu.memory_space<vmem>>
      %dma_start3A_580 = tpu.memref_squeeze %dma_start3A_579 : memref<1x2x100x32xf32, #tpu.memory_space<vmem>> -> memref<2x100x32xf32, #tpu.memory_space<vmem>>
      %dma_start3A_581 = arith.constant 0 : i32
      %dma_start3A_582 = arith.constant 0 : i32
      %dma_start3A_583 = tpu.memref_slice %dma_start3A_580[%dma_start3A_575, %dma_start3A_581, %dma_start3A_582] : memref<2x100x32xf32, #tpu.memory_space<vmem>> -> memref<1x100x32xf32, #tpu.memory_space<vmem>>
      %dma_start3A_584 = tpu.memref_squeeze %dma_start3A_583 : memref<1x100x32xf32, #tpu.memory_space<vmem>> -> memref<100x32xf32, #tpu.memory_space<vmem>>
      %dma_start3A_585 = arith.constant 0 : i32
      %dma_start3A_586 = tpu.memref_slice %arg10[%add3A_513, %dma_start3A_585] : memref<100x100xi32, #tpu.memory_space<vmem>> -> memref<1x100xi32, #tpu.memory_space<vmem>>
      %dma_start3A_587 = tpu.memref_squeeze %dma_start3A_586 : memref<1x100xi32, #tpu.memory_space<vmem>> -> memref<100xi32, #tpu.memory_space<vmem>>
      %dma_start3A_588 = arith.constant 0 : i32
      %dma_start3A_589 = arith.constant 0 : i32
      %dma_start3A_590 = tpu.memref_slice %arg19[%dma_start3A_588, %dma_start3A_589] : memref<10000x32xf32, #tpu.memory_space<vmem_shared>> -> memref<10000x32xf32, #tpu.memory_space<vmem_shared>>
      tpu.enqueue_indirect_dma source(%dma_start3A_584 : memref<100x32xf32, #tpu.memory_space<vmem>>) target(%dma_start3A_590 : memref<10000x32xf32, #tpu.memory_space<vmem_shared>>) offsets(%dma_start3A_587 : memref<100xi32, #tpu.memory_space<vmem>>) semaphore(%arg23 : memref<!tpu.dma_semaphore, #tpu.memory_space<semaphore_mem>>) {add = true}
      %add3A_591 = arith.constant 1 : i32
      %add3A_592 = arith.addi %scan3A_383, %add3A_591 : i32
      %lt3A_593 = arith.constant 25 : i32
      %lt3A_594 = arith.cmpi slt, %add3A_592, %lt3A_593 : i32
      %convert_element_type3A_595 = arith.extui %lt3A_594 : i1 to i32
      %cond3A_596 = arith.constant 0 : i32
      %cond3A_597 = arith.cmpi ne, %convert_element_type3A_595, %cond3A_596 : i32
      scf.if %cond3A_597 {
        %add3A_813 = arith.constant 2 : i32
        %add3A_814 = arith.addi %add3A_387, %add3A_813 : i32
        %add3A_815 = arith.addi %mul3A_10, %add3A_814 : i32
        %mul3A_816 = arith.constant 3200 : i32
        %mul3A_817 = arith.muli %add3A_815, %mul3A_816 : i32
        %mul3A_818 = arith.constant 3200 : i32
        %mul3A_819 = arith.muli %add3A_815, %mul3A_818 : i32
        %mul3A_820 = arith.constant 2 : i32
        %mul3A_821 = arith.muli %mul3A_820, %add3A_814 : i32
        %add3A_822 = arith.constant 0 : i32
        %add3A_823 = arith.addi %mul3A_821, %add3A_822 : i32
        %mul3A_824 = arith.constant 2 : i32
        %mul3A_825 = arith.muli %mul3A_824, %add3A_814 : i32
        %add3A_826 = arith.constant 1 : i32
        %add3A_827 = arith.addi %mul3A_825, %add3A_826 : i32
        %dma_start3A_828 = arith.constant 0 : i32
        %dma_start3A_829 = arith.constant 0 : i32
        %dma_start3A_830 = tpu.memref_slice %arg14[%dma_start3A_828, %dma_start3A_829] : memref<2x3200xf32, #tpu.memory_space<vmem>> -> memref<1x3200xf32, #tpu.memory_space<vmem>>
        %dma_start3A_831 = tpu.memref_squeeze %dma_start3A_830 : memref<1x3200xf32, #tpu.memory_space<vmem>> -> memref<3200xf32, #tpu.memory_space<vmem>>
        %dma_start3A_832 = tpu.memref_slice %arg5[%mul3A_817] : memref<5120000xf32, #tpu.memory_space<hbm>> -> memref<3200xf32, #tpu.memory_space<hbm>>
        %dma_start3A_833 = arith.constant 0 : i32
        %dma_start3A_834 = tpu.memref_slice %arg14[%dma_start3A_828, %dma_start3A_833] : memref<2x3200xf32, #tpu.memory_space<vmem>> -> memref<1x3200xf32, #tpu.memory_space<vmem>>
        %dma_start3A_835 = tpu.memref_squeeze %dma_start3A_834 : memref<1x3200xf32, #tpu.memory_space<vmem>> -> memref<3200xf32, #tpu.memory_space<vmem>>
        %dma_start3A_836 = tpu.memref_slice %arg5[%mul3A_817] : memref<5120000xf32, #tpu.memory_space<hbm>> -> memref<3200xf32, #tpu.memory_space<hbm>>
        tpu.enqueue_dma source(%dma_start3A_836 : memref<3200xf32, #tpu.memory_space<hbm>>) target(%dma_start3A_835 : memref<3200xf32, #tpu.memory_space<vmem>>) target_semaphore(%arg21 : memref<!tpu.dma_semaphore, #tpu.memory_space<semaphore_mem>>)
        %dma_start3A_837 = arith.constant 0 : i32
        %dma_start3A_838 = arith.constant 0 : i32
        %dma_start3A_839 = tpu.memref_slice %arg15[%dma_start3A_837, %dma_start3A_838] : memref<2x3200xf32, #tpu.memory_space<vmem>> -> memref<1x3200xf32, #tpu.memory_space<vmem>>
        %dma_start3A_840 = tpu.memref_squeeze %dma_start3A_839 : memref<1x3200xf32, #tpu.memory_space<vmem>> -> memref<3200xf32, #tpu.memory_space<vmem>>
        %dma_start3A_841 = tpu.memref_slice %arg6[%mul3A_819] : memref<5120000xf32, #tpu.memory_space<hbm>> -> memref<3200xf32, #tpu.memory_space<hbm>>
        %dma_start3A_842 = arith.constant 0 : i32
        %dma_start3A_843 = tpu.memref_slice %arg15[%dma_start3A_837, %dma_start3A_842] : memref<2x3200xf32, #tpu.memory_space<vmem>> -> memref<1x3200xf32, #tpu.memory_space<vmem>>
        %dma_start3A_844 = tpu.memref_squeeze %dma_start3A_843 : memref<1x3200xf32, #tpu.memory_space<vmem>> -> memref<3200xf32, #tpu.memory_space<vmem>>
        %dma_start3A_845 = tpu.memref_slice %arg6[%mul3A_819] : memref<5120000xf32, #tpu.memory_space<hbm>> -> memref<3200xf32, #tpu.memory_space<hbm>>
        tpu.enqueue_dma source(%dma_start3A_845 : memref<3200xf32, #tpu.memory_space<hbm>>) target(%dma_start3A_844 : memref<3200xf32, #tpu.memory_space<vmem>>) target_semaphore(%arg21 : memref<!tpu.dma_semaphore, #tpu.memory_space<semaphore_mem>>)
        %dma_start3A_846 = arith.constant 0 : i32
        %dma_start3A_847 = arith.constant 0 : i32
        %dma_start3A_848 = arith.constant 0 : i32
        %dma_start3A_849 = arith.constant 0 : i32
        %dma_start3A_850 = arith.constant 0 : i32
        %dma_start3A_851 = tpu.memref_slice %arg12[%dma_start3A_846, %dma_start3A_848, %dma_start3A_849, %dma_start3A_850] : memref<2x2x100x32xf32, #tpu.memory_space<vmem>> -> memref<1x2x100x32xf32, #tpu.memory_space<vmem>>
        %dma_start3A_852 = tpu.memref_squeeze %dma_start3A_851 : memref<1x2x100x32xf32, #tpu.memory_space<vmem>> -> memref<2x100x32xf32, #tpu.memory_space<vmem>>
        %dma_start3A_853 = arith.constant 0 : i32
        %dma_start3A_854 = arith.constant 0 : i32
        %dma_start3A_855 = tpu.memref_slice %dma_start3A_852[%dma_start3A_847, %dma_start3A_853, %dma_start3A_854] : memref<2x100x32xf32, #tpu.memory_space<vmem>> -> memref<1x100x32xf32, #tpu.memory_space<vmem>>
        %dma_start3A_856 = tpu.memref_squeeze %dma_start3A_855 : memref<1x100x32xf32, #tpu.memory_space<vmem>> -> memref<100x32xf32, #tpu.memory_space<vmem>>
        %dma_start3A_857 = arith.constant 0 : i32
        %dma_start3A_858 = tpu.memref_slice %arg10[%add3A_823, %dma_start3A_857] : memref<100x100xi32, #tpu.memory_space<vmem>> -> memref<1x100xi32, #tpu.memory_space<vmem>>
        %dma_start3A_859 = tpu.memref_squeeze %dma_start3A_858 : memref<1x100xi32, #tpu.memory_space<vmem>> -> memref<100xi32, #tpu.memory_space<vmem>>
        %dma_start3A_860 = arith.constant 0 : i32
        %dma_start3A_861 = arith.constant 0 : i32
        %dma_start3A_862 = tpu.memref_slice %arg2[%dma_start3A_860, %dma_start3A_861] : memref<10000x32xf32, #tpu.memory_space<hbm>> -> memref<10000x32xf32, #tpu.memory_space<hbm>>
        tpu.enqueue_indirect_dma source(%dma_start3A_862 : memref<10000x32xf32, #tpu.memory_space<hbm>>) target(%dma_start3A_856 : memref<100x32xf32, #tpu.memory_space<vmem>>) offsets(%dma_start3A_859 : memref<100xi32, #tpu.memory_space<vmem>>) semaphore(%arg20 : memref<!tpu.dma_semaphore, #tpu.memory_space<semaphore_mem>>)
        %dma_start3A_863 = arith.constant 0 : i32
        %dma_start3A_864 = arith.constant 0 : i32
        %dma_start3A_865 = arith.constant 0 : i32
        %dma_start3A_866 = arith.constant 0 : i32
        %dma_start3A_867 = arith.constant 0 : i32
        %dma_start3A_868 = tpu.memref_slice %arg13[%dma_start3A_863, %dma_start3A_865, %dma_start3A_866, %dma_start3A_867] : memref<2x2x100x32xf32, #tpu.memory_space<vmem>> -> memref<1x2x100x32xf32, #tpu.memory_space<vmem>>
        %dma_start3A_869 = tpu.memref_squeeze %dma_start3A_868 : memref<1x2x100x32xf32, #tpu.memory_space<vmem>> -> memref<2x100x32xf32, #tpu.memory_space<vmem>>
        %dma_start3A_870 = arith.constant 0 : i32
        %dma_start3A_871 = arith.constant 0 : i32
        %dma_start3A_872 = tpu.memref_slice %dma_start3A_869[%dma_start3A_864, %dma_start3A_870, %dma_start3A_871] : memref<2x100x32xf32, #tpu.memory_space<vmem>> -> memref<1x100x32xf32, #tpu.memory_space<vmem>>
        %dma_start3A_873 = tpu.memref_squeeze %dma_start3A_872 : memref<1x100x32xf32, #tpu.memory_space<vmem>> -> memref<100x32xf32, #tpu.memory_space<vmem>>
        %dma_start3A_874 = arith.constant 0 : i32
        %dma_start3A_875 = tpu.memref_slice %arg11[%add3A_823, %dma_start3A_874] : memref<100x100xi32, #tpu.memory_space<vmem>> -> memref<1x100xi32, #tpu.memory_space<vmem>>
        %dma_start3A_876 = tpu.memref_squeeze %dma_start3A_875 : memref<1x100xi32, #tpu.memory_space<vmem>> -> memref<100xi32, #tpu.memory_space<vmem>>
        %dma_start3A_877 = arith.constant 0 : i32
        %dma_start3A_878 = arith.constant 0 : i32
        %dma_start3A_879 = tpu.memref_slice %arg2[%dma_start3A_877, %dma_start3A_878] : memref<10000x32xf32, #tpu.memory_space<hbm>> -> memref<10000x32xf32, #tpu.memory_space<hbm>>
        tpu.enqueue_indirect_dma source(%dma_start3A_879 : memref<10000x32xf32, #tpu.memory_space<hbm>>) target(%dma_start3A_873 : memref<100x32xf32, #tpu.memory_space<vmem>>) offsets(%dma_start3A_876 : memref<100xi32, #tpu.memory_space<vmem>>) semaphore(%arg20 : memref<!tpu.dma_semaphore, #tpu.memory_space<semaphore_mem>>)
        %dma_start3A_880 = arith.constant 0 : i32
        %dma_start3A_881 = arith.constant 1 : i32
        %dma_start3A_882 = arith.constant 0 : i32
        %dma_start3A_883 = arith.constant 0 : i32
        %dma_start3A_884 = arith.constant 0 : i32
        %dma_start3A_885 = tpu.memref_slice %arg12[%dma_start3A_880, %dma_start3A_882, %dma_start3A_883, %dma_start3A_884] : memref<2x2x100x32xf32, #tpu.memory_space<vmem>> -> memref<1x2x100x32xf32, #tpu.memory_space<vmem>>
        %dma_start3A_886 = tpu.memref_squeeze %dma_start3A_885 : memref<1x2x100x32xf32, #tpu.memory_space<vmem>> -> memref<2x100x32xf32, #tpu.memory_space<vmem>>
        %dma_start3A_887 = arith.constant 0 : i32
        %dma_start3A_888 = arith.constant 0 : i32
        %dma_start3A_889 = tpu.memref_slice %dma_start3A_886[%dma_start3A_881, %dma_start3A_887, %dma_start3A_888] : memref<2x100x32xf32, #tpu.memory_space<vmem>> -> memref<1x100x32xf32, #tpu.memory_space<vmem>>
        %dma_start3A_890 = tpu.memref_squeeze %dma_start3A_889 : memref<1x100x32xf32, #tpu.memory_space<vmem>> -> memref<100x32xf32, #tpu.memory_space<vmem>>
        %dma_start3A_891 = arith.constant 0 : i32
        %dma_start3A_892 = tpu.memref_slice %arg10[%add3A_827, %dma_start3A_891] : memref<100x100xi32, #tpu.memory_space<vmem>> -> memref<1x100xi32, #tpu.memory_space<vmem>>
        %dma_start3A_893 = tpu.memref_squeeze %dma_start3A_892 : memref<1x100xi32, #tpu.memory_space<vmem>> -> memref<100xi32, #tpu.memory_space<vmem>>
        %dma_start3A_894 = arith.constant 0 : i32
        %dma_start3A_895 = arith.constant 0 : i32
        %dma_start3A_896 = tpu.memref_slice %arg2[%dma_start3A_894, %dma_start3A_895] : memref<10000x32xf32, #tpu.memory_space<hbm>> -> memref<10000x32xf32, #tpu.memory_space<hbm>>
        tpu.enqueue_indirect_dma source(%dma_start3A_896 : memref<10000x32xf32, #tpu.memory_space<hbm>>) target(%dma_start3A_890 : memref<100x32xf32, #tpu.memory_space<vmem>>) offsets(%dma_start3A_893 : memref<100xi32, #tpu.memory_space<vmem>>) semaphore(%arg20 : memref<!tpu.dma_semaphore, #tpu.memory_space<semaphore_mem>>)
        %dma_start3A_897 = arith.constant 0 : i32
        %dma_start3A_898 = arith.constant 1 : i32
        %dma_start3A_899 = arith.constant 0 : i32
        %dma_start3A_900 = arith.constant 0 : i32
        %dma_start3A_901 = arith.constant 0 : i32
        %dma_start3A_902 = tpu.memref_slice %arg13[%dma_start3A_897, %dma_start3A_899, %dma_start3A_900, %dma_start3A_901] : memref<2x2x100x32xf32, #tpu.memory_space<vmem>> -> memref<1x2x100x32xf32, #tpu.memory_space<vmem>>
        %dma_start3A_903 = tpu.memref_squeeze %dma_start3A_902 : memref<1x2x100x32xf32, #tpu.memory_space<vmem>> -> memref<2x100x32xf32, #tpu.memory_space<vmem>>
        %dma_start3A_904 = arith.constant 0 : i32
        %dma_start3A_905 = arith.constant 0 : i32
        %dma_start3A_906 = tpu.memref_slice %dma_start3A_903[%dma_start3A_898, %dma_start3A_904, %dma_start3A_905] : memref<2x100x32xf32, #tpu.memory_space<vmem>> -> memref<1x100x32xf32, #tpu.memory_space<vmem>>
        %dma_start3A_907 = tpu.memref_squeeze %dma_start3A_906 : memref<1x100x32xf32, #tpu.memory_space<vmem>> -> memref<100x32xf32, #tpu.memory_space<vmem>>
        %dma_start3A_908 = arith.constant 0 : i32
        %dma_start3A_909 = tpu.memref_slice %arg11[%add3A_827, %dma_start3A_908] : memref<100x100xi32, #tpu.memory_space<vmem>> -> memref<1x100xi32, #tpu.memory_space<vmem>>
        %dma_start3A_910 = tpu.memref_squeeze %dma_start3A_909 : memref<1x100xi32, #tpu.memory_space<vmem>> -> memref<100xi32, #tpu.memory_space<vmem>>
        %dma_start3A_911 = arith.constant 0 : i32
        %dma_start3A_912 = arith.constant 0 : i32
        %dma_start3A_913 = tpu.memref_slice %arg2[%dma_start3A_911, %dma_start3A_912] : memref<10000x32xf32, #tpu.memory_space<hbm>> -> memref<10000x32xf32, #tpu.memory_space<hbm>>
        tpu.enqueue_indirect_dma source(%dma_start3A_913 : memref<10000x32xf32, #tpu.memory_space<hbm>>) target(%dma_start3A_907 : memref<100x32xf32, #tpu.memory_space<vmem>>) offsets(%dma_start3A_910 : memref<100xi32, #tpu.memory_space<vmem>>) semaphore(%arg20 : memref<!tpu.dma_semaphore, #tpu.memory_space<semaphore_mem>>)
      } else {
      }
      %mul3A_598 = arith.constant 2 : i32
      %mul3A_599 = arith.muli %mul3A_598, %scan3A_383 : i32
      %add3A_600 = arith.constant 1 : i32
      %add3A_601 = arith.addi %mul3A_599, %add3A_600 : i32
      %add3A_602 = arith.addi %mul3A_10, %add3A_601 : i32
      %mul3A_603 = arith.constant 3200 : i32
      %mul3A_604 = arith.muli %add3A_602, %mul3A_603 : i32
      %mul3A_605 = arith.constant 3200 : i32
      %mul3A_606 = arith.muli %add3A_602, %mul3A_605 : i32
      %mul3A_607 = arith.constant 2 : i32
      %mul3A_608 = arith.muli %mul3A_607, %add3A_601 : i32
      %add3A_609 = arith.constant 0 : i32
      %add3A_610 = arith.addi %mul3A_608, %add3A_609 : i32
      %mul3A_611 = arith.constant 2 : i32
      %mul3A_612 = arith.muli %mul3A_611, %add3A_601 : i32
      %add3A_613 = arith.constant 1 : i32
      %add3A_614 = arith.addi %mul3A_612, %add3A_613 : i32
      %dma_wait3A_615 = arith.constant 1 : i32
      %dma_wait3A_616 = arith.constant 0 : i32
      %dma_wait3A_617 = tpu.memref_slice %arg14[%dma_wait3A_615, %dma_wait3A_616] : memref<2x3200xf32, #tpu.memory_space<vmem>> -> memref<1x3200xf32, #tpu.memory_space<vmem>>
      %dma_wait3A_618 = tpu.memref_squeeze %dma_wait3A_617 : memref<1x3200xf32, #tpu.memory_space<vmem>> -> memref<3200xf32, #tpu.memory_space<vmem>>
      %dma_wait3A_619 = tpu.memref_slice %arg5[%mul3A_604] : memref<5120000xf32, #tpu.memory_space<hbm>> -> memref<3200xf32, #tpu.memory_space<hbm>>
      %dma_wait3A_620 = arith.constant 0 : i32
      %dma_wait3A_621 = tpu.memref_slice %arg14[%dma_wait3A_615, %dma_wait3A_620] : memref<2x3200xf32, #tpu.memory_space<vmem>> -> memref<1x3200xf32, #tpu.memory_space<vmem>>
      %dma_wait3A_622 = tpu.memref_squeeze %dma_wait3A_621 : memref<1x3200xf32, #tpu.memory_space<vmem>> -> memref<3200xf32, #tpu.memory_space<vmem>>
      %dma_wait3A_623 = tpu.memref_slice %arg5[%mul3A_604] : memref<5120000xf32, #tpu.memory_space<hbm>> -> memref<3200xf32, #tpu.memory_space<hbm>>
      tpu.wait_dma2 semaphore(%arg21 : memref<!tpu.dma_semaphore, #tpu.memory_space<semaphore_mem>>) src(%dma_wait3A_623 : memref<3200xf32, #tpu.memory_space<hbm>>) dst(%dma_wait3A_622 : memref<3200xf32, #tpu.memory_space<vmem>>)
      %dma_wait3A_624 = arith.constant 1 : i32
      %dma_wait3A_625 = arith.constant 0 : i32
      %dma_wait3A_626 = tpu.memref_slice %arg15[%dma_wait3A_624, %dma_wait3A_625] : memref<2x3200xf32, #tpu.memory_space<vmem>> -> memref<1x3200xf32, #tpu.memory_space<vmem>>
      %dma_wait3A_627 = tpu.memref_squeeze %dma_wait3A_626 : memref<1x3200xf32, #tpu.memory_space<vmem>> -> memref<3200xf32, #tpu.memory_space<vmem>>
      %dma_wait3A_628 = tpu.memref_slice %arg6[%mul3A_606] : memref<5120000xf32, #tpu.memory_space<hbm>> -> memref<3200xf32, #tpu.memory_space<hbm>>
      %dma_wait3A_629 = arith.constant 0 : i32
      %dma_wait3A_630 = tpu.memref_slice %arg15[%dma_wait3A_624, %dma_wait3A_629] : memref<2x3200xf32, #tpu.memory_space<vmem>> -> memref<1x3200xf32, #tpu.memory_space<vmem>>
      %dma_wait3A_631 = tpu.memref_squeeze %dma_wait3A_630 : memref<1x3200xf32, #tpu.memory_space<vmem>> -> memref<3200xf32, #tpu.memory_space<vmem>>
      %dma_wait3A_632 = tpu.memref_slice %arg6[%mul3A_606] : memref<5120000xf32, #tpu.memory_space<hbm>> -> memref<3200xf32, #tpu.memory_space<hbm>>
      tpu.wait_dma2 semaphore(%arg21 : memref<!tpu.dma_semaphore, #tpu.memory_space<semaphore_mem>>) src(%dma_wait3A_632 : memref<3200xf32, #tpu.memory_space<hbm>>) dst(%dma_wait3A_631 : memref<3200xf32, #tpu.memory_space<vmem>>)
      %dma_wait3A_633 = arith.constant 1 : i32
      %dma_wait3A_634 = arith.constant 0 : i32
      %dma_wait3A_635 = arith.constant 0 : i32
      %dma_wait3A_636 = arith.constant 0 : i32
      %dma_wait3A_637 = arith.constant 0 : i32
      %dma_wait3A_638 = tpu.memref_slice %arg12[%dma_wait3A_633, %dma_wait3A_635, %dma_wait3A_636, %dma_wait3A_637] : memref<2x2x100x32xf32, #tpu.memory_space<vmem>> -> memref<1x2x100x32xf32, #tpu.memory_space<vmem>>
      %dma_wait3A_639 = tpu.memref_squeeze %dma_wait3A_638 : memref<1x2x100x32xf32, #tpu.memory_space<vmem>> -> memref<2x100x32xf32, #tpu.memory_space<vmem>>
      %dma_wait3A_640 = arith.constant 0 : i32
      %dma_wait3A_641 = arith.constant 0 : i32
      %dma_wait3A_642 = tpu.memref_slice %dma_wait3A_639[%dma_wait3A_634, %dma_wait3A_640, %dma_wait3A_641] : memref<2x100x32xf32, #tpu.memory_space<vmem>> -> memref<1x100x32xf32, #tpu.memory_space<vmem>>
      %dma_wait3A_643 = tpu.memref_squeeze %dma_wait3A_642 : memref<1x100x32xf32, #tpu.memory_space<vmem>> -> memref<100x32xf32, #tpu.memory_space<vmem>>
      %dma_wait3A_644 = arith.constant 0 : i32
      %dma_wait3A_645 = tpu.memref_slice %arg10[%add3A_610, %dma_wait3A_644] : memref<100x100xi32, #tpu.memory_space<vmem>> -> memref<1x100xi32, #tpu.memory_space<vmem>>
      %dma_wait3A_646 = tpu.memref_squeeze %dma_wait3A_645 : memref<1x100xi32, #tpu.memory_space<vmem>> -> memref<100xi32, #tpu.memory_space<vmem>>
      %dma_wait3A_647 = arith.constant 0 : i32
      %dma_wait3A_648 = arith.constant 0 : i32
      %dma_wait3A_649 = tpu.memref_slice %arg2[%dma_wait3A_647, %dma_wait3A_648] : memref<10000x32xf32, #tpu.memory_space<hbm>> -> memref<10000x32xf32, #tpu.memory_space<hbm>>
      tpu.wait_indirect_dma semaphore(%arg20 : memref<!tpu.dma_semaphore, #tpu.memory_space<semaphore_mem>>) src(%dma_wait3A_649 : memref<10000x32xf32, #tpu.memory_space<hbm>>) dst(%dma_wait3A_643 : memref<100x32xf32, #tpu.memory_space<vmem>>)
      %dma_wait3A_650 = arith.constant 1 : i32
      %dma_wait3A_651 = arith.constant 0 : i32
      %dma_wait3A_652 = arith.constant 0 : i32
      %dma_wait3A_653 = arith.constant 0 : i32
      %dma_wait3A_654 = arith.constant 0 : i32
      %dma_wait3A_655 = tpu.memref_slice %arg13[%dma_wait3A_650, %dma_wait3A_652, %dma_wait3A_653, %dma_wait3A_654] : memref<2x2x100x32xf32, #tpu.memory_space<vmem>> -> memref<1x2x100x32xf32, #tpu.memory_space<vmem>>
      %dma_wait3A_656 = tpu.memref_squeeze %dma_wait3A_655 : memref<1x2x100x32xf32, #tpu.memory_space<vmem>> -> memref<2x100x32xf32, #tpu.memory_space<vmem>>
      %dma_wait3A_657 = arith.constant 0 : i32
      %dma_wait3A_658 = arith.constant 0 : i32
      %dma_wait3A_659 = tpu.memref_slice %dma_wait3A_656[%dma_wait3A_651, %dma_wait3A_657, %dma_wait3A_658] : memref<2x100x32xf32, #tpu.memory_space<vmem>> -> memref<1x100x32xf32, #tpu.memory_space<vmem>>
      %dma_wait3A_660 = tpu.memref_squeeze %dma_wait3A_659 : memref<1x100x32xf32, #tpu.memory_space<vmem>> -> memref<100x32xf32, #tpu.memory_space<vmem>>
      %dma_wait3A_661 = arith.constant 0 : i32
      %dma_wait3A_662 = tpu.memref_slice %arg11[%add3A_610, %dma_wait3A_661] : memref<100x100xi32, #tpu.memory_space<vmem>> -> memref<1x100xi32, #tpu.memory_space<vmem>>
      %dma_wait3A_663 = tpu.memref_squeeze %dma_wait3A_662 : memref<1x100xi32, #tpu.memory_space<vmem>> -> memref<100xi32, #tpu.memory_space<vmem>>
      %dma_wait3A_664 = arith.constant 0 : i32
      %dma_wait3A_665 = arith.constant 0 : i32
      %dma_wait3A_666 = tpu.memref_slice %arg2[%dma_wait3A_664, %dma_wait3A_665] : memref<10000x32xf32, #tpu.memory_space<hbm>> -> memref<10000x32xf32, #tpu.memory_space<hbm>>
      tpu.wait_indirect_dma semaphore(%arg20 : memref<!tpu.dma_semaphore, #tpu.memory_space<semaphore_mem>>) src(%dma_wait3A_666 : memref<10000x32xf32, #tpu.memory_space<hbm>>) dst(%dma_wait3A_660 : memref<100x32xf32, #tpu.memory_space<vmem>>)
      %dma_wait3A_667 = arith.constant 1 : i32
      %dma_wait3A_668 = arith.constant 1 : i32
      %dma_wait3A_669 = arith.constant 0 : i32
      %dma_wait3A_670 = arith.constant 0 : i32
      %dma_wait3A_671 = arith.constant 0 : i32
      %dma_wait3A_672 = tpu.memref_slice %arg12[%dma_wait3A_667, %dma_wait3A_669, %dma_wait3A_670, %dma_wait3A_671] : memref<2x2x100x32xf32, #tpu.memory_space<vmem>> -> memref<1x2x100x32xf32, #tpu.memory_space<vmem>>
      %dma_wait3A_673 = tpu.memref_squeeze %dma_wait3A_672 : memref<1x2x100x32xf32, #tpu.memory_space<vmem>> -> memref<2x100x32xf32, #tpu.memory_space<vmem>>
      %dma_wait3A_674 = arith.constant 0 : i32
      %dma_wait3A_675 = arith.constant 0 : i32
      %dma_wait3A_676 = tpu.memref_slice %dma_wait3A_673[%dma_wait3A_668, %dma_wait3A_674, %dma_wait3A_675] : memref<2x100x32xf32, #tpu.memory_space<vmem>> -> memref<1x100x32xf32, #tpu.memory_space<vmem>>
      %dma_wait3A_677 = tpu.memref_squeeze %dma_wait3A_676 : memref<1x100x32xf32, #tpu.memory_space<vmem>> -> memref<100x32xf32, #tpu.memory_space<vmem>>
      %dma_wait3A_678 = arith.constant 0 : i32
      %dma_wait3A_679 = tpu.memref_slice %arg10[%add3A_614, %dma_wait3A_678] : memref<100x100xi32, #tpu.memory_space<vmem>> -> memref<1x100xi32, #tpu.memory_space<vmem>>
      %dma_wait3A_680 = tpu.memref_squeeze %dma_wait3A_679 : memref<1x100xi32, #tpu.memory_space<vmem>> -> memref<100xi32, #tpu.memory_space<vmem>>
      %dma_wait3A_681 = arith.constant 0 : i32
      %dma_wait3A_682 = arith.constant 0 : i32
      %dma_wait3A_683 = tpu.memref_slice %arg2[%dma_wait3A_681, %dma_wait3A_682] : memref<10000x32xf32, #tpu.memory_space<hbm>> -> memref<10000x32xf32, #tpu.memory_space<hbm>>
      tpu.wait_indirect_dma semaphore(%arg20 : memref<!tpu.dma_semaphore, #tpu.memory_space<semaphore_mem>>) src(%dma_wait3A_683 : memref<10000x32xf32, #tpu.memory_space<hbm>>) dst(%dma_wait3A_677 : memref<100x32xf32, #tpu.memory_space<vmem>>)
      %dma_wait3A_684 = arith.constant 1 : i32
      %dma_wait3A_685 = arith.constant 1 : i32
      %dma_wait3A_686 = arith.constant 0 : i32
      %dma_wait3A_687 = arith.constant 0 : i32
      %dma_wait3A_688 = arith.constant 0 : i32
      %dma_wait3A_689 = tpu.memref_slice %arg13[%dma_wait3A_684, %dma_wait3A_686, %dma_wait3A_687, %dma_wait3A_688] : memref<2x2x100x32xf32, #tpu.memory_space<vmem>> -> memref<1x2x100x32xf32, #tpu.memory_space<vmem>>
      %dma_wait3A_690 = tpu.memref_squeeze %dma_wait3A_689 : memref<1x2x100x32xf32, #tpu.memory_space<vmem>> -> memref<2x100x32xf32, #tpu.memory_space<vmem>>
      %dma_wait3A_691 = arith.constant 0 : i32
      %dma_wait3A_692 = arith.constant 0 : i32
      %dma_wait3A_693 = tpu.memref_slice %dma_wait3A_690[%dma_wait3A_685, %dma_wait3A_691, %dma_wait3A_692] : memref<2x100x32xf32, #tpu.memory_space<vmem>> -> memref<1x100x32xf32, #tpu.memory_space<vmem>>
      %dma_wait3A_694 = tpu.memref_squeeze %dma_wait3A_693 : memref<1x100x32xf32, #tpu.memory_space<vmem>> -> memref<100x32xf32, #tpu.memory_space<vmem>>
      %dma_wait3A_695 = arith.constant 0 : i32
      %dma_wait3A_696 = tpu.memref_slice %arg11[%add3A_614, %dma_wait3A_695] : memref<100x100xi32, #tpu.memory_space<vmem>> -> memref<1x100xi32, #tpu.memory_space<vmem>>
      %dma_wait3A_697 = tpu.memref_squeeze %dma_wait3A_696 : memref<1x100xi32, #tpu.memory_space<vmem>> -> memref<100xi32, #tpu.memory_space<vmem>>
      %dma_wait3A_698 = arith.constant 0 : i32
      %dma_wait3A_699 = arith.constant 0 : i32
      %dma_wait3A_700 = tpu.memref_slice %arg2[%dma_wait3A_698, %dma_wait3A_699] : memref<10000x32xf32, #tpu.memory_space<hbm>> -> memref<10000x32xf32, #tpu.memory_space<hbm>>
      tpu.wait_indirect_dma semaphore(%arg20 : memref<!tpu.dma_semaphore, #tpu.memory_space<semaphore_mem>>) src(%dma_wait3A_700 : memref<10000x32xf32, #tpu.memory_space<hbm>>) dst(%dma_wait3A_694 : memref<100x32xf32, #tpu.memory_space<vmem>>)
      %gt3A_701 = arith.constant 0 : i32
      %gt3A_702 = arith.cmpi sgt, %scan3A_383, %gt3A_701 : i32
      %convert_element_type3A_703 = arith.extui %gt3A_702 : i1 to i32
      %cond3A_704 = arith.constant 0 : i32
      %cond3A_705 = arith.cmpi ne, %convert_element_type3A_703, %cond3A_704 : i32
      scf.if %cond3A_705 {
        %sub3A = arith.constant 2 : i32
        %sub3A_813 = arith.subi %add3A_601, %sub3A : i32
        %add3A_814 = arith.addi %mul3A_10, %sub3A_813 : i32
        %mul3A_815 = arith.constant 3200 : i32
        %mul3A_816 = arith.muli %add3A_814, %mul3A_815 : i32
        %mul3A_817 = arith.constant 2 : i32
        %mul3A_818 = arith.muli %mul3A_817, %sub3A_813 : i32
        %add3A_819 = arith.constant 0 : i32
        %add3A_820 = arith.addi %mul3A_818, %add3A_819 : i32
        %mul3A_821 = arith.constant 2 : i32
        %mul3A_822 = arith.muli %mul3A_821, %sub3A_813 : i32
        %add3A_823 = arith.constant 1 : i32
        %add3A_824 = arith.addi %mul3A_822, %add3A_823 : i32
        %dma_wait3A_825 = arith.constant 1 : i32
        %dma_wait3A_826 = arith.constant 0 : i32
        %dma_wait3A_827 = tpu.memref_slice %arg18[%dma_wait3A_825, %dma_wait3A_826] : memref<2x3200xf32, #tpu.memory_space<vmem>> -> memref<1x3200xf32, #tpu.memory_space<vmem>>
        %dma_wait3A_828 = tpu.memref_squeeze %dma_wait3A_827 : memref<1x3200xf32, #tpu.memory_space<vmem>> -> memref<3200xf32, #tpu.memory_space<vmem>>
        %dma_wait3A_829 = tpu.memref_slice %arg8[%mul3A_816] : memref<5120000xf32, #tpu.memory_space<hbm>> -> memref<3200xf32, #tpu.memory_space<hbm>>
        %dma_wait3A_830 = tpu.memref_slice %arg8[%mul3A_816] : memref<5120000xf32, #tpu.memory_space<hbm>> -> memref<3200xf32, #tpu.memory_space<hbm>>
        %dma_wait3A_831 = arith.constant 0 : i32
        %dma_wait3A_832 = tpu.memref_slice %arg18[%dma_wait3A_825, %dma_wait3A_831] : memref<2x3200xf32, #tpu.memory_space<vmem>> -> memref<1x3200xf32, #tpu.memory_space<vmem>>
        %dma_wait3A_833 = tpu.memref_squeeze %dma_wait3A_832 : memref<1x3200xf32, #tpu.memory_space<vmem>> -> memref<3200xf32, #tpu.memory_space<vmem>>
        tpu.wait_dma2 semaphore(%arg22 : memref<!tpu.dma_semaphore, #tpu.memory_space<semaphore_mem>>) src(%dma_wait3A_833 : memref<3200xf32, #tpu.memory_space<vmem>>) dst(%dma_wait3A_830 : memref<3200xf32, #tpu.memory_space<hbm>>)
        %dma_wait3A_834 = arith.constant 1 : i32
        %dma_wait3A_835 = arith.constant 0 : i32
        %dma_wait3A_836 = arith.constant 0 : i32
        %dma_wait3A_837 = arith.constant 0 : i32
        %dma_wait3A_838 = arith.constant 0 : i32
        %dma_wait3A_839 = tpu.memref_slice %arg16[%dma_wait3A_834, %dma_wait3A_836, %dma_wait3A_837, %dma_wait3A_838] : memref<2x2x100x32xf32, #tpu.memory_space<vmem>> -> memref<1x2x100x32xf32, #tpu.memory_space<vmem>>
        %dma_wait3A_840 = tpu.memref_squeeze %dma_wait3A_839 : memref<1x2x100x32xf32, #tpu.memory_space<vmem>> -> memref<2x100x32xf32, #tpu.memory_space<vmem>>
        %dma_wait3A_841 = arith.constant 0 : i32
        %dma_wait3A_842 = arith.constant 0 : i32
        %dma_wait3A_843 = tpu.memref_slice %dma_wait3A_840[%dma_wait3A_835, %dma_wait3A_841, %dma_wait3A_842] : memref<2x100x32xf32, #tpu.memory_space<vmem>> -> memref<1x100x32xf32, #tpu.memory_space<vmem>>
        %dma_wait3A_844 = tpu.memref_squeeze %dma_wait3A_843 : memref<1x100x32xf32, #tpu.memory_space<vmem>> -> memref<100x32xf32, #tpu.memory_space<vmem>>
        %dma_wait3A_845 = arith.constant 0 : i32
        %dma_wait3A_846 = tpu.memref_slice %arg11[%add3A_820, %dma_wait3A_845] : memref<100x100xi32, #tpu.memory_space<vmem>> -> memref<1x100xi32, #tpu.memory_space<vmem>>
        %dma_wait3A_847 = tpu.memref_squeeze %dma_wait3A_846 : memref<1x100xi32, #tpu.memory_space<vmem>> -> memref<100xi32, #tpu.memory_space<vmem>>
        %dma_wait3A_848 = arith.constant 0 : i32
        %dma_wait3A_849 = arith.constant 0 : i32
        %dma_wait3A_850 = tpu.memref_slice %arg19[%dma_wait3A_848, %dma_wait3A_849] : memref<10000x32xf32, #tpu.memory_space<vmem_shared>> -> memref<10000x32xf32, #tpu.memory_space<vmem_shared>>
        tpu.wait_indirect_dma semaphore(%arg23 : memref<!tpu.dma_semaphore, #tpu.memory_space<semaphore_mem>>) src(%dma_wait3A_844 : memref<100x32xf32, #tpu.memory_space<vmem>>) dst(%dma_wait3A_850 : memref<10000x32xf32, #tpu.memory_space<vmem_shared>>)
        %dma_wait3A_851 = arith.constant 1 : i32
        %dma_wait3A_852 = arith.constant 0 : i32
        %dma_wait3A_853 = arith.constant 0 : i32
        %dma_wait3A_854 = arith.constant 0 : i32
        %dma_wait3A_855 = arith.constant 0 : i32
        %dma_wait3A_856 = tpu.memref_slice %arg17[%dma_wait3A_851, %dma_wait3A_853, %dma_wait3A_854, %dma_wait3A_855] : memref<2x2x100x32xf32, #tpu.memory_space<vmem>> -> memref<1x2x100x32xf32, #tpu.memory_space<vmem>>
        %dma_wait3A_857 = tpu.memref_squeeze %dma_wait3A_856 : memref<1x2x100x32xf32, #tpu.memory_space<vmem>> -> memref<2x100x32xf32, #tpu.memory_space<vmem>>
        %dma_wait3A_858 = arith.constant 0 : i32
        %dma_wait3A_859 = arith.constant 0 : i32
        %dma_wait3A_860 = tpu.memref_slice %dma_wait3A_857[%dma_wait3A_852, %dma_wait3A_858, %dma_wait3A_859] : memref<2x100x32xf32, #tpu.memory_space<vmem>> -> memref<1x100x32xf32, #tpu.memory_space<vmem>>
        %dma_wait3A_861 = tpu.memref_squeeze %dma_wait3A_860 : memref<1x100x32xf32, #tpu.memory_space<vmem>> -> memref<100x32xf32, #tpu.memory_space<vmem>>
        %dma_wait3A_862 = arith.constant 0 : i32
        %dma_wait3A_863 = tpu.memref_slice %arg10[%add3A_820, %dma_wait3A_862] : memref<100x100xi32, #tpu.memory_space<vmem>> -> memref<1x100xi32, #tpu.memory_space<vmem>>
        %dma_wait3A_864 = tpu.memref_squeeze %dma_wait3A_863 : memref<1x100xi32, #tpu.memory_space<vmem>> -> memref<100xi32, #tpu.memory_space<vmem>>
        %dma_wait3A_865 = arith.constant 0 : i32
        %dma_wait3A_866 = arith.constant 0 : i32
        %dma_wait3A_867 = tpu.memref_slice %arg19[%dma_wait3A_865, %dma_wait3A_866] : memref<10000x32xf32, #tpu.memory_space<vmem_shared>> -> memref<10000x32xf32, #tpu.memory_space<vmem_shared>>
        tpu.wait_indirect_dma semaphore(%arg23 : memref<!tpu.dma_semaphore, #tpu.memory_space<semaphore_mem>>) src(%dma_wait3A_861 : memref<100x32xf32, #tpu.memory_space<vmem>>) dst(%dma_wait3A_867 : memref<10000x32xf32, #tpu.memory_space<vmem_shared>>)
        %dma_wait3A_868 = arith.constant 1 : i32
        %dma_wait3A_869 = arith.constant 1 : i32
        %dma_wait3A_870 = arith.constant 0 : i32
        %dma_wait3A_871 = arith.constant 0 : i32
        %dma_wait3A_872 = arith.constant 0 : i32
        %dma_wait3A_873 = tpu.memref_slice %arg16[%dma_wait3A_868, %dma_wait3A_870, %dma_wait3A_871, %dma_wait3A_872] : memref<2x2x100x32xf32, #tpu.memory_space<vmem>> -> memref<1x2x100x32xf32, #tpu.memory_space<vmem>>
        %dma_wait3A_874 = tpu.memref_squeeze %dma_wait3A_873 : memref<1x2x100x32xf32, #tpu.memory_space<vmem>> -> memref<2x100x32xf32, #tpu.memory_space<vmem>>
        %dma_wait3A_875 = arith.constant 0 : i32
        %dma_wait3A_876 = arith.constant 0 : i32
        %dma_wait3A_877 = tpu.memref_slice %dma_wait3A_874[%dma_wait3A_869, %dma_wait3A_875, %dma_wait3A_876] : memref<2x100x32xf32, #tpu.memory_space<vmem>> -> memref<1x100x32xf32, #tpu.memory_space<vmem>>
        %dma_wait3A_878 = tpu.memref_squeeze %dma_wait3A_877 : memref<1x100x32xf32, #tpu.memory_space<vmem>> -> memref<100x32xf32, #tpu.memory_space<vmem>>
        %dma_wait3A_879 = arith.constant 0 : i32
        %dma_wait3A_880 = tpu.memref_slice %arg11[%add3A_824, %dma_wait3A_879] : memref<100x100xi32, #tpu.memory_space<vmem>> -> memref<1x100xi32, #tpu.memory_space<vmem>>
        %dma_wait3A_881 = tpu.memref_squeeze %dma_wait3A_880 : memref<1x100xi32, #tpu.memory_space<vmem>> -> memref<100xi32, #tpu.memory_space<vmem>>
        %dma_wait3A_882 = arith.constant 0 : i32
        %dma_wait3A_883 = arith.constant 0 : i32
        %dma_wait3A_884 = tpu.memref_slice %arg19[%dma_wait3A_882, %dma_wait3A_883] : memref<10000x32xf32, #tpu.memory_space<vmem_shared>> -> memref<10000x32xf32, #tpu.memory_space<vmem_shared>>
        tpu.wait_indirect_dma semaphore(%arg23 : memref<!tpu.dma_semaphore, #tpu.memory_space<semaphore_mem>>) src(%dma_wait3A_878 : memref<100x32xf32, #tpu.memory_space<vmem>>) dst(%dma_wait3A_884 : memref<10000x32xf32, #tpu.memory_space<vmem_shared>>)
        %dma_wait3A_885 = arith.constant 1 : i32
        %dma_wait3A_886 = arith.constant 1 : i32
        %dma_wait3A_887 = arith.constant 0 : i32
        %dma_wait3A_888 = arith.constant 0 : i32
        %dma_wait3A_889 = arith.constant 0 : i32
        %dma_wait3A_890 = tpu.memref_slice %arg17[%dma_wait3A_885, %dma_wait3A_887, %dma_wait3A_888, %dma_wait3A_889] : memref<2x2x100x32xf32, #tpu.memory_space<vmem>> -> memref<1x2x100x32xf32, #tpu.memory_space<vmem>>
        %dma_wait3A_891 = tpu.memref_squeeze %dma_wait3A_890 : memref<1x2x100x32xf32, #tpu.memory_space<vmem>> -> memref<2x100x32xf32, #tpu.memory_space<vmem>>
        %dma_wait3A_892 = arith.constant 0 : i32
        %dma_wait3A_893 = arith.constant 0 : i32
        %dma_wait3A_894 = tpu.memref_slice %dma_wait3A_891[%dma_wait3A_886, %dma_wait3A_892, %dma_wait3A_893] : memref<2x100x32xf32, #tpu.memory_space<vmem>> -> memref<1x100x32xf32, #tpu.memory_space<vmem>>
        %dma_wait3A_895 = tpu.memref_squeeze %dma_wait3A_894 : memref<1x100x32xf32, #tpu.memory_space<vmem>> -> memref<100x32xf32, #tpu.memory_space<vmem>>
        %dma_wait3A_896 = arith.constant 0 : i32
        %dma_wait3A_897 = tpu.memref_slice %arg10[%add3A_824, %dma_wait3A_896] : memref<100x100xi32, #tpu.memory_space<vmem>> -> memref<1x100xi32, #tpu.memory_space<vmem>>
        %dma_wait3A_898 = tpu.memref_squeeze %dma_wait3A_897 : memref<1x100xi32, #tpu.memory_space<vmem>> -> memref<100xi32, #tpu.memory_space<vmem>>
        %dma_wait3A_899 = arith.constant 0 : i32
        %dma_wait3A_900 = arith.constant 0 : i32
        %dma_wait3A_901 = tpu.memref_slice %arg19[%dma_wait3A_899, %dma_wait3A_900] : memref<10000x32xf32, #tpu.memory_space<vmem_shared>> -> memref<10000x32xf32, #tpu.memory_space<vmem_shared>>
        tpu.wait_indirect_dma semaphore(%arg23 : memref<!tpu.dma_semaphore, #tpu.memory_space<semaphore_mem>>) src(%dma_wait3A_895 : memref<100x32xf32, #tpu.memory_space<vmem>>) dst(%dma_wait3A_901 : memref<10000x32xf32, #tpu.memory_space<vmem_shared>>)
      } else {
      }
      %scan3A_706 = arith.constant 0 : i32
      %scan3A_707 = arith.constant 0 : i32
      %scan3A_708 = arith.constant 100 : i32
      %scan3A_709 = arith.addi %scan3A_707, %scan3A_708 : i32
      %scan3A_710 = arith.constant 1 : i32
      scf.for %scan3A_813 = %scan3A_707 to %scan3A_709 step %scan3A_710  : i32 {
        %mul3A_814 = arith.constant 16 : i32
        %mul3A_815 = arith.muli %scan3A_813, %mul3A_814 : i32
        %add3A_816 = arith.constant 0 : i32
        %add3A_817 = arith.addi %add3A_816, %mul3A_815 : i32
        %get3A = arith.constant 1 : i32
        %get3A_818 = arith.index_cast %get3A : i32 to index
        %get3A_819 = arith.index_cast %add3A_817 : i32 to index
        %get3A_820 = tpu.vector_load %arg14[%get3A_818, %get3A_819] {strides = array<i32>} : memref<2x3200xf32, #tpu.memory_space<vmem>>, vector<1x16xf32>,
        %get3A_821 = vector.shape_cast %get3A_820 : vector<1x16xf32> to vector<16xf32>
        %get3A_822 = arith.constant 1 : i32
        %get3A_823 = arith.constant 0 : i32
        %get3A_824 = arith.index_cast %get3A_822 : i32 to index
        %get3A_825 = arith.index_cast %get3A_823 : i32 to index
        %get3A_826 = arith.index_cast %scan3A_813 : i32 to index
        %get3A_827 = arith.constant 0 : index
        %get3A_828 = tpu.vector_load %arg12[%get3A_824, %get3A_825, %get3A_826, %get3A_827] {strides = array<i32>} : memref<2x2x100x32xf32, #tpu.memory_space<vmem>>, vector<1x1x1x16xf32>,
        %get3A_829 = vector.shape_cast %get3A_828 : vector<1x1x1x16xf32> to vector<16xf32>
        %add3A_830 = arith.addf %get3A_829, %get3A_821 : vector<16xf32>
        %swap3A = arith.constant 1 : i32
        %swap3A_831 = arith.constant 0 : i32
        %swap3A_832 = arith.index_cast %swap3A : i32 to index
        %swap3A_833 = arith.index_cast %swap3A_831 : i32 to index
        %swap3A_834 = arith.index_cast %scan3A_813 : i32 to index
        %swap3A_835 = arith.constant 0 : index
        %swap3A_836 = tpu.vector_load %arg16[%swap3A_832, %swap3A_833, %swap3A_834, %swap3A_835] {strides = array<i32>} : memref<2x2x100x32xf32, #tpu.memory_space<vmem>>, vector<1x1x1x16xf32>,
        %swap3A_837 = vector.shape_cast %swap3A_836 : vector<1x1x1x16xf32> to vector<16xf32>
        %swap3A_838 = vector.shape_cast %add3A_830 : vector<16xf32> to vector<1x1x1x16xf32>
        tpu.vector_store %arg16[%swap3A_832, %swap3A_833, %swap3A_834, %swap3A_835], %swap3A_838 {strides = array<i32>} : memref<2x2x100x32xf32, #tpu.memory_space<vmem>>, vector<1x1x1x16xf32>,
        %get3A_839 = arith.constant 1 : i32
        %get3A_840 = arith.constant 0 : i32
        %get3A_841 = arith.index_cast %get3A_839 : i32 to index
        %get3A_842 = arith.index_cast %get3A_840 : i32 to index
        %get3A_843 = arith.index_cast %scan3A_813 : i32 to index
        %get3A_844 = arith.constant 0 : index
        %get3A_845 = tpu.vector_load %arg13[%get3A_841, %get3A_842, %get3A_843, %get3A_844] {strides = array<i32>} : memref<2x2x100x32xf32, #tpu.memory_space<vmem>>, vector<1x1x1x16xf32>,
        %get3A_846 = vector.shape_cast %get3A_845 : vector<1x1x1x16xf32> to vector<16xf32>
        %add3A_847 = arith.addf %get3A_846, %get3A_821 : vector<16xf32>
        %swap3A_848 = arith.constant 1 : i32
        %swap3A_849 = arith.constant 0 : i32
        %swap3A_850 = arith.index_cast %swap3A_848 : i32 to index
        %swap3A_851 = arith.index_cast %swap3A_849 : i32 to index
        %swap3A_852 = arith.index_cast %scan3A_813 : i32 to index
        %swap3A_853 = arith.constant 0 : index
        %swap3A_854 = tpu.vector_load %arg17[%swap3A_850, %swap3A_851, %swap3A_852, %swap3A_853] {strides = array<i32>} : memref<2x2x100x32xf32, #tpu.memory_space<vmem>>, vector<1x1x1x16xf32>,
        %swap3A_855 = vector.shape_cast %swap3A_854 : vector<1x1x1x16xf32> to vector<16xf32>
        %swap3A_856 = vector.shape_cast %add3A_847 : vector<16xf32> to vector<1x1x1x16xf32>
        tpu.vector_store %arg17[%swap3A_850, %swap3A_851, %swap3A_852, %swap3A_853], %swap3A_856 {strides = array<i32>} : memref<2x2x100x32xf32, #tpu.memory_space<vmem>>, vector<1x1x1x16xf32>,
        %get3A_857 = arith.constant 1 : i32
        %get3A_858 = arith.constant 0 : i32
        %get3A_859 = arith.index_cast %get3A_857 : i32 to index
        %get3A_860 = arith.index_cast %get3A_858 : i32 to index
        %get3A_861 = arith.index_cast %scan3A_813 : i32 to index
        %get3A_862 = arith.constant 16 : index
        %get3A_863 = tpu.vector_load %arg12[%get3A_859, %get3A_860, %get3A_861, %get3A_862] {strides = array<i32>} : memref<2x2x100x32xf32, #tpu.memory_space<vmem>>, vector<1x1x1x16xf32>,
        %get3A_864 = vector.shape_cast %get3A_863 : vector<1x1x1x16xf32> to vector<16xf32>
        %get3A_865 = arith.constant 1 : i32
        %get3A_866 = arith.constant 0 : i32
        %get3A_867 = arith.index_cast %get3A_865 : i32 to index
        %get3A_868 = arith.index_cast %get3A_866 : i32 to index
        %get3A_869 = arith.index_cast %scan3A_813 : i32 to index
        %get3A_870 = arith.constant 16 : index
        %get3A_871 = tpu.vector_load %arg13[%get3A_867, %get3A_868, %get3A_869, %get3A_870] {strides = array<i32>} : memref<2x2x100x32xf32, #tpu.memory_space<vmem>>, vector<1x1x1x16xf32>,
        %get3A_872 = vector.shape_cast %get3A_871 : vector<1x1x1x16xf32> to vector<16xf32>
        %add3A_873 = arith.addf %get3A_864, %get3A_872 : vector<16xf32>
        %mul3A_874 = arith.constant 16 : i32
        %mul3A_875 = arith.muli %scan3A_813, %mul3A_874 : i32
        %add3A_876 = arith.constant 0 : i32
        %add3A_877 = arith.addi %add3A_876, %mul3A_875 : i32
        %get3A_878 = arith.constant 1 : i32
        %get3A_879 = arith.index_cast %get3A_878 : i32 to index
        %get3A_880 = arith.index_cast %add3A_877 : i32 to index
        %get3A_881 = tpu.vector_load %arg15[%get3A_879, %get3A_880] {strides = array<i32>} : memref<2x3200xf32, #tpu.memory_space<vmem>>, vector<1x16xf32>,
        %get3A_882 = vector.shape_cast %get3A_881 : vector<1x16xf32> to vector<16xf32>
        %add3A_883 = arith.addf %add3A_873, %get3A_882 : vector<16xf32>
        %mul3A_884 = arith.constant 16 : i32
        %mul3A_885 = arith.muli %scan3A_813, %mul3A_884 : i32
        %add3A_886 = arith.constant 0 : i32
        %add3A_887 = arith.addi %add3A_886, %mul3A_885 : i32
        %swap3A_888 = arith.constant 1 : i32
        %swap3A_889 = arith.index_cast %swap3A_888 : i32 to index
        %swap3A_890 = arith.index_cast %add3A_887 : i32 to index
        %swap3A_891 = tpu.vector_load %arg18[%swap3A_889, %swap3A_890] {strides = array<i32>} : memref<2x3200xf32, #tpu.memory_space<vmem>>, vector<1x16xf32>,
        %swap3A_892 = vector.shape_cast %swap3A_891 : vector<1x16xf32> to vector<16xf32>
        %swap3A_893 = vector.shape_cast %add3A_883 : vector<16xf32> to vector<1x16xf32>
        tpu.vector_store %arg18[%swap3A_889, %swap3A_890], %swap3A_893 {strides = array<i32>} : memref<2x3200xf32, #tpu.memory_space<vmem>>, vector<1x16xf32>,
      }
      %scan3A_711 = arith.constant 100 : i32
      %scan3A_712 = arith.constant 0 : i32
      %scan3A_713 = arith.constant 0 : i32
      %scan3A_714 = arith.constant 100 : i32
      %scan3A_715 = arith.addi %scan3A_713, %scan3A_714 : i32
      %scan3A_716 = arith.constant 1 : i32
      scf.for %scan3A_813 = %scan3A_713 to %scan3A_715 step %scan3A_716  : i32 {
        %mul3A_814 = arith.constant 16 : i32
        %mul3A_815 = arith.muli %scan3A_813, %mul3A_814 : i32
        %add3A_816 = arith.constant 1600 : i32
        %add3A_817 = arith.addi %add3A_816, %mul3A_815 : i32
        %get3A = arith.constant 1 : i32
        %get3A_818 = arith.index_cast %get3A : i32 to index
        %get3A_819 = arith.index_cast %add3A_817 : i32 to index
        %get3A_820 = tpu.vector_load %arg14[%get3A_818, %get3A_819] {strides = array<i32>} : memref<2x3200xf32, #tpu.memory_space<vmem>>, vector<1x16xf32>,
        %get3A_821 = vector.shape_cast %get3A_820 : vector<1x16xf32> to vector<16xf32>
        %get3A_822 = arith.constant 1 : i32
        %get3A_823 = arith.constant 1 : i32
        %get3A_824 = arith.index_cast %get3A_822 : i32 to index
        %get3A_825 = arith.index_cast %get3A_823 : i32 to index
        %get3A_826 = arith.index_cast %scan3A_813 : i32 to index
        %get3A_827 = arith.constant 0 : index
        %get3A_828 = tpu.vector_load %arg12[%get3A_824, %get3A_825, %get3A_826, %get3A_827] {strides = array<i32>} : memref<2x2x100x32xf32, #tpu.memory_space<vmem>>, vector<1x1x1x16xf32>,
        %get3A_829 = vector.shape_cast %get3A_828 : vector<1x1x1x16xf32> to vector<16xf32>
        %add3A_830 = arith.addf %get3A_829, %get3A_821 : vector<16xf32>
        %swap3A = arith.constant 1 : i32
        %swap3A_831 = arith.constant 1 : i32
        %swap3A_832 = arith.index_cast %swap3A : i32 to index
        %swap3A_833 = arith.index_cast %swap3A_831 : i32 to index
        %swap3A_834 = arith.index_cast %scan3A_813 : i32 to index
        %swap3A_835 = arith.constant 0 : index
        %swap3A_836 = tpu.vector_load %arg16[%swap3A_832, %swap3A_833, %swap3A_834, %swap3A_835] {strides = array<i32>} : memref<2x2x100x32xf32, #tpu.memory_space<vmem>>, vector<1x1x1x16xf32>,
        %swap3A_837 = vector.shape_cast %swap3A_836 : vector<1x1x1x16xf32> to vector<16xf32>
        %swap3A_838 = vector.shape_cast %add3A_830 : vector<16xf32> to vector<1x1x1x16xf32>
        tpu.vector_store %arg16[%swap3A_832, %swap3A_833, %swap3A_834, %swap3A_835], %swap3A_838 {strides = array<i32>} : memref<2x2x100x32xf32, #tpu.memory_space<vmem>>, vector<1x1x1x16xf32>,
        %get3A_839 = arith.constant 1 : i32
        %get3A_840 = arith.constant 1 : i32
        %get3A_841 = arith.index_cast %get3A_839 : i32 to index
        %get3A_842 = arith.index_cast %get3A_840 : i32 to index
        %get3A_843 = arith.index_cast %scan3A_813 : i32 to index
        %get3A_844 = arith.constant 0 : index
        %get3A_845 = tpu.vector_load %arg13[%get3A_841, %get3A_842, %get3A_843, %get3A_844] {strides = array<i32>} : memref<2x2x100x32xf32, #tpu.memory_space<vmem>>, vector<1x1x1x16xf32>,
        %get3A_846 = vector.shape_cast %get3A_845 : vector<1x1x1x16xf32> to vector<16xf32>
        %add3A_847 = arith.addf %get3A_846, %get3A_821 : vector<16xf32>
        %swap3A_848 = arith.constant 1 : i32
        %swap3A_849 = arith.constant 1 : i32
        %swap3A_850 = arith.index_cast %swap3A_848 : i32 to index
        %swap3A_851 = arith.index_cast %swap3A_849 : i32 to index
        %swap3A_852 = arith.index_cast %scan3A_813 : i32 to index
        %swap3A_853 = arith.constant 0 : index
        %swap3A_854 = tpu.vector_load %arg17[%swap3A_850, %swap3A_851, %swap3A_852, %swap3A_853] {strides = array<i32>} : memref<2x2x100x32xf32, #tpu.memory_space<vmem>>, vector<1x1x1x16xf32>,
        %swap3A_855 = vector.shape_cast %swap3A_854 : vector<1x1x1x16xf32> to vector<16xf32>
        %swap3A_856 = vector.shape_cast %add3A_847 : vector<16xf32> to vector<1x1x1x16xf32>
        tpu.vector_store %arg17[%swap3A_850, %swap3A_851, %swap3A_852, %swap3A_853], %swap3A_856 {strides = array<i32>} : memref<2x2x100x32xf32, #tpu.memory_space<vmem>>, vector<1x1x1x16xf32>,
        %get3A_857 = arith.constant 1 : i32
        %get3A_858 = arith.constant 1 : i32
        %get3A_859 = arith.index_cast %get3A_857 : i32 to index
        %get3A_860 = arith.index_cast %get3A_858 : i32 to index
        %get3A_861 = arith.index_cast %scan3A_813 : i32 to index
        %get3A_862 = arith.constant 16 : index
        %get3A_863 = tpu.vector_load %arg12[%get3A_859, %get3A_860, %get3A_861, %get3A_862] {strides = array<i32>} : memref<2x2x100x32xf32, #tpu.memory_space<vmem>>, vector<1x1x1x16xf32>,
        %get3A_864 = vector.shape_cast %get3A_863 : vector<1x1x1x16xf32> to vector<16xf32>
        %get3A_865 = arith.constant 1 : i32
        %get3A_866 = arith.constant 1 : i32
        %get3A_867 = arith.index_cast %get3A_865 : i32 to index
        %get3A_868 = arith.index_cast %get3A_866 : i32 to index
        %get3A_869 = arith.index_cast %scan3A_813 : i32 to index
        %get3A_870 = arith.constant 16 : index
        %get3A_871 = tpu.vector_load %arg13[%get3A_867, %get3A_868, %get3A_869, %get3A_870] {strides = array<i32>} : memref<2x2x100x32xf32, #tpu.memory_space<vmem>>, vector<1x1x1x16xf32>,
        %get3A_872 = vector.shape_cast %get3A_871 : vector<1x1x1x16xf32> to vector<16xf32>
        %add3A_873 = arith.addf %get3A_864, %get3A_872 : vector<16xf32>
        %mul3A_874 = arith.constant 16 : i32
        %mul3A_875 = arith.muli %scan3A_813, %mul3A_874 : i32
        %add3A_876 = arith.constant 1600 : i32
        %add3A_877 = arith.addi %add3A_876, %mul3A_875 : i32
        %get3A_878 = arith.constant 1 : i32
        %get3A_879 = arith.index_cast %get3A_878 : i32 to index
        %get3A_880 = arith.index_cast %add3A_877 : i32 to index
        %get3A_881 = tpu.vector_load %arg15[%get3A_879, %get3A_880] {strides = array<i32>} : memref<2x3200xf32, #tpu.memory_space<vmem>>, vector<1x16xf32>,
        %get3A_882 = vector.shape_cast %get3A_881 : vector<1x16xf32> to vector<16xf32>
        %add3A_883 = arith.addf %add3A_873, %get3A_882 : vector<16xf32>
        %mul3A_884 = arith.constant 16 : i32
        %mul3A_885 = arith.muli %scan3A_813, %mul3A_884 : i32
        %add3A_886 = arith.constant 1600 : i32
        %add3A_887 = arith.addi %add3A_886, %mul3A_885 : i32
        %swap3A_888 = arith.constant 1 : i32
        %swap3A_889 = arith.index_cast %swap3A_888 : i32 to index
        %swap3A_890 = arith.index_cast %add3A_887 : i32 to index
        %swap3A_891 = tpu.vector_load %arg18[%swap3A_889, %swap3A_890] {strides = array<i32>} : memref<2x3200xf32, #tpu.memory_space<vmem>>, vector<1x16xf32>,
        %swap3A_892 = vector.shape_cast %swap3A_891 : vector<1x16xf32> to vector<16xf32>
        %swap3A_893 = vector.shape_cast %add3A_883 : vector<16xf32> to vector<1x16xf32>
        tpu.vector_store %arg18[%swap3A_889, %swap3A_890], %swap3A_893 {strides = array<i32>} : memref<2x3200xf32, #tpu.memory_space<vmem>>, vector<1x16xf32>,
      }
      %scan3A_717 = arith.constant 100 : i32
      %add3A_718 = arith.addi %mul3A_10, %add3A_601 : i32
      %mul3A_719 = arith.constant 3200 : i32
      %mul3A_720 = arith.muli %add3A_718, %mul3A_719 : i32
      %mul3A_721 = arith.constant 2 : i32
      %mul3A_722 = arith.muli %mul3A_721, %add3A_601 : i32
      %add3A_723 = arith.constant 0 : i32
      %add3A_724 = arith.addi %mul3A_722, %add3A_723 : i32
      %mul3A_725 = arith.constant 2 : i32
      %mul3A_726 = arith.muli %mul3A_725, %add3A_601 : i32
      %add3A_727 = arith.constant 1 : i32
      %add3A_728 = arith.addi %mul3A_726, %add3A_727 : i32
      %dma_start3A_729 = arith.constant 1 : i32
      %dma_start3A_730 = arith.constant 0 : i32
      %dma_start3A_731 = tpu.memref_slice %arg18[%dma_start3A_729, %dma_start3A_730] : memref<2x3200xf32, #tpu.memory_space<vmem>> -> memref<1x3200xf32, #tpu.memory_space<vmem>>
      %dma_start3A_732 = tpu.memref_squeeze %dma_start3A_731 : memref<1x3200xf32, #tpu.memory_space<vmem>> -> memref<3200xf32, #tpu.memory_space<vmem>>
      %dma_start3A_733 = tpu.memref_slice %arg8[%mul3A_720] : memref<5120000xf32, #tpu.memory_space<hbm>> -> memref<3200xf32, #tpu.memory_space<hbm>>
      %dma_start3A_734 = tpu.memref_slice %arg8[%mul3A_720] : memref<5120000xf32, #tpu.memory_space<hbm>> -> memref<3200xf32, #tpu.memory_space<hbm>>
      %dma_start3A_735 = arith.constant 0 : i32
      %dma_start3A_736 = tpu.memref_slice %arg18[%dma_start3A_729, %dma_start3A_735] : memref<2x3200xf32, #tpu.memory_space<vmem>> -> memref<1x3200xf32, #tpu.memory_space<vmem>>
      %dma_start3A_737 = tpu.memref_squeeze %dma_start3A_736 : memref<1x3200xf32, #tpu.memory_space<vmem>> -> memref<3200xf32, #tpu.memory_space<vmem>>
      tpu.enqueue_dma source(%dma_start3A_737 : memref<3200xf32, #tpu.memory_space<vmem>>) target(%dma_start3A_734 : memref<3200xf32, #tpu.memory_space<hbm>>) target_semaphore(%arg22 : memref<!tpu.dma_semaphore, #tpu.memory_space<semaphore_mem>>)
      %dma_start3A_738 = arith.constant 1 : i32
      %dma_start3A_739 = arith.constant 0 : i32
      %dma_start3A_740 = arith.constant 0 : i32
      %dma_start3A_741 = arith.constant 0 : i32
      %dma_start3A_742 = arith.constant 0 : i32
      %dma_start3A_743 = tpu.memref_slice %arg16[%dma_start3A_738, %dma_start3A_740, %dma_start3A_741, %dma_start3A_742] : memref<2x2x100x32xf32, #tpu.memory_space<vmem>> -> memref<1x2x100x32xf32, #tpu.memory_space<vmem>>
      %dma_start3A_744 = tpu.memref_squeeze %dma_start3A_743 : memref<1x2x100x32xf32, #tpu.memory_space<vmem>> -> memref<2x100x32xf32, #tpu.memory_space<vmem>>
      %dma_start3A_745 = arith.constant 0 : i32
      %dma_start3A_746 = arith.constant 0 : i32
      %dma_start3A_747 = tpu.memref_slice %dma_start3A_744[%dma_start3A_739, %dma_start3A_745, %dma_start3A_746] : memref<2x100x32xf32, #tpu.memory_space<vmem>> -> memref<1x100x32xf32, #tpu.memory_space<vmem>>
      %dma_start3A_748 = tpu.memref_squeeze %dma_start3A_747 : memref<1x100x32xf32, #tpu.memory_space<vmem>> -> memref<100x32xf32, #tpu.memory_space<vmem>>
      %dma_start3A_749 = arith.constant 0 : i32
      %dma_start3A_750 = tpu.memref_slice %arg11[%add3A_724, %dma_start3A_749] : memref<100x100xi32, #tpu.memory_space<vmem>> -> memref<1x100xi32, #tpu.memory_space<vmem>>
      %dma_start3A_751 = tpu.memref_squeeze %dma_start3A_750 : memref<1x100xi32, #tpu.memory_space<vmem>> -> memref<100xi32, #tpu.memory_space<vmem>>
      %dma_start3A_752 = arith.constant 0 : i32
      %dma_start3A_753 = arith.constant 0 : i32
      %dma_start3A_754 = tpu.memref_slice %arg19[%dma_start3A_752, %dma_start3A_753] : memref<10000x32xf32, #tpu.memory_space<vmem_shared>> -> memref<10000x32xf32, #tpu.memory_space<vmem_shared>>
      tpu.enqueue_indirect_dma source(%dma_start3A_748 : memref<100x32xf32, #tpu.memory_space<vmem>>) target(%dma_start3A_754 : memref<10000x32xf32, #tpu.memory_space<vmem_shared>>) offsets(%dma_start3A_751 : memref<100xi32, #tpu.memory_space<vmem>>) semaphore(%arg23 : memref<!tpu.dma_semaphore, #tpu.memory_space<semaphore_mem>>) {add = true}
      %dma_start3A_755 = arith.constant 1 : i32
      %dma_start3A_756 = arith.constant 0 : i32
      %dma_start3A_757 = arith.constant 0 : i32
      %dma_start3A_758 = arith.constant 0 : i32
      %dma_start3A_759 = arith.constant 0 : i32
      %dma_start3A_760 = tpu.memref_slice %arg17[%dma_start3A_755, %dma_start3A_757, %dma_start3A_758, %dma_start3A_759] : memref<2x2x100x32xf32, #tpu.memory_space<vmem>> -> memref<1x2x100x32xf32, #tpu.memory_space<vmem>>
      %dma_start3A_761 = tpu.memref_squeeze %dma_start3A_760 : memref<1x2x100x32xf32, #tpu.memory_space<vmem>> -> memref<2x100x32xf32, #tpu.memory_space<vmem>>
      %dma_start3A_762 = arith.constant 0 : i32
      %dma_start3A_763 = arith.constant 0 : i32
      %dma_start3A_764 = tpu.memref_slice %dma_start3A_761[%dma_start3A_756, %dma_start3A_762, %dma_start3A_763] : memref<2x100x32xf32, #tpu.memory_space<vmem>> -> memref<1x100x32xf32, #tpu.memory_space<vmem>>
      %dma_start3A_765 = tpu.memref_squeeze %dma_start3A_764 : memref<1x100x32xf32, #tpu.memory_space<vmem>> -> memref<100x32xf32, #tpu.memory_space<vmem>>
      %dma_start3A_766 = arith.constant 0 : i32
      %dma_start3A_767 = tpu.memref_slice %arg10[%add3A_724, %dma_start3A_766] : memref<100x100xi32, #tpu.memory_space<vmem>> -> memref<1x100xi32, #tpu.memory_space<vmem>>
      %dma_start3A_768 = tpu.memref_squeeze %dma_start3A_767 : memref<1x100xi32, #tpu.memory_space<vmem>> -> memref<100xi32, #tpu.memory_space<vmem>>
      %dma_start3A_769 = arith.constant 0 : i32
      %dma_start3A_770 = arith.constant 0 : i32
      %dma_start3A_771 = tpu.memref_slice %arg19[%dma_start3A_769, %dma_start3A_770] : memref<10000x32xf32, #tpu.memory_space<vmem_shared>> -> memref<10000x32xf32, #tpu.memory_space<vmem_shared>>
      tpu.enqueue_indirect_dma source(%dma_start3A_765 : memref<100x32xf32, #tpu.memory_space<vmem>>) target(%dma_start3A_771 : memref<10000x32xf32, #tpu.memory_space<vmem_shared>>) offsets(%dma_start3A_768 : memref<100xi32, #tpu.memory_space<vmem>>) semaphore(%arg23 : memref<!tpu.dma_semaphore, #tpu.memory_space<semaphore_mem>>) {add = true}
      %dma_start3A_772 = arith.constant 1 : i32
      %dma_start3A_773 = arith.constant 1 : i32
      %dma_start3A_774 = arith.constant 0 : i32
      %dma_start3A_775 = arith.constant 0 : i32
      %dma_start3A_776 = arith.constant 0 : i32
      %dma_start3A_777 = tpu.memref_slice %arg16[%dma_start3A_772, %dma_start3A_774, %dma_start3A_775, %dma_start3A_776] : memref<2x2x100x32xf32, #tpu.memory_space<vmem>> -> memref<1x2x100x32xf32, #tpu.memory_space<vmem>>
      %dma_start3A_778 = tpu.memref_squeeze %dma_start3A_777 : memref<1x2x100x32xf32, #tpu.memory_space<vmem>> -> memref<2x100x32xf32, #tpu.memory_space<vmem>>
      %dma_start3A_779 = arith.constant 0 : i32
      %dma_start3A_780 = arith.constant 0 : i32
      %dma_start3A_781 = tpu.memref_slice %dma_start3A_778[%dma_start3A_773, %dma_start3A_779, %dma_start3A_780] : memref<2x100x32xf32, #tpu.memory_space<vmem>> -> memref<1x100x32xf32, #tpu.memory_space<vmem>>
      %dma_start3A_782 = tpu.memref_squeeze %dma_start3A_781 : memref<1x100x32xf32, #tpu.memory_space<vmem>> -> memref<100x32xf32, #tpu.memory_space<vmem>>
      %dma_start3A_783 = arith.constant 0 : i32
      %dma_start3A_784 = tpu.memref_slice %arg11[%add3A_728, %dma_start3A_783] : memref<100x100xi32, #tpu.memory_space<vmem>> -> memref<1x100xi32, #tpu.memory_space<vmem>>
      %dma_start3A_785 = tpu.memref_squeeze %dma_start3A_784 : memref<1x100xi32, #tpu.memory_space<vmem>> -> memref<100xi32, #tpu.memory_space<vmem>>
      %dma_start3A_786 = arith.constant 0 : i32
      %dma_start3A_787 = arith.constant 0 : i32
      %dma_start3A_788 = tpu.memref_slice %arg19[%dma_start3A_786, %dma_start3A_787] : memref<10000x32xf32, #tpu.memory_space<vmem_shared>> -> memref<10000x32xf32, #tpu.memory_space<vmem_shared>>
      tpu.enqueue_indirect_dma source(%dma_start3A_782 : memref<100x32xf32, #tpu.memory_space<vmem>>) target(%dma_start3A_788 : memref<10000x32xf32, #tpu.memory_space<vmem_shared>>) offsets(%dma_start3A_785 : memref<100xi32, #tpu.memory_space<vmem>>) semaphore(%arg23 : memref<!tpu.dma_semaphore, #tpu.memory_space<semaphore_mem>>) {add = true}
      %dma_start3A_789 = arith.constant 1 : i32
      %dma_start3A_790 = arith.constant 1 : i32
      %dma_start3A_791 = arith.constant 0 : i32
      %dma_start3A_792 = arith.constant 0 : i32
      %dma_start3A_793 = arith.constant 0 : i32
      %dma_start3A_794 = tpu.memref_slice %arg17[%dma_start3A_789, %dma_start3A_791, %dma_start3A_792, %dma_start3A_793] : memref<2x2x100x32xf32, #tpu.memory_space<vmem>> -> memref<1x2x100x32xf32, #tpu.memory_space<vmem>>
      %dma_start3A_795 = tpu.memref_squeeze %dma_start3A_794 : memref<1x2x100x32xf32, #tpu.memory_space<vmem>> -> memref<2x100x32xf32, #tpu.memory_space<vmem>>
      %dma_start3A_796 = arith.constant 0 : i32
      %dma_start3A_797 = arith.constant 0 : i32
      %dma_start3A_798 = tpu.memref_slice %dma_start3A_795[%dma_start3A_790, %dma_start3A_796, %dma_start3A_797] : memref<2x100x32xf32, #tpu.memory_space<vmem>> -> memref<1x100x32xf32, #tpu.memory_space<vmem>>
      %dma_start3A_799 = tpu.memref_squeeze %dma_start3A_798 : memref<1x100x32xf32, #tpu.memory_space<vmem>> -> memref<100x32xf32, #tpu.memory_space<vmem>>
      %dma_start3A_800 = arith.constant 0 : i32
      %dma_start3A_801 = tpu.memref_slice %arg10[%add3A_728, %dma_start3A_800] : memref<100x100xi32, #tpu.memory_space<vmem>> -> memref<1x100xi32, #tpu.memory_space<vmem>>
      %dma_start3A_802 = tpu.memref_squeeze %dma_start3A_801 : memref<1x100xi32, #tpu.memory_space<vmem>> -> memref<100xi32, #tpu.memory_space<vmem>>
      %dma_start3A_803 = arith.constant 0 : i32
      %dma_start3A_804 = arith.constant 0 : i32
      %dma_start3A_805 = tpu.memref_slice %arg19[%dma_start3A_803, %dma_start3A_804] : memref<10000x32xf32, #tpu.memory_space<vmem_shared>> -> memref<10000x32xf32, #tpu.memory_space<vmem_shared>>
      tpu.enqueue_indirect_dma source(%dma_start3A_799 : memref<100x32xf32, #tpu.memory_space<vmem>>) target(%dma_start3A_805 : memref<10000x32xf32, #tpu.memory_space<vmem_shared>>) offsets(%dma_start3A_802 : memref<100xi32, #tpu.memory_space<vmem>>) semaphore(%arg23 : memref<!tpu.dma_semaphore, #tpu.memory_space<semaphore_mem>>) {add = true}
      %add3A_806 = arith.constant 1 : i32
      %add3A_807 = arith.addi %scan3A_383, %add3A_806 : i32
      %lt3A_808 = arith.constant 25 : i32
      %lt3A_809 = arith.cmpi slt, %add3A_807, %lt3A_808 : i32
      %convert_element_type3A_810 = arith.extui %lt3A_809 : i1 to i32
      %cond3A_811 = arith.constant 0 : i32
      %cond3A_812 = arith.cmpi ne, %convert_element_type3A_810, %cond3A_811 : i32
      scf.if %cond3A_812 {
        %add3A_813 = arith.constant 2 : i32
        %add3A_814 = arith.addi %add3A_601, %add3A_813 : i32
        %add3A_815 = arith.addi %mul3A_10, %add3A_814 : i32
        %mul3A_816 = arith.constant 3200 : i32
        %mul3A_817 = arith.muli %add3A_815, %mul3A_816 : i32
        %mul3A_818 = arith.constant 3200 : i32
        %mul3A_819 = arith.muli %add3A_815, %mul3A_818 : i32
        %mul3A_820 = arith.constant 2 : i32
        %mul3A_821 = arith.muli %mul3A_820, %add3A_814 : i32
        %add3A_822 = arith.constant 0 : i32
        %add3A_823 = arith.addi %mul3A_821, %add3A_822 : i32
        %mul3A_824 = arith.constant 2 : i32
        %mul3A_825 = arith.muli %mul3A_824, %add3A_814 : i32
        %add3A_826 = arith.constant 1 : i32
        %add3A_827 = arith.addi %mul3A_825, %add3A_826 : i32
        %dma_start3A_828 = arith.constant 1 : i32
        %dma_start3A_829 = arith.constant 0 : i32
        %dma_start3A_830 = tpu.memref_slice %arg14[%dma_start3A_828, %dma_start3A_829] : memref<2x3200xf32, #tpu.memory_space<vmem>> -> memref<1x3200xf32, #tpu.memory_space<vmem>>
        %dma_start3A_831 = tpu.memref_squeeze %dma_start3A_830 : memref<1x3200xf32, #tpu.memory_space<vmem>> -> memref<3200xf32, #tpu.memory_space<vmem>>
        %dma_start3A_832 = tpu.memref_slice %arg5[%mul3A_817] : memref<5120000xf32, #tpu.memory_space<hbm>> -> memref<3200xf32, #tpu.memory_space<hbm>>
        %dma_start3A_833 = arith.constant 0 : i32
        %dma_start3A_834 = tpu.memref_slice %arg14[%dma_start3A_828, %dma_start3A_833] : memref<2x3200xf32, #tpu.memory_space<vmem>> -> memref<1x3200xf32, #tpu.memory_space<vmem>>
        %dma_start3A_835 = tpu.memref_squeeze %dma_start3A_834 : memref<1x3200xf32, #tpu.memory_space<vmem>> -> memref<3200xf32, #tpu.memory_space<vmem>>
        %dma_start3A_836 = tpu.memref_slice %arg5[%mul3A_817] : memref<5120000xf32, #tpu.memory_space<hbm>> -> memref<3200xf32, #tpu.memory_space<hbm>>
        tpu.enqueue_dma source(%dma_start3A_836 : memref<3200xf32, #tpu.memory_space<hbm>>) target(%dma_start3A_835 : memref<3200xf32, #tpu.memory_space<vmem>>) target_semaphore(%arg21 : memref<!tpu.dma_semaphore, #tpu.memory_space<semaphore_mem>>)
        %dma_start3A_837 = arith.constant 1 : i32
        %dma_start3A_838 = arith.constant 0 : i32
        %dma_start3A_839 = tpu.memref_slice %arg15[%dma_start3A_837, %dma_start3A_838] : memref<2x3200xf32, #tpu.memory_space<vmem>> -> memref<1x3200xf32, #tpu.memory_space<vmem>>
        %dma_start3A_840 = tpu.memref_squeeze %dma_start3A_839 : memref<1x3200xf32, #tpu.memory_space<vmem>> -> memref<3200xf32, #tpu.memory_space<vmem>>
        %dma_start3A_841 = tpu.memref_slice %arg6[%mul3A_819] : memref<5120000xf32, #tpu.memory_space<hbm>> -> memref<3200xf32, #tpu.memory_space<hbm>>
        %dma_start3A_842 = arith.constant 0 : i32
        %dma_start3A_843 = tpu.memref_slice %arg15[%dma_start3A_837, %dma_start3A_842] : memref<2x3200xf32, #tpu.memory_space<vmem>> -> memref<1x3200xf32, #tpu.memory_space<vmem>>
        %dma_start3A_844 = tpu.memref_squeeze %dma_start3A_843 : memref<1x3200xf32, #tpu.memory_space<vmem>> -> memref<3200xf32, #tpu.memory_space<vmem>>
        %dma_start3A_845 = tpu.memref_slice %arg6[%mul3A_819] : memref<5120000xf32, #tpu.memory_space<hbm>> -> memref<3200xf32, #tpu.memory_space<hbm>>
        tpu.enqueue_dma source(%dma_start3A_845 : memref<3200xf32, #tpu.memory_space<hbm>>) target(%dma_start3A_844 : memref<3200xf32, #tpu.memory_space<vmem>>) target_semaphore(%arg21 : memref<!tpu.dma_semaphore, #tpu.memory_space<semaphore_mem>>)
        %dma_start3A_846 = arith.constant 1 : i32
        %dma_start3A_847 = arith.constant 0 : i32
        %dma_start3A_848 = arith.constant 0 : i32
        %dma_start3A_849 = arith.constant 0 : i32
        %dma_start3A_850 = arith.constant 0 : i32
        %dma_start3A_851 = tpu.memref_slice %arg12[%dma_start3A_846, %dma_start3A_848, %dma_start3A_849, %dma_start3A_850] : memref<2x2x100x32xf32, #tpu.memory_space<vmem>> -> memref<1x2x100x32xf32, #tpu.memory_space<vmem>>
        %dma_start3A_852 = tpu.memref_squeeze %dma_start3A_851 : memref<1x2x100x32xf32, #tpu.memory_space<vmem>> -> memref<2x100x32xf32, #tpu.memory_space<vmem>>
        %dma_start3A_853 = arith.constant 0 : i32
        %dma_start3A_854 = arith.constant 0 : i32
        %dma_start3A_855 = tpu.memref_slice %dma_start3A_852[%dma_start3A_847, %dma_start3A_853, %dma_start3A_854] : memref<2x100x32xf32, #tpu.memory_space<vmem>> -> memref<1x100x32xf32, #tpu.memory_space<vmem>>
        %dma_start3A_856 = tpu.memref_squeeze %dma_start3A_855 : memref<1x100x32xf32, #tpu.memory_space<vmem>> -> memref<100x32xf32, #tpu.memory_space<vmem>>
        %dma_start3A_857 = arith.constant 0 : i32
        %dma_start3A_858 = tpu.memref_slice %arg10[%add3A_823, %dma_start3A_857] : memref<100x100xi32, #tpu.memory_space<vmem>> -> memref<1x100xi32, #tpu.memory_space<vmem>>
        %dma_start3A_859 = tpu.memref_squeeze %dma_start3A_858 : memref<1x100xi32, #tpu.memory_space<vmem>> -> memref<100xi32, #tpu.memory_space<vmem>>
        %dma_start3A_860 = arith.constant 0 : i32
        %dma_start3A_861 = arith.constant 0 : i32
        %dma_start3A_862 = tpu.memref_slice %arg2[%dma_start3A_860, %dma_start3A_861] : memref<10000x32xf32, #tpu.memory_space<hbm>> -> memref<10000x32xf32, #tpu.memory_space<hbm>>
        tpu.enqueue_indirect_dma source(%dma_start3A_862 : memref<10000x32xf32, #tpu.memory_space<hbm>>) target(%dma_start3A_856 : memref<100x32xf32, #tpu.memory_space<vmem>>) offsets(%dma_start3A_859 : memref<100xi32, #tpu.memory_space<vmem>>) semaphore(%arg20 : memref<!tpu.dma_semaphore, #tpu.memory_space<semaphore_mem>>)
        %dma_start3A_863 = arith.constant 1 : i32
        %dma_start3A_864 = arith.constant 0 : i32
        %dma_start3A_865 = arith.constant 0 : i32
        %dma_start3A_866 = arith.constant 0 : i32
        %dma_start3A_867 = arith.constant 0 : i32
        %dma_start3A_868 = tpu.memref_slice %arg13[%dma_start3A_863, %dma_start3A_865, %dma_start3A_866, %dma_start3A_867] : memref<2x2x100x32xf32, #tpu.memory_space<vmem>> -> memref<1x2x100x32xf32, #tpu.memory_space<vmem>>
        %dma_start3A_869 = tpu.memref_squeeze %dma_start3A_868 : memref<1x2x100x32xf32, #tpu.memory_space<vmem>> -> memref<2x100x32xf32, #tpu.memory_space<vmem>>
        %dma_start3A_870 = arith.constant 0 : i32
        %dma_start3A_871 = arith.constant 0 : i32
        %dma_start3A_872 = tpu.memref_slice %dma_start3A_869[%dma_start3A_864, %dma_start3A_870, %dma_start3A_871] : memref<2x100x32xf32, #tpu.memory_space<vmem>> -> memref<1x100x32xf32, #tpu.memory_space<vmem>>
        %dma_start3A_873 = tpu.memref_squeeze %dma_start3A_872 : memref<1x100x32xf32, #tpu.memory_space<vmem>> -> memref<100x32xf32, #tpu.memory_space<vmem>>
        %dma_start3A_874 = arith.constant 0 : i32
        %dma_start3A_875 = tpu.memref_slice %arg11[%add3A_823, %dma_start3A_874] : memref<100x100xi32, #tpu.memory_space<vmem>> -> memref<1x100xi32, #tpu.memory_space<vmem>>
        %dma_start3A_876 = tpu.memref_squeeze %dma_start3A_875 : memref<1x100xi32, #tpu.memory_space<vmem>> -> memref<100xi32, #tpu.memory_space<vmem>>
        %dma_start3A_877 = arith.constant 0 : i32
        %dma_start3A_878 = arith.constant 0 : i32
        %dma_start3A_879 = tpu.memref_slice %arg2[%dma_start3A_877, %dma_start3A_878] : memref<10000x32xf32, #tpu.memory_space<hbm>> -> memref<10000x32xf32, #tpu.memory_space<hbm>>
        tpu.enqueue_indirect_dma source(%dma_start3A_879 : memref<10000x32xf32, #tpu.memory_space<hbm>>) target(%dma_start3A_873 : memref<100x32xf32, #tpu.memory_space<vmem>>) offsets(%dma_start3A_876 : memref<100xi32, #tpu.memory_space<vmem>>) semaphore(%arg20 : memref<!tpu.dma_semaphore, #tpu.memory_space<semaphore_mem>>)
        %dma_start3A_880 = arith.constant 1 : i32
        %dma_start3A_881 = arith.constant 1 : i32
        %dma_start3A_882 = arith.constant 0 : i32
        %dma_start3A_883 = arith.constant 0 : i32
        %dma_start3A_884 = arith.constant 0 : i32
        %dma_start3A_885 = tpu.memref_slice %arg12[%dma_start3A_880, %dma_start3A_882, %dma_start3A_883, %dma_start3A_884] : memref<2x2x100x32xf32, #tpu.memory_space<vmem>> -> memref<1x2x100x32xf32, #tpu.memory_space<vmem>>
        %dma_start3A_886 = tpu.memref_squeeze %dma_start3A_885 : memref<1x2x100x32xf32, #tpu.memory_space<vmem>> -> memref<2x100x32xf32, #tpu.memory_space<vmem>>
        %dma_start3A_887 = arith.constant 0 : i32
        %dma_start3A_888 = arith.constant 0 : i32
        %dma_start3A_889 = tpu.memref_slice %dma_start3A_886[%dma_start3A_881, %dma_start3A_887, %dma_start3A_888] : memref<2x100x32xf32, #tpu.memory_space<vmem>> -> memref<1x100x32xf32, #tpu.memory_space<vmem>>
        %dma_start3A_890 = tpu.memref_squeeze %dma_start3A_889 : memref<1x100x32xf32, #tpu.memory_space<vmem>> -> memref<100x32xf32, #tpu.memory_space<vmem>>
        %dma_start3A_891 = arith.constant 0 : i32
        %dma_start3A_892 = tpu.memref_slice %arg10[%add3A_827, %dma_start3A_891] : memref<100x100xi32, #tpu.memory_space<vmem>> -> memref<1x100xi32, #tpu.memory_space<vmem>>
        %dma_start3A_893 = tpu.memref_squeeze %dma_start3A_892 : memref<1x100xi32, #tpu.memory_space<vmem>> -> memref<100xi32, #tpu.memory_space<vmem>>
        %dma_start3A_894 = arith.constant 0 : i32
        %dma_start3A_895 = arith.constant 0 : i32
        %dma_start3A_896 = tpu.memref_slice %arg2[%dma_start3A_894, %dma_start3A_895] : memref<10000x32xf32, #tpu.memory_space<hbm>> -> memref<10000x32xf32, #tpu.memory_space<hbm>>
        tpu.enqueue_indirect_dma source(%dma_start3A_896 : memref<10000x32xf32, #tpu.memory_space<hbm>>) target(%dma_start3A_890 : memref<100x32xf32, #tpu.memory_space<vmem>>) offsets(%dma_start3A_893 : memref<100xi32, #tpu.memory_space<vmem>>) semaphore(%arg20 : memref<!tpu.dma_semaphore, #tpu.memory_space<semaphore_mem>>)
        %dma_start3A_897 = arith.constant 1 : i32
        %dma_start3A_898 = arith.constant 1 : i32
        %dma_start3A_899 = arith.constant 0 : i32
        %dma_start3A_900 = arith.constant 0 : i32
        %dma_start3A_901 = arith.constant 0 : i32
        %dma_start3A_902 = tpu.memref_slice %arg13[%dma_start3A_897, %dma_start3A_899, %dma_start3A_900, %dma_start3A_901] : memref<2x2x100x32xf32, #tpu.memory_space<vmem>> -> memref<1x2x100x32xf32, #tpu.memory_space<vmem>>
        %dma_start3A_903 = tpu.memref_squeeze %dma_start3A_902 : memref<1x2x100x32xf32, #tpu.memory_space<vmem>> -> memref<2x100x32xf32, #tpu.memory_space<vmem>>
        %dma_start3A_904 = arith.constant 0 : i32
        %dma_start3A_905 = arith.constant 0 : i32
        %dma_start3A_906 = tpu.memref_slice %dma_start3A_903[%dma_start3A_898, %dma_start3A_904, %dma_start3A_905] : memref<2x100x32xf32, #tpu.memory_space<vmem>> -> memref<1x100x32xf32, #tpu.memory_space<vmem>>
        %dma_start3A_907 = tpu.memref_squeeze %dma_start3A_906 : memref<1x100x32xf32, #tpu.memory_space<vmem>> -> memref<100x32xf32, #tpu.memory_space<vmem>>
        %dma_start3A_908 = arith.constant 0 : i32
        %dma_start3A_909 = tpu.memref_slice %arg11[%add3A_827, %dma_start3A_908] : memref<100x100xi32, #tpu.memory_space<vmem>> -> memref<1x100xi32, #tpu.memory_space<vmem>>
        %dma_start3A_910 = tpu.memref_squeeze %dma_start3A_909 : memref<1x100xi32, #tpu.memory_space<vmem>> -> memref<100xi32, #tpu.memory_space<vmem>>
        %dma_start3A_911 = arith.constant 0 : i32
        %dma_start3A_912 = arith.constant 0 : i32
        %dma_start3A_913 = tpu.memref_slice %arg2[%dma_start3A_911, %dma_start3A_912] : memref<10000x32xf32, #tpu.memory_space<hbm>> -> memref<10000x32xf32, #tpu.memory_space<hbm>>
        tpu.enqueue_indirect_dma source(%dma_start3A_913 : memref<10000x32xf32, #tpu.memory_space<hbm>>) target(%dma_start3A_907 : memref<100x32xf32, #tpu.memory_space<vmem>>) offsets(%dma_start3A_910 : memref<100xi32, #tpu.memory_space<vmem>>) semaphore(%arg20 : memref<!tpu.dma_semaphore, #tpu.memory_space<semaphore_mem>>)
      } else {
      }
    }
    %scan3A_207 = arith.constant 25 : i32
    %add3A_208 = arith.constant 48 : i32
    %add3A_209 = arith.addi %mul3A_10, %add3A_208 : i32
    %mul3A_210 = arith.constant 3200 : i32
    %mul3A_211 = arith.muli %add3A_209, %mul3A_210 : i32
    %dma_wait3A = arith.constant 0 : i32
    %dma_wait3A_212 = arith.constant 0 : i32
    %dma_wait3A_213 = tpu.memref_slice %arg18[%dma_wait3A, %dma_wait3A_212] : memref<2x3200xf32, #tpu.memory_space<vmem>> -> memref<1x3200xf32, #tpu.memory_space<vmem>>
    %dma_wait3A_214 = tpu.memref_squeeze %dma_wait3A_213 : memref<1x3200xf32, #tpu.memory_space<vmem>> -> memref<3200xf32, #tpu.memory_space<vmem>>
    %dma_wait3A_215 = tpu.memref_slice %arg8[%mul3A_211] : memref<5120000xf32, #tpu.memory_space<hbm>> -> memref<3200xf32, #tpu.memory_space<hbm>>
    %dma_wait3A_216 = tpu.memref_slice %arg8[%mul3A_211] : memref<5120000xf32, #tpu.memory_space<hbm>> -> memref<3200xf32, #tpu.memory_space<hbm>>
    %dma_wait3A_217 = arith.constant 0 : i32
    %dma_wait3A_218 = tpu.memref_slice %arg18[%dma_wait3A, %dma_wait3A_217] : memref<2x3200xf32, #tpu.memory_space<vmem>> -> memref<1x3200xf32, #tpu.memory_space<vmem>>
    %dma_wait3A_219 = tpu.memref_squeeze %dma_wait3A_218 : memref<1x3200xf32, #tpu.memory_space<vmem>> -> memref<3200xf32, #tpu.memory_space<vmem>>
    tpu.wait_dma2 semaphore(%arg22 : memref<!tpu.dma_semaphore, #tpu.memory_space<semaphore_mem>>) src(%dma_wait3A_219 : memref<3200xf32, #tpu.memory_space<vmem>>) dst(%dma_wait3A_216 : memref<3200xf32, #tpu.memory_space<hbm>>)
    %dma_wait3A_220 = arith.constant 0 : i32
    %dma_wait3A_221 = arith.constant 0 : i32
    %dma_wait3A_222 = arith.constant 96 : i32
    %dma_wait3A_223 = arith.constant 0 : i32
    %dma_wait3A_224 = arith.constant 0 : i32
    %dma_wait3A_225 = arith.constant 0 : i32
    %dma_wait3A_226 = tpu.memref_slice %arg16[%dma_wait3A_220, %dma_wait3A_223, %dma_wait3A_224, %dma_wait3A_225] : memref<2x2x100x32xf32, #tpu.memory_space<vmem>> -> memref<1x2x100x32xf32, #tpu.memory_space<vmem>>
    %dma_wait3A_227 = tpu.memref_squeeze %dma_wait3A_226 : memref<1x2x100x32xf32, #tpu.memory_space<vmem>> -> memref<2x100x32xf32, #tpu.memory_space<vmem>>
    %dma_wait3A_228 = arith.constant 0 : i32
    %dma_wait3A_229 = arith.constant 0 : i32
    %dma_wait3A_230 = tpu.memref_slice %dma_wait3A_227[%dma_wait3A_221, %dma_wait3A_228, %dma_wait3A_229] : memref<2x100x32xf32, #tpu.memory_space<vmem>> -> memref<1x100x32xf32, #tpu.memory_space<vmem>>
    %dma_wait3A_231 = tpu.memref_squeeze %dma_wait3A_230 : memref<1x100x32xf32, #tpu.memory_space<vmem>> -> memref<100x32xf32, #tpu.memory_space<vmem>>
    %dma_wait3A_232 = arith.constant 0 : i32
    %dma_wait3A_233 = tpu.memref_slice %arg11[%dma_wait3A_222, %dma_wait3A_232] : memref<100x100xi32, #tpu.memory_space<vmem>> -> memref<1x100xi32, #tpu.memory_space<vmem>>
    %dma_wait3A_234 = tpu.memref_squeeze %dma_wait3A_233 : memref<1x100xi32, #tpu.memory_space<vmem>> -> memref<100xi32, #tpu.memory_space<vmem>>
    %dma_wait3A_235 = arith.constant 0 : i32
    %dma_wait3A_236 = arith.constant 0 : i32
    %dma_wait3A_237 = tpu.memref_slice %arg19[%dma_wait3A_235, %dma_wait3A_236] : memref<10000x32xf32, #tpu.memory_space<vmem_shared>> -> memref<10000x32xf32, #tpu.memory_space<vmem_shared>>
    tpu.wait_indirect_dma semaphore(%arg23 : memref<!tpu.dma_semaphore, #tpu.memory_space<semaphore_mem>>) src(%dma_wait3A_231 : memref<100x32xf32, #tpu.memory_space<vmem>>) dst(%dma_wait3A_237 : memref<10000x32xf32, #tpu.memory_space<vmem_shared>>)
    %dma_wait3A_238 = arith.constant 0 : i32
    %dma_wait3A_239 = arith.constant 0 : i32
    %dma_wait3A_240 = arith.constant 96 : i32
    %dma_wait3A_241 = arith.constant 0 : i32
    %dma_wait3A_242 = arith.constant 0 : i32
    %dma_wait3A_243 = arith.constant 0 : i32
    %dma_wait3A_244 = tpu.memref_slice %arg17[%dma_wait3A_238, %dma_wait3A_241, %dma_wait3A_242, %dma_wait3A_243] : memref<2x2x100x32xf32, #tpu.memory_space<vmem>> -> memref<1x2x100x32xf32, #tpu.memory_space<vmem>>
    %dma_wait3A_245 = tpu.memref_squeeze %dma_wait3A_244 : memref<1x2x100x32xf32, #tpu.memory_space<vmem>> -> memref<2x100x32xf32, #tpu.memory_space<vmem>>
    %dma_wait3A_246 = arith.constant 0 : i32
    %dma_wait3A_247 = arith.constant 0 : i32
    %dma_wait3A_248 = tpu.memref_slice %dma_wait3A_245[%dma_wait3A_239, %dma_wait3A_246, %dma_wait3A_247] : memref<2x100x32xf32, #tpu.memory_space<vmem>> -> memref<1x100x32xf32, #tpu.memory_space<vmem>>
    %dma_wait3A_249 = tpu.memref_squeeze %dma_wait3A_248 : memref<1x100x32xf32, #tpu.memory_space<vmem>> -> memref<100x32xf32, #tpu.memory_space<vmem>>
    %dma_wait3A_250 = arith.constant 0 : i32
    %dma_wait3A_251 = tpu.memref_slice %arg10[%dma_wait3A_240, %dma_wait3A_250] : memref<100x100xi32, #tpu.memory_space<vmem>> -> memref<1x100xi32, #tpu.memory_space<vmem>>
    %dma_wait3A_252 = tpu.memref_squeeze %dma_wait3A_251 : memref<1x100xi32, #tpu.memory_space<vmem>> -> memref<100xi32, #tpu.memory_space<vmem>>
    %dma_wait3A_253 = arith.constant 0 : i32
    %dma_wait3A_254 = arith.constant 0 : i32
    %dma_wait3A_255 = tpu.memref_slice %arg19[%dma_wait3A_253, %dma_wait3A_254] : memref<10000x32xf32, #tpu.memory_space<vmem_shared>> -> memref<10000x32xf32, #tpu.memory_space<vmem_shared>>
    tpu.wait_indirect_dma semaphore(%arg23 : memref<!tpu.dma_semaphore, #tpu.memory_space<semaphore_mem>>) src(%dma_wait3A_249 : memref<100x32xf32, #tpu.memory_space<vmem>>) dst(%dma_wait3A_255 : memref<10000x32xf32, #tpu.memory_space<vmem_shared>>)
    %dma_wait3A_256 = arith.constant 0 : i32
    %dma_wait3A_257 = arith.constant 1 : i32
    %dma_wait3A_258 = arith.constant 97 : i32
    %dma_wait3A_259 = arith.constant 0 : i32
    %dma_wait3A_260 = arith.constant 0 : i32
    %dma_wait3A_261 = arith.constant 0 : i32
    %dma_wait3A_262 = tpu.memref_slice %arg16[%dma_wait3A_256, %dma_wait3A_259, %dma_wait3A_260, %dma_wait3A_261] : memref<2x2x100x32xf32, #tpu.memory_space<vmem>> -> memref<1x2x100x32xf32, #tpu.memory_space<vmem>>
    %dma_wait3A_263 = tpu.memref_squeeze %dma_wait3A_262 : memref<1x2x100x32xf32, #tpu.memory_space<vmem>> -> memref<2x100x32xf32, #tpu.memory_space<vmem>>
    %dma_wait3A_264 = arith.constant 0 : i32
    %dma_wait3A_265 = arith.constant 0 : i32
    %dma_wait3A_266 = tpu.memref_slice %dma_wait3A_263[%dma_wait3A_257, %dma_wait3A_264, %dma_wait3A_265] : memref<2x100x32xf32, #tpu.memory_space<vmem>> -> memref<1x100x32xf32, #tpu.memory_space<vmem>>
    %dma_wait3A_267 = tpu.memref_squeeze %dma_wait3A_266 : memref<1x100x32xf32, #tpu.memory_space<vmem>> -> memref<100x32xf32, #tpu.memory_space<vmem>>
    %dma_wait3A_268 = arith.constant 0 : i32
    %dma_wait3A_269 = tpu.memref_slice %arg11[%dma_wait3A_258, %dma_wait3A_268] : memref<100x100xi32, #tpu.memory_space<vmem>> -> memref<1x100xi32, #tpu.memory_space<vmem>>
    %dma_wait3A_270 = tpu.memref_squeeze %dma_wait3A_269 : memref<1x100xi32, #tpu.memory_space<vmem>> -> memref<100xi32, #tpu.memory_space<vmem>>
    %dma_wait3A_271 = arith.constant 0 : i32
    %dma_wait3A_272 = arith.constant 0 : i32
    %dma_wait3A_273 = tpu.memref_slice %arg19[%dma_wait3A_271, %dma_wait3A_272] : memref<10000x32xf32, #tpu.memory_space<vmem_shared>> -> memref<10000x32xf32, #tpu.memory_space<vmem_shared>>
    tpu.wait_indirect_dma semaphore(%arg23 : memref<!tpu.dma_semaphore, #tpu.memory_space<semaphore_mem>>) src(%dma_wait3A_267 : memref<100x32xf32, #tpu.memory_space<vmem>>) dst(%dma_wait3A_273 : memref<10000x32xf32, #tpu.memory_space<vmem_shared>>)
    %dma_wait3A_274 = arith.constant 0 : i32
    %dma_wait3A_275 = arith.constant 1 : i32
    %dma_wait3A_276 = arith.constant 97 : i32
    %dma_wait3A_277 = arith.constant 0 : i32
    %dma_wait3A_278 = arith.constant 0 : i32
    %dma_wait3A_279 = arith.constant 0 : i32
    %dma_wait3A_280 = tpu.memref_slice %arg17[%dma_wait3A_274, %dma_wait3A_277, %dma_wait3A_278, %dma_wait3A_279] : memref<2x2x100x32xf32, #tpu.memory_space<vmem>> -> memref<1x2x100x32xf32, #tpu.memory_space<vmem>>
    %dma_wait3A_281 = tpu.memref_squeeze %dma_wait3A_280 : memref<1x2x100x32xf32, #tpu.memory_space<vmem>> -> memref<2x100x32xf32, #tpu.memory_space<vmem>>
    %dma_wait3A_282 = arith.constant 0 : i32
    %dma_wait3A_283 = arith.constant 0 : i32
    %dma_wait3A_284 = tpu.memref_slice %dma_wait3A_281[%dma_wait3A_275, %dma_wait3A_282, %dma_wait3A_283] : memref<2x100x32xf32, #tpu.memory_space<vmem>> -> memref<1x100x32xf32, #tpu.memory_space<vmem>>
    %dma_wait3A_285 = tpu.memref_squeeze %dma_wait3A_284 : memref<1x100x32xf32, #tpu.memory_space<vmem>> -> memref<100x32xf32, #tpu.memory_space<vmem>>
    %dma_wait3A_286 = arith.constant 0 : i32
    %dma_wait3A_287 = tpu.memref_slice %arg10[%dma_wait3A_276, %dma_wait3A_286] : memref<100x100xi32, #tpu.memory_space<vmem>> -> memref<1x100xi32, #tpu.memory_space<vmem>>
    %dma_wait3A_288 = tpu.memref_squeeze %dma_wait3A_287 : memref<1x100xi32, #tpu.memory_space<vmem>> -> memref<100xi32, #tpu.memory_space<vmem>>
    %dma_wait3A_289 = arith.constant 0 : i32
    %dma_wait3A_290 = arith.constant 0 : i32
    %dma_wait3A_291 = tpu.memref_slice %arg19[%dma_wait3A_289, %dma_wait3A_290] : memref<10000x32xf32, #tpu.memory_space<vmem_shared>> -> memref<10000x32xf32, #tpu.memory_space<vmem_shared>>
    tpu.wait_indirect_dma semaphore(%arg23 : memref<!tpu.dma_semaphore, #tpu.memory_space<semaphore_mem>>) src(%dma_wait3A_285 : memref<100x32xf32, #tpu.memory_space<vmem>>) dst(%dma_wait3A_291 : memref<10000x32xf32, #tpu.memory_space<vmem_shared>>)
    %add3A_292 = arith.constant 49 : i32
    %add3A_293 = arith.addi %mul3A_10, %add3A_292 : i32
    %mul3A_294 = arith.constant 3200 : i32
    %mul3A_295 = arith.muli %add3A_293, %mul3A_294 : i32
    %dma_wait3A_296 = arith.constant 1 : i32
    %dma_wait3A_297 = arith.constant 0 : i32
    %dma_wait3A_298 = tpu.memref_slice %arg18[%dma_wait3A_296, %dma_wait3A_297] : memref<2x3200xf32, #tpu.memory_space<vmem>> -> memref<1x3200xf32, #tpu.memory_space<vmem>>
    %dma_wait3A_299 = tpu.memref_squeeze %dma_wait3A_298 : memref<1x3200xf32, #tpu.memory_space<vmem>> -> memref<3200xf32, #tpu.memory_space<vmem>>
    %dma_wait3A_300 = tpu.memref_slice %arg8[%mul3A_295] : memref<5120000xf32, #tpu.memory_space<hbm>> -> memref<3200xf32, #tpu.memory_space<hbm>>
    %dma_wait3A_301 = tpu.memref_slice %arg8[%mul3A_295] : memref<5120000xf32, #tpu.memory_space<hbm>> -> memref<3200xf32, #tpu.memory_space<hbm>>
    %dma_wait3A_302 = arith.constant 0 : i32
    %dma_wait3A_303 = tpu.memref_slice %arg18[%dma_wait3A_296, %dma_wait3A_302] : memref<2x3200xf32, #tpu.memory_space<vmem>> -> memref<1x3200xf32, #tpu.memory_space<vmem>>
    %dma_wait3A_304 = tpu.memref_squeeze %dma_wait3A_303 : memref<1x3200xf32, #tpu.memory_space<vmem>> -> memref<3200xf32, #tpu.memory_space<vmem>>
    tpu.wait_dma2 semaphore(%arg22 : memref<!tpu.dma_semaphore, #tpu.memory_space<semaphore_mem>>) src(%dma_wait3A_304 : memref<3200xf32, #tpu.memory_space<vmem>>) dst(%dma_wait3A_301 : memref<3200xf32, #tpu.memory_space<hbm>>)
    %dma_wait3A_305 = arith.constant 1 : i32
    %dma_wait3A_306 = arith.constant 0 : i32
    %dma_wait3A_307 = arith.constant 98 : i32
    %dma_wait3A_308 = arith.constant 0 : i32
    %dma_wait3A_309 = arith.constant 0 : i32
    %dma_wait3A_310 = arith.constant 0 : i32
    %dma_wait3A_311 = tpu.memref_slice %arg16[%dma_wait3A_305, %dma_wait3A_308, %dma_wait3A_309, %dma_wait3A_310] : memref<2x2x100x32xf32, #tpu.memory_space<vmem>> -> memref<1x2x100x32xf32, #tpu.memory_space<vmem>>
    %dma_wait3A_312 = tpu.memref_squeeze %dma_wait3A_311 : memref<1x2x100x32xf32, #tpu.memory_space<vmem>> -> memref<2x100x32xf32, #tpu.memory_space<vmem>>
    %dma_wait3A_313 = arith.constant 0 : i32
    %dma_wait3A_314 = arith.constant 0 : i32
    %dma_wait3A_315 = tpu.memref_slice %dma_wait3A_312[%dma_wait3A_306, %dma_wait3A_313, %dma_wait3A_314] : memref<2x100x32xf32, #tpu.memory_space<vmem>> -> memref<1x100x32xf32, #tpu.memory_space<vmem>>
    %dma_wait3A_316 = tpu.memref_squeeze %dma_wait3A_315 : memref<1x100x32xf32, #tpu.memory_space<vmem>> -> memref<100x32xf32, #tpu.memory_space<vmem>>
    %dma_wait3A_317 = arith.constant 0 : i32
    %dma_wait3A_318 = tpu.memref_slice %arg11[%dma_wait3A_307, %dma_wait3A_317] : memref<100x100xi32, #tpu.memory_space<vmem>> -> memref<1x100xi32, #tpu.memory_space<vmem>>
    %dma_wait3A_319 = tpu.memref_squeeze %dma_wait3A_318 : memref<1x100xi32, #tpu.memory_space<vmem>> -> memref<100xi32, #tpu.memory_space<vmem>>
    %dma_wait3A_320 = arith.constant 0 : i32
    %dma_wait3A_321 = arith.constant 0 : i32
    %dma_wait3A_322 = tpu.memref_slice %arg19[%dma_wait3A_320, %dma_wait3A_321] : memref<10000x32xf32, #tpu.memory_space<vmem_shared>> -> memref<10000x32xf32, #tpu.memory_space<vmem_shared>>
    tpu.wait_indirect_dma semaphore(%arg23 : memref<!tpu.dma_semaphore, #tpu.memory_space<semaphore_mem>>) src(%dma_wait3A_316 : memref<100x32xf32, #tpu.memory_space<vmem>>) dst(%dma_wait3A_322 : memref<10000x32xf32, #tpu.memory_space<vmem_shared>>)
    %dma_wait3A_323 = arith.constant 1 : i32
    %dma_wait3A_324 = arith.constant 0 : i32
    %dma_wait3A_325 = arith.constant 98 : i32
    %dma_wait3A_326 = arith.constant 0 : i32
    %dma_wait3A_327 = arith.constant 0 : i32
    %dma_wait3A_328 = arith.constant 0 : i32
    %dma_wait3A_329 = tpu.memref_slice %arg17[%dma_wait3A_323, %dma_wait3A_326, %dma_wait3A_327, %dma_wait3A_328] : memref<2x2x100x32xf32, #tpu.memory_space<vmem>> -> memref<1x2x100x32xf32, #tpu.memory_space<vmem>>
    %dma_wait3A_330 = tpu.memref_squeeze %dma_wait3A_329 : memref<1x2x100x32xf32, #tpu.memory_space<vmem>> -> memref<2x100x32xf32, #tpu.memory_space<vmem>>
    %dma_wait3A_331 = arith.constant 0 : i32
    %dma_wait3A_332 = arith.constant 0 : i32
    %dma_wait3A_333 = tpu.memref_slice %dma_wait3A_330[%dma_wait3A_324, %dma_wait3A_331, %dma_wait3A_332] : memref<2x100x32xf32, #tpu.memory_space<vmem>> -> memref<1x100x32xf32, #tpu.memory_space<vmem>>
    %dma_wait3A_334 = tpu.memref_squeeze %dma_wait3A_333 : memref<1x100x32xf32, #tpu.memory_space<vmem>> -> memref<100x32xf32, #tpu.memory_space<vmem>>
    %dma_wait3A_335 = arith.constant 0 : i32
    %dma_wait3A_336 = tpu.memref_slice %arg10[%dma_wait3A_325, %dma_wait3A_335] : memref<100x100xi32, #tpu.memory_space<vmem>> -> memref<1x100xi32, #tpu.memory_space<vmem>>
    %dma_wait3A_337 = tpu.memref_squeeze %dma_wait3A_336 : memref<1x100xi32, #tpu.memory_space<vmem>> -> memref<100xi32, #tpu.memory_space<vmem>>
    %dma_wait3A_338 = arith.constant 0 : i32
    %dma_wait3A_339 = arith.constant 0 : i32
    %dma_wait3A_340 = tpu.memref_slice %arg19[%dma_wait3A_338, %dma_wait3A_339] : memref<10000x32xf32, #tpu.memory_space<vmem_shared>> -> memref<10000x32xf32, #tpu.memory_space<vmem_shared>>
    tpu.wait_indirect_dma semaphore(%arg23 : memref<!tpu.dma_semaphore, #tpu.memory_space<semaphore_mem>>) src(%dma_wait3A_334 : memref<100x32xf32, #tpu.memory_space<vmem>>) dst(%dma_wait3A_340 : memref<10000x32xf32, #tpu.memory_space<vmem_shared>>)
    %dma_wait3A_341 = arith.constant 1 : i32
    %dma_wait3A_342 = arith.constant 1 : i32
    %dma_wait3A_343 = arith.constant 99 : i32
    %dma_wait3A_344 = arith.constant 0 : i32
    %dma_wait3A_345 = arith.constant 0 : i32
    %dma_wait3A_346 = arith.constant 0 : i32
    %dma_wait3A_347 = tpu.memref_slice %arg16[%dma_wait3A_341, %dma_wait3A_344, %dma_wait3A_345, %dma_wait3A_346] : memref<2x2x100x32xf32, #tpu.memory_space<vmem>> -> memref<1x2x100x32xf32, #tpu.memory_space<vmem>>
    %dma_wait3A_348 = tpu.memref_squeeze %dma_wait3A_347 : memref<1x2x100x32xf32, #tpu.memory_space<vmem>> -> memref<2x100x32xf32, #tpu.memory_space<vmem>>
    %dma_wait3A_349 = arith.constant 0 : i32
    %dma_wait3A_350 = arith.constant 0 : i32
    %dma_wait3A_351 = tpu.memref_slice %dma_wait3A_348[%dma_wait3A_342, %dma_wait3A_349, %dma_wait3A_350] : memref<2x100x32xf32, #tpu.memory_space<vmem>> -> memref<1x100x32xf32, #tpu.memory_space<vmem>>
    %dma_wait3A_352 = tpu.memref_squeeze %dma_wait3A_351 : memref<1x100x32xf32, #tpu.memory_space<vmem>> -> memref<100x32xf32, #tpu.memory_space<vmem>>
    %dma_wait3A_353 = arith.constant 0 : i32
    %dma_wait3A_354 = tpu.memref_slice %arg11[%dma_wait3A_343, %dma_wait3A_353] : memref<100x100xi32, #tpu.memory_space<vmem>> -> memref<1x100xi32, #tpu.memory_space<vmem>>
    %dma_wait3A_355 = tpu.memref_squeeze %dma_wait3A_354 : memref<1x100xi32, #tpu.memory_space<vmem>> -> memref<100xi32, #tpu.memory_space<vmem>>
    %dma_wait3A_356 = arith.constant 0 : i32
    %dma_wait3A_357 = arith.constant 0 : i32
    %dma_wait3A_358 = tpu.memref_slice %arg19[%dma_wait3A_356, %dma_wait3A_357] : memref<10000x32xf32, #tpu.memory_space<vmem_shared>> -> memref<10000x32xf32, #tpu.memory_space<vmem_shared>>
    tpu.wait_indirect_dma semaphore(%arg23 : memref<!tpu.dma_semaphore, #tpu.memory_space<semaphore_mem>>) src(%dma_wait3A_352 : memref<100x32xf32, #tpu.memory_space<vmem>>) dst(%dma_wait3A_358 : memref<10000x32xf32, #tpu.memory_space<vmem_shared>>)
    %dma_wait3A_359 = arith.constant 1 : i32
    %dma_wait3A_360 = arith.constant 1 : i32
    %dma_wait3A_361 = arith.constant 99 : i32
    %dma_wait3A_362 = arith.constant 0 : i32
    %dma_wait3A_363 = arith.constant 0 : i32
    %dma_wait3A_364 = arith.constant 0 : i32
    %dma_wait3A_365 = tpu.memref_slice %arg17[%dma_wait3A_359, %dma_wait3A_362, %dma_wait3A_363, %dma_wait3A_364] : memref<2x2x100x32xf32, #tpu.memory_space<vmem>> -> memref<1x2x100x32xf32, #tpu.memory_space<vmem>>
    %dma_wait3A_366 = tpu.memref_squeeze %dma_wait3A_365 : memref<1x2x100x32xf32, #tpu.memory_space<vmem>> -> memref<2x100x32xf32, #tpu.memory_space<vmem>>
    %dma_wait3A_367 = arith.constant 0 : i32
    %dma_wait3A_368 = arith.constant 0 : i32
    %dma_wait3A_369 = tpu.memref_slice %dma_wait3A_366[%dma_wait3A_360, %dma_wait3A_367, %dma_wait3A_368] : memref<2x100x32xf32, #tpu.memory_space<vmem>> -> memref<1x100x32xf32, #tpu.memory_space<vmem>>
    %dma_wait3A_370 = tpu.memref_squeeze %dma_wait3A_369 : memref<1x100x32xf32, #tpu.memory_space<vmem>> -> memref<100x32xf32, #tpu.memory_space<vmem>>
    %dma_wait3A_371 = arith.constant 0 : i32
    %dma_wait3A_372 = tpu.memref_slice %arg10[%dma_wait3A_361, %dma_wait3A_371] : memref<100x100xi32, #tpu.memory_space<vmem>> -> memref<1x100xi32, #tpu.memory_space<vmem>>
    %dma_wait3A_373 = tpu.memref_squeeze %dma_wait3A_372 : memref<1x100xi32, #tpu.memory_space<vmem>> -> memref<100xi32, #tpu.memory_space<vmem>>
    %dma_wait3A_374 = arith.constant 0 : i32
    %dma_wait3A_375 = arith.constant 0 : i32
    %dma_wait3A_376 = tpu.memref_slice %arg19[%dma_wait3A_374, %dma_wait3A_375] : memref<10000x32xf32, #tpu.memory_space<vmem_shared>> -> memref<10000x32xf32, #tpu.memory_space<vmem_shared>>
    tpu.wait_indirect_dma semaphore(%arg23 : memref<!tpu.dma_semaphore, #tpu.memory_space<semaphore_mem>>) src(%dma_wait3A_370 : memref<100x32xf32, #tpu.memory_space<vmem>>) dst(%dma_wait3A_376 : memref<10000x32xf32, #tpu.memory_space<vmem_shared>>)
    %barrier3A_377 = arith.constant 0 : index
    tpu.barrier barrier_id(%barrier3A_377)
    %lt3A_378 = arith.constant 10 : i32
    %lt3A_379 = arith.cmpi slt, %arg1, %lt3A_378 : i32
    %convert_element_type3A_380 = arith.extui %lt3A_379 : i1 to i32
    %cond3A_381 = arith.constant 0 : i32
    %cond3A_382 = arith.cmpi ne, %convert_element_type3A_380, %cond3A_381 : i32
    scf.if %cond3A_382 {
      %mul3A_383 = arith.constant 1000 : i32
      %mul3A_384 = arith.muli %arg1, %mul3A_383 : i32
      %mul3A_385 = arith.constant 1000 : i32
      %mul3A_386 = arith.muli %arg1, %mul3A_385 : i32
      "tpu.region"() ({
        %run_scoped3A = tpu.sem_alloc : memref<!tpu.dma_semaphore, #tpu.memory_space<semaphore_mem>>
        %dma_start3A_387 = arith.constant 0 : i32
        %dma_start3A_388 = tpu.memref_slice %arg9[%arg0, %mul3A_386, %dma_start3A_387] : memref<2x10000x32xf32, #tpu.memory_space<hbm>> -> memref<1x1000x32xf32, #tpu.memory_space<hbm>>
        %dma_start3A_389 = tpu.memref_squeeze %dma_start3A_388 : memref<1x1000x32xf32, #tpu.memory_space<hbm>> -> memref<1000x32xf32, #tpu.memory_space<hbm>>
        %dma_start3A_390 = arith.constant 0 : i32
        %dma_start3A_391 = tpu.memref_slice %arg19[%mul3A_384, %dma_start3A_390] : memref<10000x32xf32, #tpu.memory_space<vmem_shared>> -> memref<1000x32xf32, #tpu.memory_space<vmem_shared>>
        tpu.enqueue_dma source(%dma_start3A_391 : memref<1000x32xf32, #tpu.memory_space<vmem_shared>>) target(%dma_start3A_389 : memref<1000x32xf32, #tpu.memory_space<hbm>>) target_semaphore(%run_scoped3A : memref<!tpu.dma_semaphore, #tpu.memory_space<semaphore_mem>>)
        %dma_wait3A_392 = arith.constant 0 : i32
        %dma_wait3A_393 = tpu.memref_slice %arg9[%arg0, %mul3A_386, %dma_wait3A_392] : memref<2x10000x32xf32, #tpu.memory_space<hbm>> -> memref<1x1000x32xf32, #tpu.memory_space<hbm>>
        %dma_wait3A_394 = tpu.memref_squeeze %dma_wait3A_393 : memref<1x1000x32xf32, #tpu.memory_space<hbm>> -> memref<1000x32xf32, #tpu.memory_space<hbm>>
        %dma_wait3A_395 = arith.constant 0 : i32
        %dma_wait3A_396 = tpu.memref_slice %arg19[%mul3A_384, %dma_wait3A_395] : memref<10000x32xf32, #tpu.memory_space<vmem_shared>> -> memref<1000x32xf32, #tpu.memory_space<vmem_shared>>
        tpu.wait_dma2 semaphore(%run_scoped3A : memref<!tpu.dma_semaphore, #tpu.memory_space<semaphore_mem>>) src(%dma_wait3A_396 : memref<1000x32xf32, #tpu.memory_space<vmem_shared>>) dst(%dma_wait3A_394 : memref<1000x32xf32, #tpu.memory_space<hbm>>)
        tpu.yield
      }) : () -> ()
    } else {
    }
    return
  }
}

module attributes {stable_mosaic.version = 14 : i64} {
  func.func @body(%arg0: i32, %arg1: memref<2000x128xf32, #tpu.memory_space<vmem>>, %arg2: memref<128x48xf32, #tpu.memory_space<vmem>>, %arg3: memref<2000x48xf32, #tpu.memory_space<vmem>>) attributes {dimension_semantics = [#tpu.dimension_semantics<arbitrary>], iteration_bounds = array<i64: 5>, scalar_prefetch = 0 : i64, scratch_operands = 0 : i64, tpu.core_type = #tpu.core_type<tc>, window_params = [{transform_indices = @transform_0, window_bounds = array<i64: 2000, 128>}, {pipeline_mode = #tpu.pipeline_mode<synchronous>, transform_indices = @transform_1, window_bounds = array<i64: 128, 48>}, {transform_indices = @transform_2, window_bounds = array<i64: 2000, 48>}]} {
    %get3A = arith.constant 0 : index
    %get3A_0 = arith.constant 0 : index
    %get3A_1 = vector.load %arg1[%get3A, %get3A_0] : memref<2000x128xf32, #tpu.memory_space<vmem>>, vector<2000x128xf32>
    %get3A_2 = arith.constant 0 : index
    %get3A_3 = arith.constant 0 : index
    %get3A_4 = vector.load %arg2[%get3A_2, %get3A_3] : memref<128x48xf32, #tpu.memory_space<vmem>>, vector<128x48xf32>
    %dot_general3A = arith.constant dense<0.000000e+00> : vector<2000x48xf32>
    %dot_general3A_5 = tpu.matmul %get3A_1, %get3A_4, %dot_general3A {dimension_numbers = #tpu.dot_dimension_numbers<[1], [0], [0], [1], [0, 0, 1, 1], [], []>, transpose_lhs_hint = false} : vector<2000x128xf32>, vector<128x48xf32>, vector<2000x48xf32> -> vector<2000x48xf32>
    %swap3A = arith.constant 0 : index
    %swap3A_6 = arith.constant 0 : index
    %swap3A_7 = vector.load %arg3[%swap3A, %swap3A_6] : memref<2000x48xf32, #tpu.memory_space<vmem>>, vector<2000x48xf32>
    tpu.vector_store %arg3[%swap3A, %swap3A_6], %dot_general3A_5 {strides = array<i32>} : memref<2000x48xf32, #tpu.memory_space<vmem>>, vector<2000x48xf32>,
    return
  }
  func.func @transform_0(%arg0: i32) -> (i32, i32) {
    %c0_i32 = arith.constant 0 : i32
    %c0_i32_0 = arith.constant 0 : i32
    return %arg0, %c0_i32 : i32, i32
  }
  func.func @transform_1(%arg0: i32) -> (i32, i32) {
    %c0_i32 = arith.constant 0 : i32
    %c0_i32_0 = arith.constant 0 : i32
    %c0_i32_1 = arith.constant 0 : i32
    return %c0_i32, %c0_i32_0 : i32, i32
  }
  func.func @transform_2(%arg0: i32) -> (i32, i32) {
    %c0_i32 = arith.constant 0 : i32
    %c0_i32_0 = arith.constant 0 : i32
    return %arg0, %c0_i32 : i32, i32
  }
}

module attributes {stable_mosaic.version = 14 : i64} {
  func.func @body(%arg0: i32, %arg1: memref<5000x128xf32, #tpu.memory_space<vmem>>, %arg2: memref<128x128xf32, #tpu.memory_space<vmem>>, %arg3: memref<1x128xf32, #tpu.memory_space<vmem>>, %arg4: memref<1x128xf32, #tpu.memory_space<vmem>>, %arg5: memref<5000x128xf32, #tpu.memory_space<vmem>>, %arg6: memref<5000x128xf32, #tpu.memory_space<vmem>>) attributes {dimension_semantics = [#tpu.dimension_semantics<arbitrary>], iteration_bounds = array<i64: 8>, scalar_prefetch = 0 : i64, scratch_operands = 0 : i64, tpu.core_type = #tpu.core_type<tc>, window_params = [{transform_indices = @transform_0, window_bounds = array<i64: 5000, 128>}, {pipeline_mode = #tpu.pipeline_mode<synchronous>, transform_indices = @transform_1, window_bounds = array<i64: 128, 128>}, {pipeline_mode = #tpu.pipeline_mode<synchronous>, transform_indices = @transform_2, window_bounds = array<i64: 1, 128>}, {pipeline_mode = #tpu.pipeline_mode<synchronous>, transform_indices = @transform_3, window_bounds = array<i64: 1, 128>}, {transform_indices = @transform_4, window_bounds = array<i64: 5000, 128>}, {transform_indices = @transform_5, window_bounds = array<i64: 5000, 128>}]} {
    %get3A = arith.constant 0 : index
    %get3A_0 = arith.constant 0 : index
    %get3A_1 = vector.load %arg1[%get3A, %get3A_0] : memref<5000x128xf32, #tpu.memory_space<vmem>>, vector<5000x128xf32>
    %get3A_2 = arith.constant 0 : index
    %get3A_3 = arith.constant 0 : index
    %get3A_4 = vector.load %arg2[%get3A_2, %get3A_3] : memref<128x128xf32, #tpu.memory_space<vmem>>, vector<128x128xf32>
    %dot_general3A = arith.constant dense<0.000000e+00> : vector<5000x128xf32>
    %dot_general3A_5 = tpu.matmul %get3A_1, %get3A_4, %dot_general3A {dimension_numbers = #tpu.dot_dimension_numbers<[1], [0], [0], [1], [0, 0, 1, 1], [], []>, transpose_lhs_hint = false} : vector<5000x128xf32>, vector<128x128xf32>, vector<5000x128xf32> -> vector<5000x128xf32>
    %get3A_6 = arith.constant 0 : index
    %get3A_7 = arith.constant 0 : index
    %get3A_8 = vector.load %arg3[%get3A_6, %get3A_7] : memref<1x128xf32, #tpu.memory_space<vmem>>, vector<1x128xf32>
    %add3A = vector.broadcast %get3A_8 : vector<1x128xf32> to vector<5000x128xf32>
    %add3A_9 = arith.addf %dot_general3A_5, %add3A : vector<5000x128xf32>
    %swap3A = arith.constant 0 : index
    %swap3A_10 = arith.constant 0 : index
    %swap3A_11 = vector.load %arg5[%swap3A, %swap3A_10] : memref<5000x128xf32, #tpu.memory_space<vmem>>, vector<5000x128xf32>
    tpu.vector_store %arg5[%swap3A, %swap3A_10], %add3A_9 {strides = array<i32>} : memref<5000x128xf32, #tpu.memory_space<vmem>>, vector<5000x128xf32>,
    %get3A_12 = arith.constant 0 : index
    %get3A_13 = arith.constant 0 : index
    %get3A_14 = vector.load %arg4[%get3A_12, %get3A_13] : memref<1x128xf32, #tpu.memory_space<vmem>>, vector<1x128xf32>
    %add3A_15 = vector.broadcast %get3A_14 : vector<1x128xf32> to vector<5000x128xf32>
    %add3A_16 = arith.addf %add3A_9, %add3A_15 : vector<5000x128xf32>
    %add3A_17 = arith.addf %add3A_16, %get3A_1 : vector<5000x128xf32>
    %swap3A_18 = arith.constant 0 : index
    %swap3A_19 = arith.constant 0 : index
    %swap3A_20 = vector.load %arg6[%swap3A_18, %swap3A_19] : memref<5000x128xf32, #tpu.memory_space<vmem>>, vector<5000x128xf32>
    tpu.vector_store %arg6[%swap3A_18, %swap3A_19], %add3A_17 {strides = array<i32>} : memref<5000x128xf32, #tpu.memory_space<vmem>>, vector<5000x128xf32>,
    return
  }
  func.func @transform_0(%arg0: i32) -> (i32, i32) {
    %c0_i32 = arith.constant 0 : i32
    %c0_i32_0 = arith.constant 0 : i32
    return %arg0, %c0_i32 : i32, i32
  }
  func.func @transform_1(%arg0: i32) -> (i32, i32) {
    %c0_i32 = arith.constant 0 : i32
    %c0_i32_0 = arith.constant 0 : i32
    %c0_i32_1 = arith.constant 0 : i32
    return %c0_i32, %c0_i32_0 : i32, i32
  }
  func.func @transform_2(%arg0: i32) -> (i32, i32) {
    %c0_i32 = arith.constant 0 : i32
    %c0_i32_0 = arith.constant 0 : i32
    %c0_i32_1 = arith.constant 0 : i32
    return %c0_i32, %c0_i32_0 : i32, i32
  }
  func.func @transform_3(%arg0: i32) -> (i32, i32) {
    %c0_i32 = arith.constant 0 : i32
    %c0_i32_0 = arith.constant 0 : i32
    %c0_i32_1 = arith.constant 0 : i32
    return %c0_i32, %c0_i32_0 : i32, i32
  }
  func.func @transform_4(%arg0: i32) -> (i32, i32) {
    %c0_i32 = arith.constant 0 : i32
    %c0_i32_0 = arith.constant 0 : i32
    return %arg0, %c0_i32 : i32, i32
  }
  func.func @transform_5(%arg0: i32) -> (i32, i32) {
    %c0_i32 = arith.constant 0 : i32
    %c0_i32_0 = arith.constant 0 : i32
    return %arg0, %c0_i32 : i32, i32
  }
}

module attributes {stable_mosaic.version = 14 : i64} {
  func.func @body(%arg0: i32, %arg1: memref<2000x128xf32, #tpu.memory_space<vmem>>, %arg2: memref<2x2000x32xf32, #tpu.memory_space<vmem>>, %arg3: memref<2000x48xf32, #tpu.memory_space<vmem>>, %arg4: memref<1x16xf32, #tpu.memory_space<vmem>>, %arg5: memref<128x32xf32, #tpu.memory_space<vmem>>, %arg6: memref<16x32xf32, #tpu.memory_space<vmem>>, %arg7: memref<1x32xf32, #tpu.memory_space<vmem>>, %arg8: memref<32x128xf32, #tpu.memory_space<vmem>>, %arg9: memref<1x128xf32, #tpu.memory_space<vmem>>, %arg10: memref<2000x128xf32, #tpu.memory_space<vmem>>, %arg11: memref<1x128xf32, #tpu.memory_space<vmem>>, %arg12: memref<1x16xf32, #tpu.memory_space<vmem>>) attributes {dimension_semantics = [#tpu.dimension_semantics<arbitrary>], iteration_bounds = array<i64: 5>, scalar_prefetch = 0 : i64, scratch_operands = 0 : i64, tpu.core_type = #tpu.core_type<tc>, window_params = [{transform_indices = @transform_0, window_bounds = array<i64: 2000, 128>}, {transform_indices = @transform_1, window_bounds = array<i64: 2, 2000, 32>}, {transform_indices = @transform_2, window_bounds = array<i64: 2000, 48>}, {pipeline_mode = #tpu.pipeline_mode<synchronous>, transform_indices = @transform_3, window_bounds = array<i64: 1, 16>}, {pipeline_mode = #tpu.pipeline_mode<synchronous>, transform_indices = @transform_4, window_bounds = array<i64: 128, 32>}, {pipeline_mode = #tpu.pipeline_mode<synchronous>, transform_indices = @transform_5, window_bounds = array<i64: 16, 32>}, {pipeline_mode = #tpu.pipeline_mode<synchronous>, transform_indices = @transform_6, window_bounds = array<i64: 1, 32>}, {pipeline_mode = #tpu.pipeline_mode<synchronous>, transform_indices = @transform_7, window_bounds = array<i64: 32, 128>}, {pipeline_mode = #tpu.pipeline_mode<synchronous>, transform_indices = @transform_8, window_bounds = array<i64: 1, 128>}, {transform_indices = @transform_9, window_bounds = array<i64: 2000, 128>}, {pipeline_mode = #tpu.pipeline_mode<synchronous>, transform_indices = @transform_10, window_bounds = array<i64: 1, 128>}, {pipeline_mode = #tpu.pipeline_mode<synchronous>, transform_indices = @transform_11, window_bounds = array<i64: 1, 16>}]} {
    %get3A = arith.constant 0 : index
    %get3A_0 = arith.constant 0 : index
    %get3A_1 = vector.load %arg1[%get3A, %get3A_0] : memref<2000x128xf32, #tpu.memory_space<vmem>>, vector<2000x128xf32>
    %get3A_2 = arith.constant 0 : index
    %get3A_3 = arith.constant 0 : index
    %get3A_4 = arith.constant 0 : index
    %get3A_5 = vector.load %arg2[%get3A_2, %get3A_3, %get3A_4] : memref<2x2000x32xf32, #tpu.memory_space<vmem>>, vector<2x2000x32xf32>
    %slice3A = vector.extract_strided_slice %get3A_5 {offsets = [0, 0, 0], sizes = [1, 2000, 32], strides = [1, 1, 1]} : vector<2x2000x32xf32> to vector<1x2000x32xf32>
    %squeeze3A = vector.shape_cast %slice3A : vector<1x2000x32xf32> to vector<2000x32xf32>
    %slice3A_6 = vector.extract_strided_slice %get3A_5 {offsets = [1, 0, 0], sizes = [1, 2000, 32], strides = [1, 1, 1]} : vector<2x2000x32xf32> to vector<1x2000x32xf32>
    %squeeze3A_7 = vector.shape_cast %slice3A_6 : vector<1x2000x32xf32> to vector<2000x32xf32>
    %add3A = arith.addf %squeeze3A, %squeeze3A_7 : vector<2000x32xf32>
    %slice3A_8 = vector.extract_strided_slice %add3A {offsets = [0, 16], sizes = [2000, 1], strides = [1, 1]} : vector<2000x32xf32> to vector<2000x1xf32>
    %get3A_9 = arith.constant 0 : index
    %get3A_10 = arith.constant 32 : index
    %get3A_11 = vector.load %arg3[%get3A_9, %get3A_10] : memref<2000x48xf32, #tpu.memory_space<vmem>>, vector<2000x16xf32>
    %slice3A_12 = vector.extract_strided_slice %add3A {offsets = [0, 0], sizes = [2000, 16], strides = [1, 1]} : vector<2000x32xf32> to vector<2000x16xf32>
    %mul3A = vector.broadcast %slice3A_8 : vector<2000x1xf32> to vector<2000x16xf32>
    %mul3A_13 = arith.mulf %mul3A, %get3A_11 : vector<2000x16xf32>
    %add3A_14 = arith.addf %slice3A_12, %mul3A_13 : vector<2000x16xf32>
    %max3A = arith.constant 1.000000e+00 : f32
    %max3A_15 = vector.broadcast %max3A : f32 to vector<2000x1xf32>
    %max3A_16 = arith.maximumf %slice3A_8, %max3A_15 : vector<2000x1xf32>
    %div3A = vector.broadcast %max3A_16 : vector<2000x1xf32> to vector<2000x16xf32>
    %div3A_17 = arith.divf %add3A_14, %div3A : vector<2000x16xf32>
    %get3A_18 = arith.constant 0 : index
    %get3A_19 = arith.constant 0 : index
    %get3A_20 = vector.load %arg4[%get3A_18, %get3A_19] : memref<1x16xf32, #tpu.memory_space<vmem>>, vector<1x16xf32>
    %gt3A = arith.constant 0.000000e+00 : f32
    %gt3A_21 = vector.broadcast %gt3A : f32 to vector<2000x1xf32>
    %gt3A_22 = arith.cmpf ogt, %slice3A_8, %gt3A_21 : vector<2000x1xf32>
    %convert_element_type3A = arith.extui %gt3A_22 : vector<2000x1xi1> to vector<2000x1xi32>
    %convert_element_type3A_23 = arith.sitofp %convert_element_type3A : vector<2000x1xi32> to vector<2000x1xf32>
    %mul3A_24 = vector.broadcast %get3A_20 : vector<1x16xf32> to vector<2000x16xf32>
    %mul3A_25 = vector.broadcast %convert_element_type3A_23 : vector<2000x1xf32> to vector<2000x16xf32>
    %mul3A_26 = arith.mulf %mul3A_24, %mul3A_25 : vector<2000x16xf32>
    %add3A_27 = arith.addf %div3A_17, %mul3A_26 : vector<2000x16xf32>
    %get3A_28 = arith.constant 0 : index
    %get3A_29 = arith.constant 0 : index
    %get3A_30 = vector.load %arg5[%get3A_28, %get3A_29] : memref<128x32xf32, #tpu.memory_space<vmem>>, vector<128x32xf32>
    %dot_general3A = arith.constant dense<0.000000e+00> : vector<2000x32xf32>
    %dot_general3A_31 = tpu.matmul %get3A_1, %get3A_30, %dot_general3A {dimension_numbers = #tpu.dot_dimension_numbers<[1], [0], [0], [1], [0, 0, 1, 1], [], []>, transpose_lhs_hint = false} : vector<2000x128xf32>, vector<128x32xf32>, vector<2000x32xf32> -> vector<2000x32xf32>
    %get3A_32 = arith.constant 0 : index
    %get3A_33 = arith.constant 0 : index
    %get3A_34 = vector.load %arg6[%get3A_32, %get3A_33] : memref<16x32xf32, #tpu.memory_space<vmem>>, vector<16x32xf32>
    %dot_general3A_35 = arith.constant dense<0.000000e+00> : vector<2000x32xf32>
    %dot_general3A_36 = tpu.matmul %add3A_27, %get3A_34, %dot_general3A_35 {dimension_numbers = #tpu.dot_dimension_numbers<[1], [0], [0], [1], [0, 0, 1, 1], [], []>, transpose_lhs_hint = false} : vector<2000x16xf32>, vector<16x32xf32>, vector<2000x32xf32> -> vector<2000x32xf32>
    %add3A_37 = arith.addf %dot_general3A_31, %dot_general3A_36 : vector<2000x32xf32>
    %get3A_38 = arith.constant 0 : index
    %get3A_39 = arith.constant 0 : index
    %get3A_40 = vector.load %arg7[%get3A_38, %get3A_39] : memref<1x32xf32, #tpu.memory_space<vmem>>, vector<1x32xf32>
    %add3A_41 = vector.broadcast %get3A_40 : vector<1x32xf32> to vector<2000x32xf32>
    %add3A_42 = arith.addf %add3A_37, %add3A_41 : vector<2000x32xf32>
    %get3A_43 = arith.constant 0 : index
    %get3A_44 = arith.constant 0 : index
    %get3A_45 = vector.load %arg8[%get3A_43, %get3A_44] : memref<32x128xf32, #tpu.memory_space<vmem>>, vector<32x128xf32>
    %dot_general3A_46 = arith.constant dense<0.000000e+00> : vector<2000x128xf32>
    %dot_general3A_47 = tpu.matmul %add3A_42, %get3A_45, %dot_general3A_46 {dimension_numbers = #tpu.dot_dimension_numbers<[1], [0], [0], [1], [0, 0, 1, 1], [], []>, transpose_lhs_hint = false} : vector<2000x32xf32>, vector<32x128xf32>, vector<2000x128xf32> -> vector<2000x128xf32>
    %get3A_48 = arith.constant 0 : index
    %get3A_49 = arith.constant 0 : index
    %get3A_50 = vector.load %arg9[%get3A_48, %get3A_49] : memref<1x128xf32, #tpu.memory_space<vmem>>, vector<1x128xf32>
    %add3A_51 = vector.broadcast %get3A_50 : vector<1x128xf32> to vector<2000x128xf32>
    %add3A_52 = arith.addf %dot_general3A_47, %add3A_51 : vector<2000x128xf32>
    %add3A_53 = arith.addf %add3A_52, %get3A_1 : vector<2000x128xf32>
    %swap3A = arith.constant 0 : index
    %swap3A_54 = arith.constant 0 : index
    %swap3A_55 = vector.load %arg10[%swap3A, %swap3A_54] : memref<2000x128xf32, #tpu.memory_space<vmem>>, vector<2000x128xf32>
    tpu.vector_store %arg10[%swap3A, %swap3A_54], %add3A_53 {strides = array<i32>} : memref<2000x128xf32, #tpu.memory_space<vmem>>, vector<2000x128xf32>,
    %eq3A = arith.constant 0 : i32
    %eq3A_56 = arith.cmpi eq, %arg0, %eq3A : i32
    %convert_element_type3A_57 = arith.extui %eq3A_56 : i1 to i32
    %cond3A = arith.constant 0 : i32
    %cond3A_58 = arith.cmpi ne, %convert_element_type3A_57, %cond3A : i32
    scf.if %cond3A_58 {
      %broadcast_in_dim3A_77 = arith.constant 0.000000e+00 : f32
      %broadcast_in_dim3A_78 = vector.broadcast %broadcast_in_dim3A_77 : f32 to vector<1x128xf32>
      %swap3A_79 = arith.constant 0 : index
      %swap3A_80 = arith.constant 0 : index
      %swap3A_81 = vector.load %arg11[%swap3A_79, %swap3A_80] : memref<1x128xf32, #tpu.memory_space<vmem>>, vector<1x128xf32>
      tpu.vector_store %arg11[%swap3A_79, %swap3A_80], %broadcast_in_dim3A_78 {strides = array<i32>} : memref<1x128xf32, #tpu.memory_space<vmem>>, vector<1x128xf32>,
      %broadcast_in_dim3A_82 = arith.constant 0.000000e+00 : f32
      %broadcast_in_dim3A_83 = vector.broadcast %broadcast_in_dim3A_82 : f32 to vector<1x16xf32>
      %swap3A_84 = arith.constant 0 : index
      %swap3A_85 = arith.constant 0 : index
      %swap3A_86 = vector.load %arg12[%swap3A_84, %swap3A_85] : memref<1x16xf32, #tpu.memory_space<vmem>>, vector<1x16xf32>
      tpu.vector_store %arg12[%swap3A_84, %swap3A_85], %broadcast_in_dim3A_83 {strides = array<i32>} : memref<1x16xf32, #tpu.memory_space<vmem>>, vector<1x16xf32>,
    } else {
    }
    %get3A_59 = arith.constant 0 : index
    %get3A_60 = arith.constant 0 : index
    %get3A_61 = vector.load %arg11[%get3A_59, %get3A_60] : memref<1x128xf32, #tpu.memory_space<vmem>>, vector<1x128xf32>
    %reduce_sum3A = arith.constant dense<0.000000e+00> : vector<128xf32>
    %reduce_sum3A_62 = vector.multi_reduction <add>, %add3A_52, %reduce_sum3A [0] : vector<2000x128xf32> to vector<128xf32>
    %broadcast_in_dim3A = vector.shape_cast %reduce_sum3A_62 : vector<128xf32> to vector<1x128xf32>
    %add3A_63 = arith.addf %get3A_61, %broadcast_in_dim3A : vector<1x128xf32>
    %swap3A_64 = arith.constant 0 : index
    %swap3A_65 = arith.constant 0 : index
    %swap3A_66 = vector.load %arg11[%swap3A_64, %swap3A_65] : memref<1x128xf32, #tpu.memory_space<vmem>>, vector<1x128xf32>
    tpu.vector_store %arg11[%swap3A_64, %swap3A_65], %add3A_63 {strides = array<i32>} : memref<1x128xf32, #tpu.memory_space<vmem>>, vector<1x128xf32>,
    %get3A_67 = arith.constant 0 : index
    %get3A_68 = arith.constant 0 : index
    %get3A_69 = vector.load %arg12[%get3A_67, %get3A_68] : memref<1x16xf32, #tpu.memory_space<vmem>>, vector<1x16xf32>
    %reduce_sum3A_70 = arith.constant dense<0.000000e+00> : vector<16xf32>
    %reduce_sum3A_71 = vector.multi_reduction <add>, %add3A_14, %reduce_sum3A_70 [0] : vector<2000x16xf32> to vector<16xf32>
    %broadcast_in_dim3A_72 = vector.shape_cast %reduce_sum3A_71 : vector<16xf32> to vector<1x16xf32>
    %add3A_73 = arith.addf %get3A_69, %broadcast_in_dim3A_72 : vector<1x16xf32>
    %swap3A_74 = arith.constant 0 : index
    %swap3A_75 = arith.constant 0 : index
    %swap3A_76 = vector.load %arg12[%swap3A_74, %swap3A_75] : memref<1x16xf32, #tpu.memory_space<vmem>>, vector<1x16xf32>
    tpu.vector_store %arg12[%swap3A_74, %swap3A_75], %add3A_73 {strides = array<i32>} : memref<1x16xf32, #tpu.memory_space<vmem>>, vector<1x16xf32>,
    return
  }
  func.func @transform_0(%arg0: i32) -> (i32, i32) {
    %c0_i32 = arith.constant 0 : i32
    %c0_i32_0 = arith.constant 0 : i32
    return %arg0, %c0_i32 : i32, i32
  }
  func.func @transform_1(%arg0: i32) -> (i32, i32, i32) {
    %c0_i32 = arith.constant 0 : i32
    %c0_i32_0 = arith.constant 0 : i32
    %c0_i32_1 = arith.constant 0 : i32
    return %c0_i32, %arg0, %c0_i32_0 : i32, i32, i32
  }
  func.func @transform_2(%arg0: i32) -> (i32, i32) {
    %c0_i32 = arith.constant 0 : i32
    %c0_i32_0 = arith.constant 0 : i32
    return %arg0, %c0_i32 : i32, i32
  }
  func.func @transform_3(%arg0: i32) -> (i32, i32) {
    %c0_i32 = arith.constant 0 : i32
    %c0_i32_0 = arith.constant 0 : i32
    %c0_i32_1 = arith.constant 0 : i32
    return %c0_i32, %c0_i32_0 : i32, i32
  }
  func.func @transform_4(%arg0: i32) -> (i32, i32) {
    %c0_i32 = arith.constant 0 : i32
    %c0_i32_0 = arith.constant 0 : i32
    %c0_i32_1 = arith.constant 0 : i32
    return %c0_i32, %c0_i32_0 : i32, i32
  }
  func.func @transform_5(%arg0: i32) -> (i32, i32) {
    %c0_i32 = arith.constant 0 : i32
    %c0_i32_0 = arith.constant 0 : i32
    %c0_i32_1 = arith.constant 0 : i32
    return %c0_i32, %c0_i32_0 : i32, i32
  }
  func.func @transform_6(%arg0: i32) -> (i32, i32) {
    %c0_i32 = arith.constant 0 : i32
    %c0_i32_0 = arith.constant 0 : i32
    %c0_i32_1 = arith.constant 0 : i32
    return %c0_i32, %c0_i32_0 : i32, i32
  }
  func.func @transform_7(%arg0: i32) -> (i32, i32) {
    %c0_i32 = arith.constant 0 : i32
    %c0_i32_0 = arith.constant 0 : i32
    %c0_i32_1 = arith.constant 0 : i32
    return %c0_i32, %c0_i32_0 : i32, i32
  }
  func.func @transform_8(%arg0: i32) -> (i32, i32) {
    %c0_i32 = arith.constant 0 : i32
    %c0_i32_0 = arith.constant 0 : i32
    %c0_i32_1 = arith.constant 0 : i32
    return %c0_i32, %c0_i32_0 : i32, i32
  }
  func.func @transform_9(%arg0: i32) -> (i32, i32) {
    %c0_i32 = arith.constant 0 : i32
    %c0_i32_0 = arith.constant 0 : i32
    return %arg0, %c0_i32 : i32, i32
  }
  func.func @transform_10(%arg0: i32) -> (i32, i32) {
    %c0_i32 = arith.constant 0 : i32
    %c0_i32_0 = arith.constant 0 : i32
    %c0_i32_1 = arith.constant 0 : i32
    return %c0_i32, %c0_i32_0 : i32, i32
  }
  func.func @transform_11(%arg0: i32) -> (i32, i32) {
    %c0_i32 = arith.constant 0 : i32
    %c0_i32_0 = arith.constant 0 : i32
    %c0_i32_1 = arith.constant 0 : i32
    return %c0_i32, %c0_i32_0 : i32, i32
  }
}

module attributes {stable_mosaic.version = 14 : i64} {
  func.func @body(%arg0: i32, %arg1: memref<10000x128xf32, #tpu.memory_space<vmem>>, %arg2: memref<128x8xf32, #tpu.memory_space<vmem>>, %arg3: memref<8x128xf32, #tpu.memory_space<vmem>>, %arg4: memref<1x128xf32, #tpu.memory_space<vmem>>, %arg5: memref<1x1xf32, #tpu.memory_space<smem>>, %arg6: memref<1x1xf32, #tpu.memory_space<smem>>, %arg7: memref<1x128xf32, #tpu.memory_space<vmem>>) attributes {dimension_semantics = [#tpu.dimension_semantics<arbitrary>], iteration_bounds = array<i64: 4>, scalar_prefetch = 0 : i64, scratch_operands = 3 : i64, tpu.core_type = #tpu.core_type<tc>, window_params = [{transform_indices = @transform_0, window_bounds = array<i64: 10000, 128>}, {pipeline_mode = #tpu.pipeline_mode<synchronous>, transform_indices = @transform_1, window_bounds = array<i64: 128, 8>}, {pipeline_mode = #tpu.pipeline_mode<synchronous>, transform_indices = @transform_2, window_bounds = array<i64: 8, 128>}, {pipeline_mode = #tpu.pipeline_mode<synchronous>, transform_indices = @transform_3, window_bounds = array<i64: 1, 128>}]} {
    %eq3A = arith.constant 0 : i32
    %eq3A_0 = arith.cmpi eq, %arg0, %eq3A : i32
    %convert_element_type3A = arith.extui %eq3A_0 : i1 to i32
    %cond3A = arith.constant 0 : i32
    %cond3A_1 = arith.cmpi ne, %convert_element_type3A, %cond3A : i32
    scf.if %cond3A_1 {
      %swap3A_52 = arith.constant -1.000000e+30 : f32
      %swap3A_53 = arith.constant 0 : index
      %swap3A_54 = arith.constant 0 : index
      %swap3A_55 = memref.load %arg5[%swap3A_53, %swap3A_54] : memref<1x1xf32, #tpu.memory_space<smem>>
      memref.store %swap3A_52, %arg5[%swap3A_53, %swap3A_54] : memref<1x1xf32, #tpu.memory_space<smem>>
      %swap3A_56 = arith.constant 0.000000e+00 : f32
      %swap3A_57 = arith.constant 0 : index
      %swap3A_58 = arith.constant 0 : index
      %swap3A_59 = memref.load %arg6[%swap3A_57, %swap3A_58] : memref<1x1xf32, #tpu.memory_space<smem>>
      memref.store %swap3A_56, %arg6[%swap3A_57, %swap3A_58] : memref<1x1xf32, #tpu.memory_space<smem>>
      %broadcast_in_dim3A_60 = arith.constant 0.000000e+00 : f32
      %broadcast_in_dim3A_61 = vector.broadcast %broadcast_in_dim3A_60 : f32 to vector<1x128xf32>
      %swap3A_62 = arith.constant 0 : index
      %swap3A_63 = arith.constant 0 : index
      %swap3A_64 = vector.load %arg7[%swap3A_62, %swap3A_63] : memref<1x128xf32, #tpu.memory_space<vmem>>, vector<1x128xf32>
      tpu.vector_store %arg7[%swap3A_62, %swap3A_63], %broadcast_in_dim3A_61 {strides = array<i32>} : memref<1x128xf32, #tpu.memory_space<vmem>>, vector<1x128xf32>,
    } else {
    }
    %get3A = arith.constant 0 : index
    %get3A_2 = arith.constant 0 : index
    %get3A_3 = vector.load %arg1[%get3A, %get3A_2] : memref<10000x128xf32, #tpu.memory_space<vmem>>, vector<10000x128xf32>
    %get3A_4 = arith.constant 0 : index
    %get3A_5 = arith.constant 0 : index
    %get3A_6 = vector.load %arg2[%get3A_4, %get3A_5] : memref<128x8xf32, #tpu.memory_space<vmem>>, vector<128x8xf32>
    %dot_general3A = arith.constant dense<0.000000e+00> : vector<10000x8xf32>
    %dot_general3A_7 = tpu.matmul %get3A_3, %get3A_6, %dot_general3A {dimension_numbers = #tpu.dot_dimension_numbers<[1], [0], [0], [1], [0, 0, 1, 1], [], []>, transpose_lhs_hint = false} : vector<10000x128xf32>, vector<128x8xf32>, vector<10000x8xf32> -> vector<10000x8xf32>
    %reduce_max3A = vector.shape_cast %dot_general3A_7 : vector<10000x8xf32> to vector<1x10000x8xf32>
    %reduce_max3A_8 = arith.constant dense<0xFF800000> : vector<1xf32>
    %reduce_max3A_9 = vector.multi_reduction <maximumf>, %reduce_max3A, %reduce_max3A_8 [1, 2] : vector<1x10000x8xf32> to vector<1xf32>
    %reduce_max3A_10 = vector.shape_cast %reduce_max3A_9 : vector<1xf32> to vector<1x1x1xf32>
    %reduce_max3A_11 = vector.extract %reduce_max3A_10[0, 0, 0] : f32 from vector<1x1x1xf32>
    %get3A_12 = arith.constant 0 : index
    %get3A_13 = arith.constant 0 : index
    %get3A_14 = memref.load %arg5[%get3A_12, %get3A_13] : memref<1x1xf32, #tpu.memory_space<smem>>
    %max3A = arith.maximumf %get3A_14, %reduce_max3A_11 : f32
    %sub3A = arith.subf %get3A_14, %max3A : f32
    %exp3A = math.exp %sub3A : f32
    %sub3A_15 = vector.broadcast %max3A : f32 to vector<10000x8xf32>
    %sub3A_16 = arith.subf %dot_general3A_7, %sub3A_15 : vector<10000x8xf32>
    %exp3A_17 = math.exp %sub3A_16 : vector<10000x8xf32>
    %get3A_18 = arith.constant 0 : index
    %get3A_19 = arith.constant 0 : index
    %get3A_20 = memref.load %arg6[%get3A_18, %get3A_19] : memref<1x1xf32, #tpu.memory_space<smem>>
    %mul3A = arith.mulf %get3A_20, %exp3A : f32
    %reduce_sum3A = vector.shape_cast %exp3A_17 : vector<10000x8xf32> to vector<1x10000x8xf32>
    %reduce_sum3A_21 = arith.constant dense<0.000000e+00> : vector<1xf32>
    %reduce_sum3A_22 = vector.multi_reduction <add>, %reduce_sum3A, %reduce_sum3A_21 [1, 2] : vector<1x10000x8xf32> to vector<1xf32>
    %reduce_sum3A_23 = vector.shape_cast %reduce_sum3A_22 : vector<1xf32> to vector<1x1x1xf32>
    %reduce_sum3A_24 = vector.extract %reduce_sum3A_23[0, 0, 0] : f32 from vector<1x1x1xf32>
    %add3A = arith.addf %mul3A, %reduce_sum3A_24 : f32
    %swap3A = arith.constant 0 : index
    %swap3A_25 = arith.constant 0 : index
    %swap3A_26 = memref.load %arg6[%swap3A, %swap3A_25] : memref<1x1xf32, #tpu.memory_space<smem>>
    memref.store %add3A, %arg6[%swap3A, %swap3A_25] : memref<1x1xf32, #tpu.memory_space<smem>>
    %get3A_27 = arith.constant 0 : index
    %get3A_28 = arith.constant 0 : index
    %get3A_29 = vector.load %arg3[%get3A_27, %get3A_28] : memref<8x128xf32, #tpu.memory_space<vmem>>, vector<8x128xf32>
    %dot_general3A_30 = arith.constant dense<0.000000e+00> : vector<10000x128xf32>
    %dot_general3A_31 = tpu.matmul %exp3A_17, %get3A_29, %dot_general3A_30 {dimension_numbers = #tpu.dot_dimension_numbers<[1], [0], [0], [1], [0, 0, 1, 1], [], []>, transpose_lhs_hint = false} : vector<10000x8xf32>, vector<8x128xf32>, vector<10000x128xf32> -> vector<10000x128xf32>
    %get3A_32 = arith.constant 0 : index
    %get3A_33 = arith.constant 0 : index
    %get3A_34 = vector.load %arg7[%get3A_32, %get3A_33] : memref<1x128xf32, #tpu.memory_space<vmem>>, vector<1x128xf32>
    %mul3A_35 = vector.broadcast %exp3A : f32 to vector<1x128xf32>
    %mul3A_36 = arith.mulf %get3A_34, %mul3A_35 : vector<1x128xf32>
    %mul3A_37 = arith.mulf %dot_general3A_31, %get3A_3 : vector<10000x128xf32>
    %reduce_sum3A_38 = arith.constant dense<0.000000e+00> : vector<128xf32>
    %reduce_sum3A_39 = vector.multi_reduction <add>, %mul3A_37, %reduce_sum3A_38 [0] : vector<10000x128xf32> to vector<128xf32>
    %broadcast_in_dim3A = vector.shape_cast %reduce_sum3A_39 : vector<128xf32> to vector<1x128xf32>
    %add3A_40 = arith.addf %mul3A_36, %broadcast_in_dim3A : vector<1x128xf32>
    %swap3A_41 = arith.constant 0 : index
    %swap3A_42 = arith.constant 0 : index
    %swap3A_43 = vector.load %arg7[%swap3A_41, %swap3A_42] : memref<1x128xf32, #tpu.memory_space<vmem>>, vector<1x128xf32>
    tpu.vector_store %arg7[%swap3A_41, %swap3A_42], %add3A_40 {strides = array<i32>} : memref<1x128xf32, #tpu.memory_space<vmem>>, vector<1x128xf32>,
    %swap3A_44 = arith.constant 0 : index
    %swap3A_45 = arith.constant 0 : index
    %swap3A_46 = memref.load %arg5[%swap3A_44, %swap3A_45] : memref<1x1xf32, #tpu.memory_space<smem>>
    memref.store %max3A, %arg5[%swap3A_44, %swap3A_45] : memref<1x1xf32, #tpu.memory_space<smem>>
    %eq3A_47 = arith.constant 3 : i32
    %eq3A_48 = arith.cmpi eq, %arg0, %eq3A_47 : i32
    %convert_element_type3A_49 = arith.extui %eq3A_48 : i1 to i32
    %cond3A_50 = arith.constant 0 : i32
    %cond3A_51 = arith.cmpi ne, %convert_element_type3A_49, %cond3A_50 : i32
    scf.if %cond3A_51 {
      %get3A_52 = arith.constant 0 : index
      %get3A_53 = arith.constant 0 : index
      %get3A_54 = vector.load %arg7[%get3A_52, %get3A_53] : memref<1x128xf32, #tpu.memory_space<vmem>>, vector<1x128xf32>
      %get3A_55 = arith.constant 0 : index
      %get3A_56 = arith.constant 0 : index
      %get3A_57 = memref.load %arg6[%get3A_55, %get3A_56] : memref<1x1xf32, #tpu.memory_space<smem>>
      %div3A = vector.broadcast %get3A_57 : f32 to vector<1x128xf32>
      %div3A_58 = arith.divf %get3A_54, %div3A : vector<1x128xf32>
      %swap3A_59 = arith.constant 0 : index
      %swap3A_60 = arith.constant 0 : index
      %swap3A_61 = vector.load %arg4[%swap3A_59, %swap3A_60] : memref<1x128xf32, #tpu.memory_space<vmem>>, vector<1x128xf32>
      tpu.vector_store %arg4[%swap3A_59, %swap3A_60], %div3A_58 {strides = array<i32>} : memref<1x128xf32, #tpu.memory_space<vmem>>, vector<1x128xf32>,
    } else {
    }
    return
  }
  func.func @transform_0(%arg0: i32) -> (i32, i32) {
    %c0_i32 = arith.constant 0 : i32
    %c0_i32_0 = arith.constant 0 : i32
    return %arg0, %c0_i32 : i32, i32
  }
  func.func @transform_1(%arg0: i32) -> (i32, i32) {
    %c0_i32 = arith.constant 0 : i32
    %c0_i32_0 = arith.constant 0 : i32
    %c0_i32_1 = arith.constant 0 : i32
    return %c0_i32, %c0_i32_0 : i32, i32
  }
  func.func @transform_2(%arg0: i32) -> (i32, i32) {
    %c0_i32 = arith.constant 0 : i32
    %c0_i32_0 = arith.constant 0 : i32
    %c0_i32_1 = arith.constant 0 : i32
    return %c0_i32, %c0_i32_0 : i32, i32
  }
  func.func @transform_3(%arg0: i32) -> (i32, i32) {
    %c0_i32 = arith.constant 0 : i32
    %c0_i32_0 = arith.constant 0 : i32
    %c0_i32_1 = arith.constant 0 : i32
    return %c0_i32, %c0_i32_0 : i32, i32
  }
}

</mosaic_0001>

<sc_bundles>
// kernel: kernel.9.cloned.1.call-start
scs
__scs_entry_jumppad:
0x0: {  	(pc) =	sbr.rel $0x88, $3  }
0x1: {  	(tag) =	ssettag $0x0;
	lr =	simm.s32 $0x1  }
0x2: {  	[smem:$0x3F83] =	sst lr;
	_ =	strace $0xD0000000  }
0x3: {  	_ = 	snop  }
0x4: {  	_ = 	snop  }
0x5: {  	_ = 	snop  }
0x6: {  	_ = 	snop  }
0x7: {  	_ = 	snop  }
__scs_overlays_trampoline_lowered:
0x8: {  	[smem:$0x3F92] =	sst s0  }
0x9: {  	[smem:$0x3F93] =	sst s1  }
0xa: {  	[smem:$0x3F94] =	sst s2  }
0xb: {  	[smem:$0x3F95] =	sst s3  }
0xc: {  	[smem:$0x3F96] =	sst s4  }
0xd: {  	[smem:$0x3F97] =	sst s5  }
0xe: {  	[smem:$0x3F98] =	sst s6  }
0xf: {  	[smem:$0x3F99] =	sst s7  }
0x10: {  	[smem:$0x3F9A] =	sst s8  }
0x11: {  	[smem:$0x3F9B] =	sst s9;
	s0 =	simm.s32 @!p0 $0x0  }
0x12: {  	s1 =	sld [smem:$0x3F81];
	s0 =	simm.s32 @p0 $0x1  }
0x13: {  	[smem:$0x3F9C] =	sst s0;
	s0 =	simm.s32 @!p1 $0x0  }
0x14: {  	s2 =	sld [smem:$0x3F80];
	s0 =	simm.s32 @p1 $0x1  }
0x15: {  	[smem:$0x3F9D] =	sst s0;
	s0 =	simm.s32 @!p2 $0x0  }
0x16: {  	s3 =	sld [smem:$0x3FDB];
	s0 =	simm.s32 @p2 $0x1  }
0x17: {  	s4 =	simm.s32 $0x1BF5;
	[smem:$0x3F9F] =	sst s0  }
0x18: {  	s0 =	sld [smem:$0x3F82];
	_ =	swait.ge [sflag:s4], $0x0  }
0x19: {  	s7 =	sld [smem:$0x3F83]  }
0x1a: {  	s8 =	sadd.s32 $0xFFFFE003, lr  }
0x1b: {  	s9 =	sadd.s32 $0xFFFFFEF7, lr;
	s5 =	simm.s32 $0xFFFFFFFF;
	p2 =	slt.u32 s8, $0xFFFFF086  }
0x1c: {  	p1 =	slt.u32 s9, $0xF7A;
	s5 =	simm.s32 @!p2 $0x0  }
0x1d: {  	s5 =	simm.s32 @p1 $0x1;
	p0 =	seq.s32 s7, s2  }
0x1e: {  	s7 =	smul.u32 @!p0 $0xF7A, s2;
	p2 =	seq.s32 @!p0 s5, $0x0  }
0x1f: {  	s9 =	smul.u32 $0xF7A, s1;
	s8 =	simm.s32 @!p0 $0x1BF5;
	p2 =	por !p2, p0  }
0x20: {  	[sflag:s8] =	ssyncset.s32 @!p0 $0xFFFFF086;
	s6 =	sadd.s32 @!p0 s3, s7;
	s7 =	simm.s32 @!p0 $0x108  }
0x21: {  	s3 =	sadd.s32 s3, s9;
	s6 =	sadd.s32 @!p0 $0x88, s6;
	s7 =	simm.s32 @p2 $0x1082  }
0x22: {  	[simem:s7], [sflag:s8] =	dma.local @!p0 [hbm:s6], $0xF7A  }
0x23: {  	s9 =	sor.u32 $0xD0000000, s2;
	s6 =	simm.s32 $0x108;
	_ =	swait.ge @!p0 [sflag:s8], $0x0  }
0x24: {  	s3 =	sadd.s32 $0x88, s3;
	s6 =	simm.s32 @!p1 $0x1082;
	[sflag:s4] =	ssyncset.s32 $0xFFFFF086  }
0x25: {  	[simem:s6], [sflag:s4] =	dma.local [hbm:s3], $0xF7A  }
0x26: {  	[smem:$0x3F83] =	sst s1;
	(tag) =	ssettag s2;
	_ =	strace s9  }
0x27: {  	s1 =	sld [smem:$0x3F93]  }
0x28: {  	s2 =	sld [smem:$0x3F94]  }
0x29: {  	s4 =	sld [smem:$0x3F96]  }
0x2a: {  	p0 =	seq.s32 s5, $0x0;
	s5 =	sld [smem:$0x3F97]  }
0x2b: {  	s6 =	sld [smem:$0x3F98]  }
0x2c: {  	s7 =	sld [smem:$0x3F99]  }
0x2d: {  	s3 =	simm.s32 $0x108;
	s8 =	sld [smem:$0x3F9A]  }
0x2e: {  	s3 =	simm.s32 @!p0 $0x1082;
	s9 =	sld [smem:$0x3F9B]  }
0x2f: {  	lr =	sadd.s32 s0, s3;
	s0 =	sld [smem:$0x3F92]  }
0x30: {  	s3 =	sld [smem:$0x3F95]  }
0x31: {  	[smem:$0x3F9E] =	sst s10  }
0x32: {  	s10 =	sld [smem:$0x3F9C];
	_ =	sdelay $0x3  }
0x33: {  	p0 =	seq.s32 s10, $0x1;
	s10 =	sld [smem:$0x3F9E];
	_ =	sdelay $0x3  }
0x34: {  	[smem:$0x3F9E] =	sst s10  }
0x35: {  	s10 =	sld [smem:$0x3F9D];
	_ =	sdelay $0x3  }
0x36: {  	p1 =	seq.s32 s10, $0x1;
	s10 =	sld [smem:$0x3F9E];
	_ =	sdelay $0x3  }
0x37: {  	[smem:$0x3F9E] =	sst s10  }
0x38: {  	s10 =	sld [smem:$0x3F9F]  }
0x39: {  	_ = 	snop;
	(pc) =	sbr.ind lr, $3  }
0x3a: {  	_ = 	snop  }
0x3b: {  	_ = 	snop  }
0x3c: {  	p2 =	seq.s32 s10, $0x1;
	s10 =	sld [smem:$0x3F9E]  }
0x3d: {  	_ =	shalt  }
0x3e: {  	_ =	shalt  }
0x3f: {  	_ =	shalt  }
0x40: {  	_ =	shalt  }
0x41: {  	_ =	shalt  }
0x42: {  	_ =	shalt  }
0x43: {  	_ =	shalt  }
0x44: {  	_ =	shalt  }
0x45: {  	_ =	shalt  }
0x46: {  	_ =	shalt  }
0x47: {  	_ =	shalt  }
0x48: {  	_ =	shalt  }
0x49: {  	_ =	shalt  }
0x4a: {  	_ =	shalt  }
0x4b: {  	_ =	shalt  }
0x4c: {  	_ =	shalt  }
0x4d: {  	_ =	shalt  }
0x4e: {  	_ =	shalt  }
0x4f: {  	_ =	shalt  }
0x50: {  	_ =	shalt  }
0x51: {  	_ =	shalt  }
0x52: {  	_ =	shalt  }
0x53: {  	_ =	shalt  }
0x54: {  	_ =	shalt  }
0x55: {  	_ =	shalt  }
0x56: {  	_ =	shalt  }
0x57: {  	_ =	shalt  }
0x58: {  	_ =	shalt  }
0x59: {  	_ =	shalt  }
0x5a: {  	_ =	shalt  }
0x5b: {  	_ =	shalt  }
0x5c: {  	_ =	shalt  }
0x5d: {  	_ =	shalt  }
0x5e: {  	_ =	shalt  }
0x5f: {  	_ =	shalt  }
0x60: {  	_ =	shalt  }
0x61: {  	_ =	shalt  }
0x62: {  	_ =	shalt  }
0x63: {  	_ =	shalt  }
0x64: {  	_ =	shalt  }
0x65: {  	_ =	shalt  }
0x66: {  	_ =	shalt  }
0x67: {  	_ =	shalt  }
0x68: {  	_ =	shalt  }
0x69: {  	_ =	shalt  }
0x6a: {  	_ =	shalt  }
0x6b: {  	_ =	shalt  }
0x6c: {  	_ =	shalt  }
0x6d: {  	_ =	shalt  }
0x6e: {  	_ =	shalt  }
0x6f: {  	_ =	shalt  }
0x70: {  	_ =	shalt  }
0x71: {  	_ =	shalt  }
0x72: {  	_ =	shalt  }
0x73: {  	_ =	shalt  }
0x74: {  	_ =	shalt  }
0x75: {  	_ =	shalt  }
0x76: {  	_ =	shalt  }
0x77: {  	_ =	shalt  }
0x78: {  	_ =	shalt  }
0x79: {  	_ =	shalt  }
0x7a: {  	_ =	shalt  }
0x7b: {  	_ =	shalt  }
0x7c: {  	_ =	shalt  }
0x7d: {  	_ =	shalt  }
0x7e: {  	_ =	shalt  }
0x7f: {  	_ =	shalt  }
0x80: {  	_ =	shalt  }
0x81: {  	_ =	shalt  }
0x82: {  	_ =	shalt  }
0x83: {  	_ =	shalt  }
0x84: {  	_ =	shalt  }
0x85: {  	_ =	shalt  }
0x86: {  	_ =	shalt  }
0x87: {  	_ =	shalt  }
.Lfunc_end0:
.L_simem_size_0:
called_computation_lowered:
.L_overlay_start_0:
0x88: {  	s2 =	sld [smem:$0x3FD9]  }
0x89: {  	s3 =	sld [smem:$0x3FFE];
	_ =	sdelay $0x1  }
0x8a: {  	s1 =	srdreg.scid  }
0x8b: {  	s0 =	sand.u32 $0x1, s1  }
0x8c: {  	s16 =	sshll.u32 s0, $0xA;
	s2 =	sadd.s32 s3, s2  }
0x8d: {  	s2 =	sadd.s32 s2, s16  }
0x8e: {  	[smem:$0x3FAA] =	sst s2  }
0x8f: {  	_ = 	snop  }
0x90: {  	(tm) =	ssettm $0x1  }
0x91: {  	s17 =	sld [smem:$0x3FFB];
	_ =	sdelay $0x3  }
0x92: {  	_ =	strace s17  }
0x93: {  	s2 =	sld [smem:$0x3FFC];
	_ =	sdelay $0x3  }
0x94: {  	_ =	strace s2  }
0x95: {  	s2 =	sld [smem:$0x3FFD];
	_ =	sdelay $0x3  }
0x96: {  	_ =	strace s2  }
0x97: {  	_ =	strace $0x8FFFFFFF  }
0x98: {  	s18 =	sld [smem:$0x3FDB];
	_ =	sdelay $0x1  }
0x99: {  	s19 =	simm.s32 $_scs_section_size  }
0x9a: {  	s4 =	simm.s32 $_size__tile_overlayer_lowered;
	s5 =	simm.s32 $_tile_overlayer_lowered  }
0x9b: {  	s22 =	simm.s32 $0x1BFF;
	s21 =	sshll.u32 s5, $0x1;
	s2 =	sadd.s32 s19, s18  }
0x9c: {  	s6 =	simm.s32 $0x0;
	s20 =	sshll.u32 s4, $0x1;
	s4 =	sadd.s32 s21, s2  }
0x9d: {  	[timem:s6], [sflag:s22] =	dma.local [hbm:s4], s20  }
0x9e: {  	_ =	swait.ge [sflag:s22], s20  }
0x9f: {  	s3 =	ssub.s32 $0x0, s20;
	[sflag:s22] =	ssyncset.done $0x0  }
0xa0: {  	[sflag:s22] =	ssyncadd.s32 s3;
	_ =	sdelay $0x1  }
0xa1: {  	s23 =	simm.s32 $0x1B8B  }
0xa2: {  	_ =	swait.ge [sflag:s23], $0x1  }
0xa3: {  	[sflag:s23] =	ssyncset.done $0x0  }
0xa4: {  	s25 =	simm.s32 $0x1B8E;
	s24 =	sld [smem:$0x3FFE];
	[sflag:s23] =	ssyncadd.s32 $0xFFFFFFFF  }
0xa5: {  	s26 =	simm.s32 $execute0_lowered;
	[smem:$0x3FD2] =	sst s25  }
0xa6: {  	s4 =	sshll.u32 s26, $0x1;
	_ =	strace $0x80000046;
	[dreg:$0x1] =	wrdreg $0xFFFFFFFF  }
0xa7: {  	s28 =	simm.s32 $_size_execute0_lowered;
	s2 =	sadd.s32 s2, s4;
	[dreg:$0x0] =	wrdreg $0x0  }
0xa8: {  	s4 =	sshll.u32 s28, $0x1;
	[dreg:$0x2] =	wrdreg s2  }
0xa9: {  	[dreg:$0x3] =	wrdreg s4  }
0xaa: {  	[dreg:$0x4] =	wrdreg $0xC0  }
0xab: {  	_ =	task [dreg:s6], $0x5FFFF  }
0xac: {  	[dreg:$0x1] =	wrdreg $0xFFFFFFFF  }
0xad: {  	[dreg:$0x0] =	wrdreg $0x60  }
0xae: {  	[dreg:$0x2] =	wrdreg s24  }
0xaf: {  	[dreg:$0x3] =	wrdreg $0x164400  }
0xb0: {  	[dreg:$0x4] =	wrdreg $0x9  }
0xb1: {  	_ =	task.clear_ibuf [dreg:s6], $0x5FFFF;
	_ =	strace $0x90000046  }
0xb2: {  	s29 =	simm.s32 $0x9;
	_ =	strace $0x80000048  }
0xb3: {  	_ =	swait.ge [sflag:s29], $0x1  }
0xb4: {  	[sflag:s29] =	ssyncadd.s32 $0xFFFFFFFF  }
0xb5: {  	_ =	strace $0x90000048  }
0xb6: {  	_ =	sfence  }
0xb7: {  	s30 =	sld [smem:$0x0];
	_ =	sdelay $0x2  }
0xb8: {  	s31 =	sshll.u32 s1, $0xD;
	s1 =	sshrl.u32 s1, $0x2  }
0xb9: {  	s3 =	sand.u32 $0x4000, s31;
	s1 =	sadd.s32 s1, s30  }
0xba: {  	s0 =	sor.u32 s3, s0;
	s1 =	sshll.u32 s1, $0x11  }
0xbb: {  	s0 =	sor.u32 s1, s0  }
0xbc: {  	s0 =	sadd.s32 $0x8F2B, s0  }
0xbd: {  	[sflag:s0] =	ssyncadd.remote.s32 $0x1  }
0xbe: {  	_ =	sfence.sel $0xFFFF  }
0xbf: {  	[dreg:$0x0] =	wrdreg $0xFFFFFFFF;
	(pc) =	sbr.abs _section_cstart, $3  }
0xc0: {  	[dreg:$0x1] =	wrdreg $0xFFFFFFFF  }
0xc1: {  	_ =	task.clear_ibuf [dreg:s6], $0x2FFFF;
	_ =	strace $0x9FFFFFFF  }
0xc2: {  	(tm) =	ssettm $0x7FFFFFFF  }
0xc3: {  	_ =	shalt  }
tec
execute0_lowered:
.L_overlay_start_1:
0x0: {  	(tag) =	ssettag $0x1  }
0x1: {  	s0 =	srdreg.scid;
	s1 =	rddreg [dreg:$0x0]  }
0x2: {  	s14 =	stileid.u32;
	s2 =	rddreg [dreg:$0x1];
	s16 =	simm.s32 $0x28A0  }
0x3: {  	s28 =	simm.s32 $0xE740;
	s29 =	simm.s32 $0x11940;
	s30 =	simm.s32 $0xF3C0  }
0x4: {  	s31 =	simm.s32 $0x125C0;
	s15 =	simm.s32 $0x0;
	s0 =	sand.u32 $0x1, s0  }
0x5: {  	s3 =	sshll.u32 s14, $0x1;
	s4 =	sadd.s32 $0x27200, s1;
	s10 =	smul.u32 $0x7D00, s14  }
0x6: {  	s6 =	sadd.s32 $0x45800, s1;
	s8 =	sadd.s32 $0x17E000, s1;
	s12 =	smul.u32 $0x1F400, s14  }
0x7: {  	p0 =	sgt.u32 s14, $0x9;
	s7 =	sor.u32 s0, s3;
	s9 =	smul.u32 $0x4E200, s0  }
0x8: {  	s3 =	simm.s32 $0x0;
	s0 =	ssub.s32 $0x2, s0;
	s5 =	smul.u32 $0x514, s7  }
0x9: {  	[smem:$0x7FF] =	sst s3;
	s19 =	sshrl.u32 s0, $0x1;
	s13 =	smul.u32 $0x27100, s7  }
0xa: {  	s22 =	sshrl.u32 s12, $0x2;
	s23 =	smul.u32 $0x4E20, s7;
	_ =	strace $0x80000047  }
0xb: {  	[dreg:$0x3] =	wrdreg s8;
	s8 =	sadd.s32 $0x192A00, s1;
	s9 =	sadd.s32 s10, s9  }
0xc: {  	s0 =	ssub.s32 s0, s19;
	s11 =	sadd.s32 s5, s1;
	s5 =	sadd.s32 $0xE1C00, s1  }
0xd: {  	s9 =	sshrl.u32 s9, $0x3;
	s13 =	sshrl.u32 s13, $0x3;
	s12 =	sadd.s32 s6, s23  }
0xe: {  	s0 =	smax.u32 s0, $0x1;
	s1 =	sadd.s32 s9, s1;
	s20 =	sadd.s32 $0x3B400, s11  }
0xf: {  	s21 =	sadd.s32 $0x31000, s11;
	s9 =	sadd.s32 s22, s2;
	[dreg:$0x7] =	wrdreg s12  }
0x10: {  	s11 =	smul.u32 $0x32, s7;
	s24 =	sadd.s32 $0x190, s13;
	[dreg:$0xb] =	wrdreg s0  }
0x11: {  	s25 =	sadd.s32 s5, s23;
	s0 =	sshll.u32 @!p0 s14, $0x6;
	[dreg:$0x4] =	wrdreg s20  }
0x12: {  	s22 =	simm.s32 $0x2;
	s23 =	simm.s32 $0x1;
	[dreg:$0x5] =	wrdreg s21  }
0x13: {  	[dreg:$0x6] =	wrdreg s25;
	s26 =	sadd.s32 s5, s24;
	s7 =	sadd.s32 s6, s24  }
0x14: {  	s1 =	sadd.s32 $0x17F000, s1;
	s14 =	sor.u32 @!p0 $0x1C05, s0;
	[dreg:$0x8] =	wrdreg s26  }
0x15: {  	s0 =	sshrl.u32 @!p0 s9, $0x3;
	s24 =	simm.s32 $0x64;
	[dreg:$0x9] =	wrdreg s7  }
0x16: {  	s9 =	simm.s32 $0x10CC0;
	[dreg:$0xa] =	wrdreg s1;
	s1 =	sadd.s32 s10, s2  }
0x17: {  	[dreg:$0xd] =	wrdreg s0;
	s26 =	simm.s32 $0x14B40;
	s7 =	simm.s32 $0x13240  }
0x18: {  	s10 =	simm.s32 $0x13EC0;
	[dreg:$0xc] =	wrdreg s14;
	s0 =	sshrl.u32 @!p0 s1, $0x3  }
0x19: {  	v0 =	vimm.f32 $1.000000000e+00;
	s1 =	simm.s32 $0x157C0;
	[dreg:$0xe] =	wrdreg s0;
	s0 =	simm.s32 $0x10040  }
.LBB2_1:
0x1a: {  	[dreg:$0xf] =	wrdreg s15  }
0x1b: {  	s12 =	rddreg [dreg:$0x4];
	s13 =	simm.s32 $0x5  }
0x1c: {  	[tilespmem:s3], [sflag:$0x5] =	stream.linear.gather [hbm4b:s12+s3], $0x28A0, $0x38;
	[tilespmem:$0x1B260] =	vst v63  }
0x1d: {  	_ =	swait.ge [sflag:s13], $0x28A0  }
0x1e: {  	[sflag:s13] =	ssyncset.done $0x0  }
0x1f: {  	s25 =	rddreg [dreg:$0x5];
	[sflag:s13] =	ssyncadd.s32 $0xFFFFD760  }
0x20: {  	[tilespmem:s16], [sflag:$0x5] =	stream.linear.gather [hbm4b:s25+s3], $0x28A0, $0x38;
	[tilespmem:$0x1B260] =	vst v63  }
0x21: {  	_ =	swait.ge [sflag:s13], $0x28A0  }
0x22: {  	[sflag:s13] =	ssyncset.done $0x0;
	s12 =	rddreg [dreg:$0x3]  }
0x23: {  	[sflag:s13] =	ssyncadd.s32 $0xFFFFD760;
	s13 =	rddreg [dreg:$0xd]  }
0x24: {  	[spmem:s13], [sflag:s14] =	dma.local @!p0 [hbm:s12], $0xFA0  }
0x25: {  	s12 =	simm.s32 @!p0 $0x5  }
0x26: {  	_ =	swait.ge @!p0 [sflag:s12], $0xFA0  }
0x27: {  	[sflag:s12] =	ssyncset.done @!p0 $0x0  }
0x28: {  	s14 =	simm.s32 $0x80;
	[sflag:s12] =	ssyncadd.s32 @!p0 $0xFFFFF060;
	s12 =	simm.s32 $0x0  }
.LBB2_2:
0x29: {  	p1 =	sne.s32 s14, $0x3180;
	[tilespmem:s12+$0x13ED0] =	vst v0  }
0x2a: {  	[tilespmem:s12+$0xE750] =	vst v0  }
0x2b: {  	[tilespmem:s12+$0x11950] =	vst v0  }
.Ltmp0:
0x2c: {  	[tilespmem:s12+$0xF3D0] =	vst v0;
	(pc) =	sbr.rel @p1 .LBB2_2-.Ltmp0, $4  }
0x2d: {  	[tilespmem:s12+$0x125D0] =	vst v0  }
0x2e: {  	[tilespmem:s12+$0x10050] =	vst v0  }
0x2f: {  	[tilespmem:s12+$0x13250] =	vst v0  }
0x30: {  	[tilespmem:s12+$0x10CD0] =	vst v0;
	s12 =	sshra.s32 s14, $0x2;
	s14 =	sadd.s32 $0x80, s14  }
0x31: {  	[tilespmem:s12+$0x13ED0] =	vst v0  }
0x32: {  	[tilespmem:s12+$0xE750] =	vst v0  }
0x33: {  	[tilespmem:s12+$0x11950] =	vst v0  }
0x34: {  	[tilespmem:s12+$0xF3D0] =	vst v0  }
0x35: {  	[tilespmem:s12+$0x125D0] =	vst v0  }
0x36: {  	[tilespmem:s12+$0x10050] =	vst v0  }
0x37: {  	[tilespmem:s12+$0x13250] =	vst v0  }
0x38: {  	[tilespmem:s12+$0x10CD0] =	vst v0  }
0x39: {  	[bflag:$0x0] =	sbarrier.arrive $0xFFFF  }
0x3a: {  	s15 =	simm.s32 $0x0;
	s13 =	simm.s32 $0xB540;
	s19 =	rddreg [dreg:$0x6]  }
0x3b: {  	[tilespmem:s13], [sflag:$0x2] =	stream.linear.gather [hbm4b:s19+s15], $0xC80, $0x38;
	[tilespmem:$0x1B260] =	vst v63  }
0x3c: {  	s21 =	simm.s32 $0xCE40;
	s20 =	rddreg [dreg:$0x7]  }
0x3d: {  	[tilespmem:s21], [sflag:$0x2] =	stream.linear.gather [hbm4b:s20+s15], $0xC80, $0x38;
	[tilespmem:$0x1B260] =	vst v63  }
0x3e: {  	s25 =	simm.s32 $0x5140  }
0x3f: {  	[tilespmem:s25], [sflag:$0x1] =	stream.indirect.gather [hbm4b:s4+s24], $0x20, s15, s24, $0xb8;
	[tilespmem:$0x1B260] =	vst v63  }
0x40: {  	s13 =	simm.s32 $0x8340  }
0x41: {  	[tilespmem:s13], [sflag:$0x1] =	stream.indirect.gather [hbm4b:s4+s24], $0x20, s16, s24, $0xb8;
	[tilespmem:$0x1B260] =	vst v63  }
0x42: {  	s14 =	simm.s32 $0x68;
	s16 =	simm.s32 $0x5DC0  }
0x43: {  	[tilespmem:s16], [sflag:$0x1] =	stream.indirect.gather [hbm4b:s4+s24], $0x20, s14, s24, $0xb8;
	[tilespmem:$0x1B260] =	vst v63  }
0x44: {  	s17 =	simm.s32 $0x2908;
	s18 =	simm.s32 $0x8FC0  }
0x45: {  	[tilespmem:s18], [sflag:$0x1] =	stream.indirect.gather [hbm4b:s4+s24], $0x20, s17, s24, $0xb8;
	[tilespmem:$0x1B260] =	vst v63  }
0x46: {  	s19 =	rddreg [dreg:$0x8];
	s20 =	simm.s32 $0xC1C0  }
0x47: {  	[tilespmem:s20], [sflag:$0x2] =	stream.linear.gather [hbm4b:s19+s15], $0xC80, $0x38;
	[tilespmem:$0x1B260] =	vst v63  }
0x48: {  	s21 =	rddreg [dreg:$0x9];
	s25 =	simm.s32 $0xDAC0  }
0x49: {  	[tilespmem:s25], [sflag:$0x2] =	stream.linear.gather [hbm4b:s21+s15], $0xC80, $0x38;
	[tilespmem:$0x1B260] =	vst v63  }
0x4a: {  	s14 =	simm.s32 $0xD0;
	s16 =	simm.s32 $0x6A40  }
0x4b: {  	[tilespmem:s16], [sflag:$0x1] =	stream.indirect.gather [hbm4b:s4+s24], $0x20, s14, s24, $0xb8;
	[tilespmem:$0x1B260] =	vst v63  }
0x4c: {  	s17 =	simm.s32 $0x2970;
	s18 =	simm.s32 $0x9C40  }
0x4d: {  	[tilespmem:s18], [sflag:$0x1] =	stream.indirect.gather [hbm4b:s4+s24], $0x20, s17, s24, $0xb8;
	[tilespmem:$0x1B260] =	vst v63  }
0x4e: {  	s19 =	simm.s32 $0x138;
	s20 =	simm.s32 $0x76C0  }
0x4f: {  	[tilespmem:s20], [sflag:$0x1] =	stream.indirect.gather [hbm4b:s4+s24], $0x20, s19, s24, $0xb8;
	[tilespmem:$0x1B260] =	vst v63  }
0x50: {  	s21 =	simm.s32 $0x29D8;
	s25 =	simm.s32 $0xA8C0  }
0x51: {  	[tilespmem:s25], [sflag:$0x1] =	stream.indirect.gather [hbm4b:s4+s24], $0x20, s21, s24, $0xb8;
	[tilespmem:$0x1B260] =	vst v63  }
.LBB2_4:
0x52: {  	_ =	swait.ge [sflag:s22], $0xC80  }
0x53: {  	[sflag:s22] =	ssyncset.done $0x0  }
0x54: {  	[sflag:s22] =	ssyncadd.s32 $0xFFFFF380  }
0x55: {  	_ =	swait.ge [sflag:s22], $0xC80  }
0x56: {  	[sflag:s22] =	ssyncset.done $0x0  }
0x57: {  	[sflag:s22] =	ssyncadd.s32 $0xFFFFF380  }
0x58: {  	_ =	swait.ge [sflag:s23], $0xC80  }
0x59: {  	[sflag:s23] =	ssyncset.done $0x0  }
0x5a: {  	[sflag:s23] =	ssyncadd.s32 $0xFFFFF380  }
0x5b: {  	_ =	swait.ge [sflag:s23], $0xC80  }
0x5c: {  	[sflag:s23] =	ssyncset.done $0x0  }
0x5d: {  	[sflag:s23] =	ssyncadd.s32 $0xFFFFF380  }
0x5e: {  	_ =	swait.ge [sflag:s23], $0xC80  }
0x5f: {  	[sflag:s23] =	ssyncset.done $0x0  }
0x60: {  	[sflag:s23] =	ssyncadd.s32 $0xFFFFF380  }
0x61: {  	_ =	swait.ge [sflag:s23], $0xC80  }
0x62: {  	p2 =	seq.s32 s15, $0x0;
	[sflag:s23] =	ssyncset.done $0x0  }
0x63: {  	s12 =	simm.s32 @!p2 $0x3;
	[sflag:s23] =	ssyncadd.s32 $0xFFFFF380  }
0x64: {  	_ =	swait.ge @!p2 [sflag:s12], $0xC80  }
0x65: {  	[sflag:s12] =	ssyncset.done @!p2 $0x0  }
0x66: {  	[sflag:s12] =	ssyncadd.s32 @!p2 $0xFFFFF380;
	s12 =	simm.s32 @!p2 $0x4  }
0x67: {  	_ =	swait.ge @!p2 [sflag:s12], $0xC80  }
0x68: {  	[sflag:s12] =	ssyncset.done @!p2 $0x0  }
0x69: {  	[sflag:s12] =	ssyncadd.s32 @!p2 $0xFFFFF380  }
0x6a: {  	_ =	swait.ge @!p2 [sflag:s12], $0xC80  }
0x6b: {  	[sflag:s12] =	ssyncset.done @!p2 $0x0  }
0x6c: {  	[sflag:s12] =	ssyncadd.s32 @!p2 $0xFFFFF380  }
0x6d: {  	_ =	swait.ge @!p2 [sflag:s12], $0xC80  }
0x6e: {  	[sflag:s12] =	ssyncset.done @!p2 $0x0  }
0x6f: {  	[sflag:s12] =	ssyncadd.s32 @!p2 $0xFFFFF380  }
0x70: {  	_ =	swait.ge @!p2 [sflag:s12], $0xC80  }
0x71: {  	[sflag:s12] =	ssyncset.done @!p2 $0x0  }
0x72: {  	s17 =	simm.s32 $0xB540;
	[sflag:s12] =	ssyncadd.s32 @!p2 $0xFFFFF380  }
0x73: {  	s25 =	simm.s32 $0x0;
	v1 =	vld [tilespmem:s17+$0x0]  }
0x74: {  	v2 =	vld [tilespmem:s25+$0x5140]  }
0x75: {  	v3 =	vld [tilespmem:s25+$0x8340];
	_ =	sdelay $0x3  }
0x76: {  	v2 =	vadd.f32 v2, v1  }
0x77: {  	v4 =	vld [tilespmem:s25+$0x8350];
	v1 =	vadd.f32 v3, v1  }
0x78: {  	v3 =	vld [tilespmem:s25+$0x5150];
	[tilespmem:s25+$0xE740] =	vst v2  }
0x79: {  	s20 =	simm.s32 $0xCE40;
	[tilespmem:s25+$0x11940] =	vst v1  }
0x7a: {  	v1 =	vld [tilespmem:s20+$0x0];
	_ =	sdelay $0x2  }
0x7b: {  	v2 =	vadd.f32 v4, v3  }
0x7c: {  	s14 =	sshll.u32 s15, $0x1;
	s21 =	simm.s32 $0x14B40  }
0x7d: {  	s18 =	simm.s32 $0x14B40;
	s16 =	sadd.s32 s11, s14;
	s12 =	simm.s32 $0x80;
	v1 =	vadd.f32 v1, v2  }
.LBB2_5:
0x7e: {  	s21 =	sadd.s32 $0x10, s21  }
0x7f: {  	s20 =	sadd.s32 $0x10, s20;
	s17 =	sadd.s32 $0x10, s17;
	s19 =	smov.u32 s12  }
0x80: {  	p1 =	sne.s32 s12, $0x3180;
	s12 =	sadd.s32 $0x80, s12;
	[tilespmem:s18+$0x0] =	vst v1;
	s18 =	smov.u32 s21  }
0x81: {  	s19 =	sshra.s32 s19, $0x2;
	v1 =	vld [tilespmem:s17+$0x0]  }
0x82: {  	v2 =	vld [tilespmem:s19+$0x5140]  }
0x83: {  	v3 =	vld [tilespmem:s19+$0x8340];
	_ =	sdelay $0x3  }
0x84: {  	v2 =	vadd.f32 v2, v1;
	v4 =	vld [tilespmem:s19+$0x8350]  }
0x85: {  	v1 =	vadd.f32 v3, v1;
	v3 =	vld [tilespmem:s19+$0x5150]  }
0x86: {  	[tilespmem:s19+$0xE740] =	vst v2  }
0x87: {  	[tilespmem:s19+$0x11940] =	vst v1  }
0x88: {  	v1 =	vld [tilespmem:s20+$0x0]  }
.Ltmp1:
0x89: {  	(pc) =	sbr.rel @p1 .LBB2_5-.Ltmp1, $2  }
0x8a: {  	v2 =	vadd.f32 v4, v3;
	_ =	sdelay $0x2  }
0x8b: {  	v1 =	vadd.f32 v1, v2  }
0x8c: {  	_ = 	snop  }
0x8d: {  	s17 =	simm.s32 $0xBB80;
	[tilespmem:s18+$0x0] =	vst v1  }
0x8e: {  	s12 =	simm.s32 $0x0;
	v1 =	vld [tilespmem:s17+$0x0]  }
0x8f: {  	v2 =	vld [tilespmem:s12+$0x5DC0]  }
0x90: {  	v3 =	vld [tilespmem:s12+$0x8FC0];
	_ =	sdelay $0x3  }
0x91: {  	v2 =	vadd.f32 v2, v1  }
0x92: {  	v4 =	vld [tilespmem:s12+$0x8FD0];
	v1 =	vadd.f32 v3, v1  }
0x93: {  	v3 =	vld [tilespmem:s12+$0x5DD0];
	[tilespmem:s12+$0xF3C0] =	vst v2  }
0x94: {  	s20 =	simm.s32 $0xD480;
	[tilespmem:s12+$0x125C0] =	vst v1  }
0x95: {  	v1 =	vld [tilespmem:s20+$0x0];
	_ =	sdelay $0x2  }
0x96: {  	v2 =	vadd.f32 v4, v3;
	_ =	sdelay $0x1  }
0x97: {  	s21 =	simm.s32 $0x15180;
	s25 =	simm.s32 $0x80;
	s18 =	simm.s32 $0x15180;
	v1 =	vadd.f32 v1, v2  }
.LBB2_7:
0x98: {  	s21 =	sadd.s32 $0x10, s21  }
0x99: {  	s20 =	sadd.s32 $0x10, s20;
	s17 =	sadd.s32 $0x10, s17;
	s12 =	smov.u32 s25  }
0x9a: {  	p1 =	sne.s32 s25, $0x3180;
	s25 =	sadd.s32 $0x80, s25;
	[tilespmem:s18+$0x0] =	vst v1;
	s18 =	smov.u32 s21  }
0x9b: {  	s12 =	sshra.s32 s12, $0x2;
	v1 =	vld [tilespmem:s17+$0x0]  }
0x9c: {  	v2 =	vld [tilespmem:s12+$0x5DC0]  }
0x9d: {  	v3 =	vld [tilespmem:s12+$0x8FC0];
	_ =	sdelay $0x3  }
0x9e: {  	v2 =	vadd.f32 v2, v1;
	v4 =	vld [tilespmem:s12+$0x8FD0]  }
0x9f: {  	v1 =	vadd.f32 v3, v1;
	v3 =	vld [tilespmem:s12+$0x5DD0]  }
0xa0: {  	[tilespmem:s12+$0xF3C0] =	vst v2  }
0xa1: {  	[tilespmem:s12+$0x125C0] =	vst v1  }
0xa2: {  	v1 =	vld [tilespmem:s20+$0x0]  }
.Ltmp2:
0xa3: {  	(pc) =	sbr.rel @p1 .LBB2_7-.Ltmp2, $2  }
0xa4: {  	v2 =	vadd.f32 v4, v3;
	_ =	sdelay $0x2  }
0xa5: {  	v1 =	vadd.f32 v1, v2  }
0xa6: {  	s12 =	smul.u32 $0x190, s16;
	_ =	sdelay $0x1  }
0xa7: {  	s20 =	smul.u32 $0x1A0, s15;
	[tilespmem:s18+$0x0] =	vst v1;
	s12 =	sadd.s32 s8, s12  }
0xa8: {  	[hbm4b:s12+s3] =	stream.linear.scatter [tilespmem:s26], [sflag:$0x3], $0xC80, $0x38;
	[tilespmem:$0x1B260] =	vst v63  }
0xa9: {  	p1 =	seq.s32 s15, $0x18;
	s21 =	sadd.s32 $0x28A0, s20  }
0xaa: {  	[spmem:s2] =	stream.indirect.scatter.add.f32 [tilespmem:s28], [sflag:$0x4], $0x20, s21, s24, $0xb8;
	[tilespmem:$0x1B260] =	vst v63  }
0xab: {  	s12 =	sadd.s32 @!p1 $0x2, s14  }
0xac: {  	[spmem:s2] =	stream.indirect.scatter.add.f32 [tilespmem:s29], [sflag:$0x4], $0x20, s20, s24, $0xb8;
	[tilespmem:$0x1B260] =	vst v63  }
0xad: {  	s25 =	sadd.s32 $0x2908, s20;
	s17 =	sadd.s32 @!p1 s11, s12  }
0xae: {  	[spmem:s2] =	stream.indirect.scatter.add.f32 [tilespmem:s30], [sflag:$0x4], $0x20, s25, s24, $0xb8;
	[tilespmem:$0x1B260] =	vst v63  }
0xaf: {  	s16 =	sadd.s32 $0x68, s20;
	s17 =	smul.u32 @!p1 $0x190, s17  }
0xb0: {  	[spmem:s2] =	stream.indirect.scatter.add.f32 [tilespmem:s31], [sflag:$0x4], $0x20, s16, s24, $0xb8;
	[tilespmem:$0x1B260] =	vst v63  }
0xb1: {  	s18 =	simm.s32 @!p1 $0x0;
	s19 =	simm.s32 @!p1 $0xB540;
	s16 =	sadd.s32 @!p1 s5, s17  }
0xb2: {  	[tilespmem:s19], [sflag:$0x2] =	stream.linear.gather @!p1 [hbm4b:s16+s18], $0xC80, $0x38;
	[tilespmem:$0x1B260] =	vst v63  }
0xb3: {  	s12 =	smul.u32 @!p1 $0xD0, s12;
	s16 =	sadd.s32 @!p1 s6, s17;
	s17 =	simm.s32 @!p1 $0xCE40  }
0xb4: {  	[tilespmem:s17], [sflag:$0x2] =	stream.linear.gather @!p1 [hbm4b:s16+s18], $0xC80, $0x38;
	[tilespmem:$0x1B260] =	vst v63  }
0xb5: {  	s16 =	simm.s32 @!p1 $0x64;
	s17 =	simm.s32 @!p1 $0x5140  }
0xb6: {  	[tilespmem:s17], [sflag:$0x1] =	stream.indirect.gather @!p1 [hbm4b:s4+s16], $0x20, s12, s16, $0xb8;
	[tilespmem:$0x1B260] =	vst v63  }
0xb7: {  	s18 =	simm.s32 @!p1 $0x8340;
	s17 =	sadd.s32 @!p1 $0x28A0, s12  }
0xb8: {  	[tilespmem:s18], [sflag:$0x1] =	stream.indirect.gather @!p1 [hbm4b:s4+s16], $0x20, s17, s16, $0xb8;
	[tilespmem:$0x1B260] =	vst v63  }
0xb9: {  	s17 =	sadd.s32 @!p1 $0x68, s12;
	s18 =	simm.s32 @!p1 $0x5DC0  }
0xba: {  	[tilespmem:s18], [sflag:$0x1] =	stream.indirect.gather @!p1 [hbm4b:s4+s16], $0x20, s17, s16, $0xb8;
	[tilespmem:$0x1B260] =	vst v63  }
0xbb: {  	s12 =	sadd.s32 @!p1 $0x2908, s12;
	s17 =	simm.s32 @!p1 $0x8FC0  }
0xbc: {  	[tilespmem:s17], [sflag:$0x1] =	stream.indirect.gather @!p1 [hbm4b:s4+s16], $0x20, s12, s16, $0xb8;
	[tilespmem:$0x1B260] =	vst v63  }
0xbd: {  	_ =	swait.ge [sflag:s22], $0xC80  }
0xbe: {  	[sflag:s22] =	ssyncset.done $0x0  }
0xbf: {  	[sflag:s22] =	ssyncadd.s32 $0xFFFFF380  }
0xc0: {  	_ =	swait.ge [sflag:s22], $0xC80  }
0xc1: {  	[sflag:s22] =	ssyncset.done $0x0  }
0xc2: {  	[sflag:s22] =	ssyncadd.s32 $0xFFFFF380  }
0xc3: {  	_ =	swait.ge [sflag:s23], $0xC80  }
0xc4: {  	[sflag:s23] =	ssyncset.done $0x0  }
0xc5: {  	[sflag:s23] =	ssyncadd.s32 $0xFFFFF380  }
0xc6: {  	_ =	swait.ge [sflag:s23], $0xC80  }
0xc7: {  	[sflag:s23] =	ssyncset.done $0x0  }
0xc8: {  	[sflag:s23] =	ssyncadd.s32 $0xFFFFF380  }
0xc9: {  	_ =	swait.ge [sflag:s23], $0xC80  }
0xca: {  	[sflag:s23] =	ssyncset.done $0x0  }
0xcb: {  	[sflag:s23] =	ssyncadd.s32 $0xFFFFF380  }
0xcc: {  	_ =	swait.ge [sflag:s23], $0xC80  }
0xcd: {  	[sflag:s23] =	ssyncset.done $0x0  }
0xce: {  	s12 =	simm.s32 @!p2 $0x3;
	[sflag:s23] =	ssyncadd.s32 $0xFFFFF380  }
0xcf: {  	_ =	swait.ge @!p2 [sflag:s12], $0xC80  }
0xd0: {  	[sflag:s12] =	ssyncset.done @!p2 $0x0  }
0xd1: {  	[sflag:s12] =	ssyncadd.s32 @!p2 $0xFFFFF380;
	s12 =	simm.s32 @!p2 $0x4  }
0xd2: {  	_ =	swait.ge @!p2 [sflag:s12], $0xC80  }
0xd3: {  	[sflag:s12] =	ssyncset.done @!p2 $0x0  }
0xd4: {  	[sflag:s12] =	ssyncadd.s32 @!p2 $0xFFFFF380  }
0xd5: {  	_ =	swait.ge @!p2 [sflag:s12], $0xC80  }
0xd6: {  	[sflag:s12] =	ssyncset.done @!p2 $0x0  }
0xd7: {  	[sflag:s12] =	ssyncadd.s32 @!p2 $0xFFFFF380  }
0xd8: {  	_ =	swait.ge @!p2 [sflag:s12], $0xC80  }
0xd9: {  	[sflag:s12] =	ssyncset.done @!p2 $0x0  }
0xda: {  	[sflag:s12] =	ssyncadd.s32 @!p2 $0xFFFFF380  }
0xdb: {  	_ =	swait.ge @!p2 [sflag:s12], $0xC80  }
0xdc: {  	[sflag:s12] =	ssyncset.done @!p2 $0x0  }
0xdd: {  	s25 =	simm.s32 $0xC1C0;
	[sflag:s12] =	ssyncadd.s32 @!p2 $0xFFFFF380  }
0xde: {  	s21 =	simm.s32 $0x0;
	v1 =	vld [tilespmem:s25+$0x0]  }
0xdf: {  	v2 =	vld [tilespmem:s21+$0x6A40]  }
0xe0: {  	v3 =	vld [tilespmem:s21+$0x9C40];
	_ =	sdelay $0x3  }
0xe1: {  	v2 =	vadd.f32 v2, v1  }
0xe2: {  	v4 =	vld [tilespmem:s21+$0x9C50];
	v1 =	vadd.f32 v3, v1  }
0xe3: {  	v3 =	vld [tilespmem:s21+$0x6A50];
	[tilespmem:s21+$0x10040] =	vst v2  }
0xe4: {  	s20 =	simm.s32 $0xDAC0;
	[tilespmem:s21+$0x13240] =	vst v1  }
0xe5: {  	v1 =	vld [tilespmem:s20+$0x0];
	_ =	sdelay $0x2  }
0xe6: {  	v2 =	vadd.f32 v4, v3  }
0xe7: {  	s15 =	sadd.s32 $0x1, s15;
	s19 =	simm.s32 $0x157C0;
	s16 =	sor.u32 $0x1, s14  }
0xe8: {  	s18 =	simm.s32 $0x157C0;
	s17 =	sadd.s32 s11, s16;
	s12 =	simm.s32 $0x80;
	v1 =	vadd.f32 v1, v2  }
.LBB2_9:
0xe9: {  	s18 =	sadd.s32 $0x10, s18  }
0xea: {  	s20 =	sadd.s32 $0x10, s20;
	s25 =	sadd.s32 $0x10, s25;
	s13 =	smov.u32 s12  }
0xeb: {  	p2 =	sne.s32 s12, $0x3180;
	s12 =	sadd.s32 $0x80, s12;
	[tilespmem:s19+$0x0] =	vst v1;
	s19 =	smov.u32 s18  }
0xec: {  	s13 =	sshra.s32 s13, $0x2;
	v1 =	vld [tilespmem:s25+$0x0]  }
0xed: {  	v2 =	vld [tilespmem:s13+$0x6A40]  }
0xee: {  	v3 =	vld [tilespmem:s13+$0x9C40];
	_ =	sdelay $0x3  }
0xef: {  	v2 =	vadd.f32 v2, v1;
	v4 =	vld [tilespmem:s13+$0x9C50]  }
0xf0: {  	v1 =	vadd.f32 v3, v1;
	v3 =	vld [tilespmem:s13+$0x6A50]  }
0xf1: {  	[tilespmem:s13+$0x10040] =	vst v2  }
0xf2: {  	[tilespmem:s13+$0x13240] =	vst v1  }
0xf3: {  	v1 =	vld [tilespmem:s20+$0x0]  }
.Ltmp3:
0xf4: {  	(pc) =	sbr.rel @p2 .LBB2_9-.Ltmp3, $2  }
0xf5: {  	v2 =	vadd.f32 v4, v3;
	_ =	sdelay $0x2  }
0xf6: {  	v1 =	vadd.f32 v1, v2  }
0xf7: {  	_ = 	snop  }
0xf8: {  	s25 =	simm.s32 $0xC800;
	[tilespmem:s19+$0x0] =	vst v1  }
0xf9: {  	v1 =	vld [tilespmem:s25+$0x0]  }
0xfa: {  	v2 =	vld [tilespmem:s21+$0x76C0]  }
0xfb: {  	v3 =	vld [tilespmem:s21+$0xA8C0];
	_ =	sdelay $0x3  }
0xfc: {  	v2 =	vadd.f32 v2, v1  }
0xfd: {  	v4 =	vld [tilespmem:s21+$0xA8D0];
	v1 =	vadd.f32 v3, v1  }
0xfe: {  	v3 =	vld [tilespmem:s21+$0x76D0];
	[tilespmem:s21+$0x10CC0] =	vst v2  }
0xff: {  	s20 =	simm.s32 $0xE100;
	[tilespmem:s21+$0x13EC0] =	vst v1  }
0x100: {  	v1 =	vld [tilespmem:s20+$0x0];
	_ =	sdelay $0x2  }
0x101: {  	v2 =	vadd.f32 v4, v3;
	_ =	sdelay $0x1  }
0x102: {  	s18 =	simm.s32 $0x80;
	s12 =	simm.s32 $0x15E00;
	s21 =	simm.s32 $0x15E00;
	v1 =	vadd.f32 v1, v2  }
.LBB2_11:
0x103: {  	s21 =	sadd.s32 $0x10, s21  }
0x104: {  	s20 =	sadd.s32 $0x10, s20;
	s25 =	sadd.s32 $0x10, s25;
	s13 =	smov.u32 s18  }
0x105: {  	p2 =	sne.s32 s18, $0x3180;
	s18 =	sadd.s32 $0x80, s18;
	[tilespmem:s12+$0x0] =	vst v1;
	s12 =	smov.u32 s21  }
0x106: {  	s13 =	sshra.s32 s13, $0x2;
	v1 =	vld [tilespmem:s25+$0x0]  }
0x107: {  	v2 =	vld [tilespmem:s13+$0x76C0]  }
0x108: {  	v3 =	vld [tilespmem:s13+$0xA8C0];
	_ =	sdelay $0x3  }
0x109: {  	v2 =	vadd.f32 v2, v1;
	v4 =	vld [tilespmem:s13+$0xA8D0]  }
0x10a: {  	v1 =	vadd.f32 v3, v1;
	v3 =	vld [tilespmem:s13+$0x76D0]  }
0x10b: {  	[tilespmem:s13+$0x10CC0] =	vst v2  }
0x10c: {  	[tilespmem:s13+$0x13EC0] =	vst v1  }
0x10d: {  	v1 =	vld [tilespmem:s20+$0x0]  }
.Ltmp4:
0x10e: {  	(pc) =	sbr.rel @p2 .LBB2_11-.Ltmp4, $2  }
0x10f: {  	v2 =	vadd.f32 v4, v3;
	_ =	sdelay $0x2  }
0x110: {  	v1 =	vadd.f32 v1, v2  }
0x111: {  	s13 =	smul.u32 $0x190, s17;
	_ =	sdelay $0x1  }
0x112: {  	s20 =	smul.u32 $0xD0, s16;
	[tilespmem:s12+$0x0] =	vst v1;
	s19 =	sadd.s32 s8, s13  }
0x113: {  	[hbm4b:s19+s3] =	stream.linear.scatter [tilespmem:s1], [sflag:$0x3], $0xC80, $0x38;
	[tilespmem:$0x1B260] =	vst v63  }
0x114: {  	s21 =	sadd.s32 $0x28A0, s20  }
0x115: {  	[spmem:s2] =	stream.indirect.scatter.add.f32 [tilespmem:s0], [sflag:$0x4], $0x20, s21, s24, $0xb8;
	[tilespmem:$0x1B260] =	vst v63  }
0x116: {  	s12 =	sadd.s32 @!p1 $0x3, s14  }
0x117: {  	[spmem:s2] =	stream.indirect.scatter.add.f32 [tilespmem:s7], [sflag:$0x4], $0x20, s20, s24, $0xb8;
	[tilespmem:$0x1B260] =	vst v63  }
0x118: {  	s25 =	sadd.s32 $0x2908, s20;
	s14 =	sadd.s32 @!p1 s11, s12  }
0x119: {  	[spmem:s2] =	stream.indirect.scatter.add.f32 [tilespmem:s9], [sflag:$0x4], $0x20, s25, s24, $0xb8;
	[tilespmem:$0x1B260] =	vst v63  }
0x11a: {  	s13 =	sadd.s32 $0x68, s20;
	s14 =	smul.u32 @!p1 $0x190, s14  }
0x11b: {  	[spmem:s2] =	stream.indirect.scatter.add.f32 [tilespmem:s10], [sflag:$0x4], $0x20, s13, s24, $0xb8;
	[tilespmem:$0x1B260] =	vst v63  }
0x11c: {  	s16 =	simm.s32 @!p1 $0x0;
	s17 =	simm.s32 @!p1 $0xC1C0;
	s13 =	sadd.s32 @!p1 s5, s14  }
0x11d: {  	[tilespmem:s17], [sflag:$0x2] =	stream.linear.gather @!p1 [hbm4b:s13+s16], $0xC80, $0x38;
	[tilespmem:$0x1B260] =	vst v63  }
0x11e: {  	s12 =	smul.u32 @!p1 $0xD0, s12;
	s13 =	sadd.s32 @!p1 s6, s14;
	s14 =	simm.s32 @!p1 $0xDAC0  }
0x11f: {  	[tilespmem:s14], [sflag:$0x2] =	stream.linear.gather @!p1 [hbm4b:s13+s16], $0xC80, $0x38;
	[tilespmem:$0x1B260] =	vst v63  }
0x120: {  	s13 =	simm.s32 @!p1 $0x64;
	s14 =	simm.s32 @!p1 $0x6A40  }
0x121: {  	[tilespmem:s14], [sflag:$0x1] =	stream.indirect.gather @!p1 [hbm4b:s4+s13], $0x20, s12, s13, $0xb8;
	[tilespmem:$0x1B260] =	vst v63  }
0x122: {  	s16 =	simm.s32 @!p1 $0x9C40;
	s14 =	sadd.s32 @!p1 $0x28A0, s12  }
0x123: {  	[tilespmem:s16], [sflag:$0x1] =	stream.indirect.gather @!p1 [hbm4b:s4+s13], $0x20, s14, s13, $0xb8;
	[tilespmem:$0x1B260] =	vst v63  }
0x124: {  	s14 =	sadd.s32 @!p1 $0x68, s12;
	s16 =	simm.s32 @!p1 $0x76C0  }
0x125: {  	[tilespmem:s16], [sflag:$0x1] =	stream.indirect.gather @!p1 [hbm4b:s4+s13], $0x20, s14, s13, $0xb8;
	[tilespmem:$0x1B260] =	vst v63  }
0x126: {  	p2 =	sne.s32 @!p1 s15, $0x19;
	s12 =	sadd.s32 @!p1 $0x2908, s12;
	s14 =	simm.s32 @!p1 $0xA8C0  }
0x127: {  	[tilespmem:s14], [sflag:$0x1] =	stream.indirect.gather @!p1 [hbm4b:s4+s13], $0x20, s12, s13, $0xb8;
	[tilespmem:$0x1B260] =	vst v63  }
0x128: {  	p1 =	por p1, !p2  }
.Ltmp5:
0x129: {  	_ = 	snop;
	(pc) =	sbr.rel @!p1 .LBB2_4-.Ltmp5, $1  }
0x12a: {  	_ =	sdelay $0x3  }
0x12b: {  	s12 =	simm.s32 $0x3  }
0x12c: {  	_ =	swait.ge [sflag:s12], $0xC80  }
0x12d: {  	[sflag:s12] =	ssyncset.done $0x0  }
0x12e: {  	s13 =	simm.s32 $0x4;
	[sflag:s12] =	ssyncadd.s32 $0xFFFFF380  }
0x12f: {  	_ =	swait.ge [sflag:s13], $0xC80  }
0x130: {  	[sflag:s13] =	ssyncset.done $0x0  }
0x131: {  	[sflag:s13] =	ssyncadd.s32 $0xFFFFF380  }
0x132: {  	_ =	swait.ge [sflag:s13], $0xC80  }
0x133: {  	[sflag:s13] =	ssyncset.done $0x0  }
0x134: {  	[sflag:s13] =	ssyncadd.s32 $0xFFFFF380  }
0x135: {  	_ =	swait.ge [sflag:s13], $0xC80  }
0x136: {  	[sflag:s13] =	ssyncset.done $0x0  }
0x137: {  	[sflag:s13] =	ssyncadd.s32 $0xFFFFF380  }
0x138: {  	_ =	swait.ge [sflag:s13], $0xC80  }
0x139: {  	[sflag:s13] =	ssyncset.done $0x0  }
0x13a: {  	[sflag:s13] =	ssyncadd.s32 $0xFFFFF380  }
0x13b: {  	_ =	swait.ge [sflag:s12], $0xC80  }
0x13c: {  	[sflag:s12] =	ssyncset.done $0x0  }
0x13d: {  	[sflag:s12] =	ssyncadd.s32 $0xFFFFF380  }
0x13e: {  	_ =	swait.ge [sflag:s13], $0xC80  }
0x13f: {  	[sflag:s13] =	ssyncset.done $0x0  }
0x140: {  	[sflag:s13] =	ssyncadd.s32 $0xFFFFF380  }
0x141: {  	_ =	swait.ge [sflag:s13], $0xC80  }
0x142: {  	[sflag:s13] =	ssyncset.done $0x0  }
0x143: {  	[sflag:s13] =	ssyncadd.s32 $0xFFFFF380  }
0x144: {  	_ =	swait.ge [sflag:s13], $0xC80  }
0x145: {  	[sflag:s13] =	ssyncset.done $0x0  }
0x146: {  	[sflag:s13] =	ssyncadd.s32 $0xFFFFF380  }
0x147: {  	_ =	swait.ge [sflag:s13], $0xC80  }
0x148: {  	[sflag:s13] =	ssyncset.done $0x0  }
0x149: {  	[sflag:s13] =	ssyncadd.s32 $0xFFFFF380  }
0x14a: {  	[bflag:$0x0] =	sbarrier.arrive $0xFFFF  }
0x14b: {  	s12 =	rddreg [dreg:$0xa]  }
0x14c: {  	s14 =	rddreg [dreg:$0xc]  }
0x14d: {  	s13 =	rddreg [dreg:$0xe]  }
0x14e: {  	[hbm:s12], [sflag:s14] =	dma.local @!p0 [spmem:s13], $0xFA0  }
0x14f: {  	s12 =	simm.s32 @!p0 $0x5  }
0x150: {  	_ =	swait.ge @!p0 [sflag:s12], $0xFA0  }
0x151: {  	s15 =	rddreg [dreg:$0xf]  }
0x152: {  	s25 =	rddreg [dreg:$0xb];
	s15 =	sadd.s32 $0x1, s15  }
0x153: {  	p1 =	sne.s32 s15, s25  }
.Ltmp6:
0x154: {  	_ = 	snop;
	(pc) =	sbr.rel @p1 .LBB2_1-.Ltmp6, $3  }
0x155: {  	_ =	sdelay $0x1  }
0x156: {  	[sflag:s12] =	ssyncset.done @!p0 $0x0  }
0x157: {  	s16 =	simm.s32 $0x28A0;
	[sflag:s12] =	ssyncadd.s32 @!p0 $0xFFFFF060  }
0x158: {  	_ =	sfence.sel $0x180000  }
0x159: {  	[bflag:$0x0] =	sbarrier.arrive $0xFFFF  }
0x15a: {  	_ =	strace $0x90000047  }
0x15b: {  	s0 =	stileid.u32;
	[bflag:$0x2] =	sbarrier.arrive $0xFFFF  }
0x15c: {  	p0 =	sne.s32 s0, $0x0;
	s0 =	rddreg [dreg:$0x2]  }
0x15d: {  	s0 =	sadd.s32 @!p0 $0x100000, s0  }
0x15e: {  	[sflag:s0] =	ssyncadd.tile.s32 @!p0 $0x1;
	_ =	shalt  }
.Lfunc_end2:
_tile_overlayer_lowered:
.L_overlay_start_2:
0x15f: {  	(tag) =	ssettag $0x2  }
0x160: {  	s0 =	rddreg [dreg:$0x0];
	s2 =	stileid.u32  }
0x161: {  	s1 =	rddreg [dreg:$0x1];
	p0 =	sne.s32 s2, $0x0  }
0x162: {  	s3 =	rddreg [dreg:$0x2];
	[bflag:$0x3] =	sbarrier.arrive $0xFFFF;
	s2 =	simm.s32 @!p0 $0x1C05  }
0x163: {  	[timem:s3], [sflag:s2] =	dma.local @!p0 [hbm:s0], s1  }
0x164: {  	s0 =	simm.s32 @!p0 $0x5  }
0x165: {  	_ =	swait.ge @!p0 [sflag:s0], s1  }
0x166: {  	s1 =	ssub.s32 @!p0 $0x0, s1;
	[sflag:s0] =	ssyncset.done @!p0 $0x0  }
0x167: {  	[sflag:s0] =	ssyncadd.s32 @!p0 s1  }
0x168: {  	[bflag:$0x3] =	sbarrier.arrive $0xFFFF  }
0x169: {  	_ =	shalt  }

</sc_bundles>
